<compile_context>
chip_gen: v7x
topology: tpu7x:2x2x1
jax: 0.10.2.dev20260603
libtpu: 0.0.44.dev20260713+nightly
codegen_flags: <defaults>
</compile_context>

<pallas_src>
import functools

import jax
import jax.numpy as jnp
from jax import lax
from jax.experimental import pallas as pl
from jax.experimental.pallas import tpu as pltpu
from jax.experimental.pallas import tpu_sc as plsc

N = 10000
E = 320000
NUM_GRAPHS = 256
NUM_ELEMENTS = 100
NUM_OXIDATIONS = 16
NUM_GEOMETRIES = 64
F = 256
FH = 128
NP = 10112
R = 1000
G = N // R
CIN = 184


def _elu(x):
    return jnp.where(x > 0, x, jnp.exp(jnp.minimum(x, 0.0)) - 1.0)


def _mat1_body(elem_ref, ox_ref, geo_ref, ang_ref, deg_ref, w_ref,
               dinv_ref, h0_ref, h1_ref):
    cls = lax.broadcasted_iota(jnp.int32, (1, CIN), 1)
    oh = ((elem_ref[0] == cls).astype(jnp.float32)
          + (ox_ref[0] + NUM_ELEMENTS == cls).astype(jnp.float32)
          + (geo_ref[0] + NUM_ELEMENTS + NUM_OXIDATIONS == cls).astype(jnp.float32))
    a0 = ang_ref[:, 0:1] * (cls == 180).astype(jnp.float32)
    a1 = ang_ref[:, 1:2] * (cls == 181).astype(jnp.float32)
    x_in = oh + a0 + a1
    deg = deg_ref[0][:, 0:1] + deg_ref[1][:, 0:1]
    dinv = lax.rsqrt(deg)
    h = jnp.dot(x_in, w_ref[...], preferred_element_type=jnp.float32) * dinv
    dinv_ref[...] = jnp.broadcast_to(dinv, (R, 8))
    h0_ref[...] = h[:, :FH]
    h1_ref[...] = h[:, FH:]


def _mat1(elem3, ox3, geo3, angles, deg2, w1eff):
    return pl.pallas_call(
        _mat1_body,
        grid=(G,),
        in_specs=[
            pl.BlockSpec((1, R, 1), lambda i: (i, 0, 0)),
            pl.BlockSpec((1, R, 1), lambda i: (i, 0, 0)),
            pl.BlockSpec((1, R, 1), lambda i: (i, 0, 0)),
            pl.BlockSpec((R, 2), lambda i: (i, 0)),
            pl.BlockSpec((2, R, 16), lambda i: (0, i, 0)),
            pl.BlockSpec((CIN, F), lambda i: (0, 0)),
        ],
        out_specs=[
            pl.BlockSpec((R, 8), lambda i: (i, 0)),
            pl.BlockSpec((R, FH), lambda i: (i, 0)),
            pl.BlockSpec((R, FH), lambda i: (i, 0)),
        ],
        out_shape=[
            jax.ShapeDtypeStruct((N, 8), jnp.float32),
            jax.ShapeDtypeStruct((N, FH), jnp.float32),
            jax.ShapeDtypeStruct((N, FH), jnp.float32),
        ],
    )(elem3, ox3, geo3, angles, deg2, w1eff)


def _mat2_body(acc_ref, dinv_ref, b_ref, w_ref, h0_ref, h1_ref):
    xcat = jnp.concatenate([acc_ref[0], acc_ref[1]], axis=1)
    dinv = dinv_ref[:, 0:1]
    x = _elu(xcat * dinv + b_ref[...])
    h = jnp.dot(x, w_ref[...], preferred_element_type=jnp.float32) * dinv
    h0_ref[...] = h[:, :FH]
    h1_ref[...] = h[:, FH:]


def _mat2(acc2, dinv8, bprev, w):
    return pl.pallas_call(
        _mat2_body,
        grid=(G,),
        in_specs=[
            pl.BlockSpec((2, R, FH), lambda i: (0, i, 0)),
            pl.BlockSpec((R, 8), lambda i: (i, 0)),
            pl.BlockSpec((1, F), lambda i: (0, 0)),
            pl.BlockSpec((F, F), lambda i: (0, 0)),
        ],
        out_specs=[
            pl.BlockSpec((R, FH), lambda i: (i, 0)),
            pl.BlockSpec((R, FH), lambda i: (i, 0)),
        ],
        out_shape=[
            jax.ShapeDtypeStruct((N, FH), jnp.float32),
            jax.ShapeDtypeStruct((N, FH), jnp.float32),
        ],
    )(acc2, dinv8, bprev, w)


def _head_body(acc_ref, dinv_ref, b3_ref, batch_ref, dw1_ref, db1_ref,
               dw2_ref, db2_ref, dw3_ref, db3_ref, out_ref, sums_ref, cnt_ref):
    i = pl.program_id(0)
    xcat = jnp.concatenate([acc_ref[0], acc_ref[1]], axis=1)
    x3 = _elu(xcat * dinv_ref[:, 0:1] + b3_ref[...])
    gcls = lax.broadcasted_iota(jnp.int32, (1, NUM_GRAPHS), 1)
    oh = (batch_ref[0] == gcls).astype(jnp.float32)
    dn = (((0,), (0,)), ((), ()))
    s = lax.dot_general(oh, x3, dn, preferred_element_type=jnp.float32)
    c = lax.dot_general(oh, jnp.ones((R, 8), jnp.float32), dn,
                        preferred_element_type=jnp.float32)

    @pl.when(i == 0)
    def _():
        sums_ref[...] = s
        cnt_ref[...] = c

    @pl.when(i > 0)
    def _():
        sums_ref[...] += s
        cnt_ref[...] += c

    @pl.when(i == G - 1)
    def _():
        pooled = sums_ref[...] / jnp.maximum(cnt_ref[:, 0:1], 1.0)
        h1 = _elu(jnp.dot(pooled, dw1_ref[...],
                          preferred_element_type=jnp.float32) + db1_ref[...])
        h2 = _elu(jnp.dot(h1, dw2_ref[...],
                          preferred_element_type=jnp.float32) + db2_ref[...])
        out_ref[...] = jnp.dot(h2, dw3_ref[...],
                               preferred_element_type=jnp.float32) + db3_ref[...]


def _head(acc2, dinv8, b3, batch3, dw1, db1, dw2, db2, dw3p, db3p):
    return pl.pallas_call(
        _head_body,
        grid=(G,),
        in_specs=[
            pl.BlockSpec((2, R, FH), lambda i: (0, i, 0)),
            pl.BlockSpec((R, 8), lambda i: (i, 0)),
            pl.BlockSpec((1, F), lambda i: (0, 0)),
            pl.BlockSpec((1, R, 1), lambda i: (i, 0, 0)),
            pl.BlockSpec((F, 512), lambda i: (0, 0)),
            pl.BlockSpec((1, 512), lambda i: (0, 0)),
            pl.BlockSpec((512, 128), lambda i: (0, 0)),
            pl.BlockSpec((1, 128), lambda i: (0, 0)),
            pl.BlockSpec((128, 8), lambda i: (0, 0)),
            pl.BlockSpec((1, 8), lambda i: (0, 0)),
        ],
        out_specs=pl.BlockSpec((NUM_GRAPHS, 8), lambda i: (0, 0)),
        out_shape=jax.ShapeDtypeStruct((NUM_GRAPHS, 8), jnp.float32),
        scratch_shapes=[
            pltpu.VMEM((NUM_GRAPHS, F), jnp.float32),
            pltpu.VMEM((NUM_GRAPHS, 8), jnp.float32),
        ],
    )(acc2, dinv8, b3, batch3, dw1, db1, dw2, db2, dw3p, db3p)


EP = 331776
CH = 128
TE = EP // 16
KE = TE // CH
KD = 84
EPD = 32 * KD * CH
RT = NP // 16
_SC_MESH = dict(core_axis_name="c", subcore_axis_name="s")


@functools.partial(
    pl.kernel,
    mesh=plsc.VectorSubcoreMesh(**_SC_MESH),
    out_type=jax.ShapeDtypeStruct((2, NP, 16), jnp.float32),
    scratch_types=[
        pltpu.VMEM_SHARED((NP, 16), jnp.float32),
        pltpu.VMEM((RT, 16), jnp.float32),
        pltpu.VMEM((CH, 16), jnp.float32),
        pltpu.VMEM((CH,), jnp.int32),
        pltpu.VMEM((CH,), jnp.int32),
        pltpu.VMEM((CH,), jnp.int32),
        pltpu.SemaphoreType.DMA,
        pltpu.SemaphoreType.DMA,
        pltpu.SemaphoreType.DMA,
        pltpu.SemaphoreType.DMA,
        pltpu.SemaphoreType.DMA,
        pltpu.SemaphoreType.DMA,
    ],
)
def _deg_kernel(dst_hbm, out_hbm, acc_sh, zbuf, ones,
                didx0, didx1, didx2, dsem0, dsem1, dsem2,
                ssem0, ssem1, ssem2):
    c = lax.axis_index("c")
    s = lax.axis_index("s")
    didx = (didx0, didx1, didx2)
    dsem = (dsem0, dsem1, dsem2)
    ssem = (ssem0, ssem1, ssem2)

    def zrow(j, _):
        zbuf[j, :] = jnp.zeros((16,), jnp.float32)
        return 0
    lax.fori_loop(0, RT, zrow, 0)
    pltpu.sync_copy(zbuf, acc_sh.at[pl.ds(s * RT, RT)])

    def orow(j, _):
        ones[j, :] = jnp.full((16,), 1.0, jnp.float32)
        return 0
    lax.fori_loop(0, CH, orow, 0)
    plsc.subcore_barrier()

    wb = (c * 16 + s) * KD

    def dfetch(p, k):
        pltpu.async_copy(dst_hbm.at[pl.ds((wb + k) * CH, CH)], didx[p],
                         dsem[p])

    def dwait(p):
        pltpu.make_async_copy(dst_hbm.at[pl.ds(wb * CH, CH)], didx[p],
                              dsem[p]).wait()

    def swait(p):
        pltpu.make_async_copy(ones, acc_sh.at[didx[p]], ssem[p]).wait()

    dfetch(0, 0)
    dfetch(1, 1)

    def group(g, _):
        for t in range(3):
            k3 = 3 * g + t
            pn = (t + 2) % 3
            dwait(t)
            pltpu.async_copy(ones, acc_sh.at[didx[t]], ssem[t], add=True)
            if t == 0:
                @pl.when(g > 0)
                def _():
                    swait(pn)
            else:
                swait(pn)
            dfetch(pn, k3 + 2)
        return 0
    lax.fori_loop(0, KD // 3, group, 0)
    swait(2)
    dwait(0)
    dwait(1)
    plsc.subcore_barrier()
    pltpu.sync_copy(acc_sh.at[pl.ds(s * RT, RT)],
                    out_hbm.at[c, pl.ds(s * RT, RT)])


def _deg_pass(src_pad, dst_pad):
    return _deg_kernel(dst_pad)


@functools.partial(
    pl.kernel,
    mesh=plsc.VectorSubcoreMesh(**_SC_MESH),
    out_type=jax.ShapeDtypeStruct((2, NP, FH), jnp.float32),
    scratch_types=[
        pltpu.VMEM_SHARED((NP, FH), jnp.float32),
        pltpu.VMEM((CH, FH), jnp.float32),
        pltpu.VMEM((CH, FH), jnp.float32),
        pltpu.VMEM((CH, FH), jnp.float32),
        pltpu.VMEM((CH,), jnp.int32),
        pltpu.VMEM((CH,), jnp.int32),
        pltpu.VMEM((CH,), jnp.int32),
        pltpu.VMEM((CH,), jnp.int32),
        pltpu.VMEM((CH,), jnp.int32),
        pltpu.VMEM((CH,), jnp.int32),
        pltpu.SemaphoreType.DMA,
        pltpu.SemaphoreType.DMA,
        pltpu.SemaphoreType.DMA,
        pltpu.SemaphoreType.DMA,
        pltpu.SemaphoreType.DMA,
        pltpu.SemaphoreType.DMA,
        pltpu.SemaphoreType.DMA,
        pltpu.SemaphoreType.DMA,
        pltpu.SemaphoreType.DMA,
        pltpu.SemaphoreType.DMA,
        pltpu.SemaphoreType.DMA,
        pltpu.SemaphoreType.DMA,
    ],
)
def _edge_kernel(h0_hbm, h1_hbm, src_hbm, dst_hbm, zero_hbm, out_hbm,
                 acc_sh, rows0, rows1, rows2,
                 sidx0, sidx1, sidx2, didx0, didx1, didx2,
                 gsem0, gsem1, gsem2, ssem0, ssem1, ssem2,
                 isem0, isem1, isem2, dsem0, dsem1, dsem2):
    c = lax.axis_index("c")
    s = lax.axis_index("s")
    rows = (rows0, rows1, rows2)
    sidx = (sidx0, sidx1, sidx2)
    didx = (didx0, didx1, didx2)
    gsem = (gsem0, gsem1, gsem2)
    ssem = (ssem0, ssem1, ssem2)
    isem = (isem0, isem1, isem2)
    dsem = (dsem0, dsem1, dsem2)

    pltpu.sync_copy(zero_hbm.at[pl.ds(s * RT, RT)],
                    acc_sh.at[pl.ds(s * RT, RT)])
    plsc.subcore_barrier()

    tb = s * TE

    def sfetch(p, k):
        pltpu.async_copy(src_hbm.at[pl.ds(tb + k * CH, CH)], sidx[p], isem[p])

    def dfetch(p, k):
        pltpu.async_copy(dst_hbm.at[pl.ds(tb + k * CH, CH)], didx[p], dsem[p])

    def iwait(p):
        pltpu.make_async_copy(src_hbm.at[pl.ds(tb, CH)], sidx[p],
                              isem[p]).wait()

    def dwait(p):
        pltpu.make_async_copy(dst_hbm.at[pl.ds(tb, CH)], didx[p],
                              dsem[p]).wait()

    def gath(p):
        @pl.when(c == 0)
        def _():
            pltpu.async_copy(h0_hbm.at[sidx[p]], rows[p], gsem[p])

        @pl.when(c == 1)
        def _():
            pltpu.async_copy(h1_hbm.at[sidx[p]], rows[p], gsem[p])

    def gwait(p):
        pltpu.make_async_copy(h0_hbm.at[sidx[p]], rows[p], gsem[p]).wait()

    def swait(p):
        pltpu.make_async_copy(rows[p], acc_sh.at[didx[p]], ssem[p]).wait()

    sfetch(0, 0)
    sfetch(1, 1)
    sfetch(2, 2)
    dfetch(0, 0)
    dfetch(1, 1)
    iwait(0)
    gath(0)
    iwait(1)
    gath(1)

    def group(g, _):
        for t in range(3):
            k3 = 3 * g + t
            pn = (t + 2) % 3
            gwait(t)
            sfetch(t, k3 + 3)
            dwait(t)
            pltpu.async_copy(rows[t], acc_sh.at[didx[t]], ssem[t], add=True)
            if t == 0:
                @pl.when(g > 0)
                def _():
                    swait(pn)
            else:
                swait(pn)
            dfetch(pn, k3 + 2)
            iwait(pn)
            gath(pn)
        return 0
    lax.fori_loop(0, KE // 3, group, 0)
    gwait(0)
    gwait(1)
    swait(2)
    iwait(2)
    dwait(0)
    dwait(1)
    plsc.subcore_barrier()
    pltpu.sync_copy(acc_sh.at[pl.ds(s * RT, RT)],
                    out_hbm.at[c, pl.ds(s * RT, RT)])


def _edge_pass(h0, h1, src_pad, dst_pad, zeros_np):
    return _edge_kernel(h0, h1, src_pad, dst_pad, zeros_np)


def kernel(elements, oxidations, geometries, angles, edge_index, batch,
           emb_elem, emb_ox, emb_geo,
           gcn_w1, gcn_b1, gcn_w2, gcn_b2, gcn_w3, gcn_b3,
           dense_w1, dense_b1, dense_w2, dense_b2, dense_w3, dense_b3):
    elem3 = elements.astype(jnp.int32).reshape(G, R, 1)
    ox3 = oxidations.astype(jnp.int32).reshape(G, R, 1)
    geo3 = geometries.astype(jnp.int32).reshape(G, R, 1)
    batch3 = batch.astype(jnp.int32).reshape(G, R, 1)
    angles = angles.astype(jnp.float32)

    w1p = jnp.pad(gcn_w1, ((0, 34), (0, 34)))
    b2d = jnp.zeros((CIN, F), jnp.float32)
    b2d = b2d.at[:NUM_ELEMENTS, :200].set(emb_elem)
    b2d = b2d.at[NUM_ELEMENTS:116, 200:210].set(emb_ox)
    b2d = b2d.at[116:180, 210:220].set(emb_geo)
    b2d = b2d.at[180, 220].set(1.0).at[181, 221].set(1.0)
    w1eff = b2d @ w1p

    w2p = jnp.pad(gcn_w2, ((0, 34), (0, 34)))
    w3p = jnp.pad(gcn_w3, ((0, 34), (0, 34)))
    b1p = jnp.pad(gcn_b1, (0, 34)).reshape(1, F)
    b2p = jnp.pad(gcn_b2, (0, 34)).reshape(1, F)
    b3p = jnp.pad(gcn_b3, (0, 34)).reshape(1, F)
    dw1p = jnp.pad(dense_w1, ((0, 34), (0, 0)))
    db1 = dense_b1.reshape(1, 512)
    db2 = dense_b2.reshape(1, 128)
    dw3p = jnp.pad(dense_w3, ((0, 0), (0, 7)))
    db3p = jnp.pad(dense_b3, (0, 7)).reshape(1, 8)

    src_pad = jnp.full((EP + 3 * CH,), 0, jnp.int32)
    src_pad = src_pad.at[:E].set(edge_index[0].astype(jnp.int32))
    src_pad = src_pad.at[E:E + N].set(jnp.arange(N, dtype=jnp.int32))
    dst_pad = N + (jnp.arange(EPD + 2 * CH, dtype=jnp.int32) % (NP - N))
    dst_pad = dst_pad.at[:E].set(edge_index[1].astype(jnp.int32))
    dst_pad = dst_pad.at[E:E + N].set(jnp.arange(N, dtype=jnp.int32))
    zeros_np = jnp.zeros((NP, FH), jnp.float32)

    deg2 = _deg_pass(src_pad, dst_pad)
    dinv8, h0, h1 = _mat1(elem3, ox3, geo3, angles, deg2, w1eff)
    acc2 = _edge_pass(h0, h1, src_pad, dst_pad, zeros_np)
    h0, h1 = _mat2(acc2, dinv8, b1p, w2p)
    acc2 = _edge_pass(h0, h1, src_pad, dst_pad, zeros_np)
    h0, h1 = _mat2(acc2, dinv8, b2p, w3p)
    acc2 = _edge_pass(h0, h1, src_pad, dst_pad, zeros_np)
    out8 = _head(acc2, dinv8, b3p, batch3, dw1p, db1, dense_w2, db2, dw3p, db3p)
    return out8[:, :1]

# --- scband reference (transcript-rebuilt; emitter-appended) ---
"""Pipeline reference for scband-model-graph-coordination-net-41248865910880 (READ-ONLY COPY).

The authoritative reference and input builder live on the scoring server;
editing this copy changes nothing except your own understanding.
"""

import jax, jax.numpy as jnp
import numpy as np

N = 10000
E = 320000
NUM_GRAPHS = 256
NUM_ELEMENTS = 100
NUM_OXIDATIONS = 16
NUM_GEOMETRIES = 64
EDIM = 200
FDIM = EDIM + 10 + 10 + 2  # 222


def setup_inputs(seed: int = 0) -> dict:
    key = jax.random.key(seed)
    ks = jax.random.split(key, 24)
    inp = {}
    inp["elements"] = jax.random.randint(ks[0], (N,), 0, NUM_ELEMENTS, dtype=jnp.int64 if jax.config.jax_enable_x64 else jnp.int32)
    inp["oxidations"] = jax.random.randint(ks[1], (N,), 0, NUM_OXIDATIONS)
    inp["geometries"] = jax.random.randint(ks[2], (N,), 0, NUM_GEOMETRIES)
    inp["angles"] = jax.random.uniform(ks[3], (N, 2), dtype=jnp.float32)
    inp["edge_index"] = jax.random.randint(ks[4], (2, E), 0, N)
    inp["batch"] = jnp.sort(jax.random.randint(ks[5], (N,), 0, NUM_GRAPHS))
    # learned parameters
    inp["emb_elem"] = jax.random.normal(ks[6], (NUM_ELEMENTS, EDIM), dtype=jnp.float32) * 0.1   # frozen pretrained
    inp["emb_ox"] = jax.random.normal(ks[7], (NUM_OXIDATIONS, 10), dtype=jnp.float32) * 0.1
    inp["emb_geo"] = jax.random.normal(ks[8], (NUM_GEOMETRIES, 10), dtype=jnp.float32) * 0.1
    inp["gcn_w1"] = jax.random.normal(ks[9], (FDIM, FDIM), dtype=jnp.float32) * 0.05
    inp["gcn_b1"] = jnp.zeros((FDIM,), dtype=jnp.float32)
    inp["gcn_w2"] = jax.random.normal(ks[10], (FDIM, FDIM), dtype=jnp.float32) * 0.05
    inp["gcn_b2"] = jnp.zeros((FDIM,), dtype=jnp.float32)
    inp["gcn_w3"] = jax.random.normal(ks[11], (FDIM, FDIM), dtype=jnp.float32) * 0.05
    inp["gcn_b3"] = jnp.zeros((FDIM,), dtype=jnp.float32)
    inp["dense_w1"] = jax.random.normal(ks[12], (FDIM, 512), dtype=jnp.float32) * 0.05
    inp["dense_b1"] = jnp.zeros((512,), dtype=jnp.float32)
    inp["dense_w2"] = jax.random.normal(ks[13], (512, 128), dtype=jnp.float32) * 0.05
    inp["dense_b2"] = jnp.zeros((128,), dtype=jnp.float32)
    inp["dense_w3"] = jax.random.normal(ks[14], (128, 1), dtype=jnp.float32) * 0.05
    inp["dense_b3"] = jnp.zeros((1,), dtype=jnp.float32)
    return inp


def _gcn_conv(x, W, b, src, dst, norm):
    # GCNConv: x' = D^-1/2 (A + I) D^-1/2 (X W) + b
    h = x @ W
    msg = h[src] * norm[:, None]
    out = jnp.zeros((N, h.shape[1]), dtype=h.dtype).at[dst].add(msg)
    return out + b


def reference(elements, oxidations, geometries, angles, edge_index, batch,
              emb_elem, emb_ox, emb_geo,
              gcn_w1, gcn_b1, gcn_w2, gcn_b2, gcn_w3, gcn_b3,
              dense_w1, dense_b1, dense_w2, dense_b2, dense_w3, dense_b3):
    # embeddings (gather)
    x_e = jnp.take(emb_elem, elements, axis=0)
    x_o = jnp.take(emb_ox, oxidations, axis=0)
    x_g = jnp.take(emb_geo, geometries, axis=0)
    x = jnp.concatenate((x_e, x_o, x_g, angles), axis=1)  # [N, 222]
    # add self loops + symmetric normalization
    loop = jnp.arange(N, dtype=edge_index.dtype)
    src = jnp.concatenate([edge_index[0], loop])
    dst = jnp.concatenate([edge_index[1], loop])
    deg = jnp.zeros((N,), dtype=jnp.float32).at[dst].add(1.0)
    dinv = jax.lax.rsqrt(jnp.maximum(deg, 1.0))
    norm = dinv[src] * dinv[dst]
    # 3x GCNConv + ELU
    x = jax.nn.elu(_gcn_conv(x, gcn_w1, gcn_b1, src, dst, norm))
    x = jax.nn.elu(_gcn_conv(x, gcn_w2, gcn_b2, src, dst, norm))
    x = jax.nn.elu(_gcn_conv(x, gcn_w3, gcn_b3, src, dst, norm))
    # global mean pool over graphs (segment mean)
    sums = jax.ops.segment_sum(x, batch, num_segments=NUM_GRAPHS)
    counts = jax.ops.segment_sum(jnp.ones((N,), jnp.float32), batch, num_segments=NUM_GRAPHS)
    pooled = sums / jnp.maximum(counts, 1.0)[:, None]
    # dense head [222 -> 512 -> 128 -> 1]
    h = jax.nn.elu(pooled @ dense_w1 + dense_b1)
    h = jax.nn.elu(h @ dense_w2 + dense_b2)
    out = h @ dense_w3 + dense_b3
    return out

if __name__ == "__main__":
    import jax
    _d = setup_inputs()
    print(jax.jit(kernel)(*tuple(_d.values())))

</pallas_src>

<mosaic_0001>
#map = affine_map<(d0, d1) -> (0, 0)>
#map1 = affine_map<(d0, d1) -> (0)>
#map2 = affine_map<(d0, d1) -> (0, 0, 0)>
module attributes {stable_mosaic.version = 14 : i64} {
  func.func @_edge_kernel(%arg0: i32, %arg1: i32, %arg2: memref<10000x128xf32, #tpu.memory_space<hbm>>, %arg3: memref<10000x128xf32, #tpu.memory_space<hbm>>, %arg4: memref<332160xi32, #tpu.memory_space<hbm>>, %arg5: memref<344320xi32, #tpu.memory_space<hbm>>, %arg6: memref<10112x128xf32, #tpu.memory_space<hbm>>, %arg7: memref<2x10112x128xf32, #tpu.memory_space<hbm>>, %arg8: memref<10112x128xf32, #tpu.memory_space<vmem_shared>>, %arg9: memref<128x128xf32, #tpu.memory_space<vmem>>, %arg10: memref<128x128xf32, #tpu.memory_space<vmem>>, %arg11: memref<128x128xf32, #tpu.memory_space<vmem>>, %arg12: memref<128xi32, #tpu.memory_space<vmem>>, %arg13: memref<128xi32, #tpu.memory_space<vmem>>, %arg14: memref<128xi32, #tpu.memory_space<vmem>>, %arg15: memref<128xi32, #tpu.memory_space<vmem>>, %arg16: memref<128xi32, #tpu.memory_space<vmem>>, %arg17: memref<128xi32, #tpu.memory_space<vmem>>, %arg18: memref<!tpu.dma_semaphore, #tpu.memory_space<semaphore_mem>>, %arg19: memref<!tpu.dma_semaphore, #tpu.memory_space<semaphore_mem>>, %arg20: memref<!tpu.dma_semaphore, #tpu.memory_space<semaphore_mem>>, %arg21: memref<!tpu.dma_semaphore, #tpu.memory_space<semaphore_mem>>, %arg22: memref<!tpu.dma_semaphore, #tpu.memory_space<semaphore_mem>>, %arg23: memref<!tpu.dma_semaphore, #tpu.memory_space<semaphore_mem>>, %arg24: memref<!tpu.dma_semaphore, #tpu.memory_space<semaphore_mem>>, %arg25: memref<!tpu.dma_semaphore, #tpu.memory_space<semaphore_mem>>, %arg26: memref<!tpu.dma_semaphore, #tpu.memory_space<semaphore_mem>>, %arg27: memref<!tpu.dma_semaphore, #tpu.memory_space<semaphore_mem>>, %arg28: memref<!tpu.dma_semaphore, #tpu.memory_space<semaphore_mem>>, %arg29: memref<!tpu.dma_semaphore, #tpu.memory_space<semaphore_mem>>) attributes {dimension_semantics = [#tpu.dimension_semantics<core_parallel>, #tpu.dimension_semantics<subcore_parallel>], iteration_bounds = array<i64: 2, 16>, scalar_prefetch = 0 : i64, scratch_operands = 22 : i64, tpu.core_type = #tpu.core_type<sc_vector_subcore>, window_params = [{transform_indices = #map}, {transform_indices = #map}, {transform_indices = #map1}, {transform_indices = #map1}, {transform_indices = #map}, {transform_indices = #map2}]} {
    %mul3A = arith.constant 632 : i32
    %mul3A_0 = arith.muli %arg1, %mul3A : i32
    %mul3A_1 = arith.constant 632 : i32
    %mul3A_2 = arith.muli %arg1, %mul3A_1 : i32
    "tpu.region"() ({
      %run_scoped3A = tpu.sem_alloc : memref<!tpu.dma_semaphore, #tpu.memory_space<semaphore_mem>>
      %dma_start3A_69 = arith.constant 0 : i32
      %dma_start3A_70 = tpu.memref_slice %arg8[%mul3A_2, %dma_start3A_69] : memref<10112x128xf32, #tpu.memory_space<vmem_shared>> -> memref<632x128xf32, #tpu.memory_space<vmem_shared>>
      %dma_start3A_71 = arith.constant 0 : i32
      %dma_start3A_72 = tpu.memref_slice %arg6[%mul3A_0, %dma_start3A_71] : memref<10112x128xf32, #tpu.memory_space<hbm>> -> memref<632x128xf32, #tpu.memory_space<hbm>>
      tpu.enqueue_dma source(%dma_start3A_72 : memref<632x128xf32, #tpu.memory_space<hbm>>) target(%dma_start3A_70 : memref<632x128xf32, #tpu.memory_space<vmem_shared>>) target_semaphore(%run_scoped3A : memref<!tpu.dma_semaphore, #tpu.memory_space<semaphore_mem>>)
      %dma_wait3A_73 = arith.constant 0 : i32
      %dma_wait3A_74 = tpu.memref_slice %arg8[%mul3A_2, %dma_wait3A_73] : memref<10112x128xf32, #tpu.memory_space<vmem_shared>> -> memref<632x128xf32, #tpu.memory_space<vmem_shared>>
      %dma_wait3A_75 = arith.constant 0 : i32
      %dma_wait3A_76 = tpu.memref_slice %arg6[%mul3A_0, %dma_wait3A_75] : memref<10112x128xf32, #tpu.memory_space<hbm>> -> memref<632x128xf32, #tpu.memory_space<hbm>>
      tpu.wait_dma2 semaphore(%run_scoped3A : memref<!tpu.dma_semaphore, #tpu.memory_space<semaphore_mem>>) src(%dma_wait3A_76 : memref<632x128xf32, #tpu.memory_space<hbm>>) dst(%dma_wait3A_74 : memref<632x128xf32, #tpu.memory_space<vmem_shared>>)
      tpu.yield
    }) : () -> ()
    %barrier3A = arith.constant 0 : index
    tpu.barrier barrier_id(%barrier3A)
    %mul3A_3 = arith.constant 20736 : i32
    %mul3A_4 = arith.muli %arg1, %mul3A_3 : i32
    %add3A = arith.constant 0 : i32
    %add3A_5 = arith.addi %mul3A_4, %add3A : i32
    %dma_start3A = tpu.memref_slice %arg4[%add3A_5] : memref<332160xi32, #tpu.memory_space<hbm>> -> memref<128xi32, #tpu.memory_space<hbm>>
    %dma_start3A_6 = tpu.memref_slice %arg4[%add3A_5] : memref<332160xi32, #tpu.memory_space<hbm>> -> memref<128xi32, #tpu.memory_space<hbm>>
    tpu.enqueue_dma source(%dma_start3A_6 : memref<128xi32, #tpu.memory_space<hbm>>) target(%arg12 : memref<128xi32, #tpu.memory_space<vmem>>) target_semaphore(%arg24 : memref<!tpu.dma_semaphore, #tpu.memory_space<semaphore_mem>>)
    %add3A_7 = arith.constant 128 : i32
    %add3A_8 = arith.addi %mul3A_4, %add3A_7 : i32
    %dma_start3A_9 = tpu.memref_slice %arg4[%add3A_8] : memref<332160xi32, #tpu.memory_space<hbm>> -> memref<128xi32, #tpu.memory_space<hbm>>
    %dma_start3A_10 = tpu.memref_slice %arg4[%add3A_8] : memref<332160xi32, #tpu.memory_space<hbm>> -> memref<128xi32, #tpu.memory_space<hbm>>
    tpu.enqueue_dma source(%dma_start3A_10 : memref<128xi32, #tpu.memory_space<hbm>>) target(%arg13 : memref<128xi32, #tpu.memory_space<vmem>>) target_semaphore(%arg25 : memref<!tpu.dma_semaphore, #tpu.memory_space<semaphore_mem>>)
    %add3A_11 = arith.constant 256 : i32
    %add3A_12 = arith.addi %mul3A_4, %add3A_11 : i32
    %dma_start3A_13 = tpu.memref_slice %arg4[%add3A_12] : memref<332160xi32, #tpu.memory_space<hbm>> -> memref<128xi32, #tpu.memory_space<hbm>>
    %dma_start3A_14 = tpu.memref_slice %arg4[%add3A_12] : memref<332160xi32, #tpu.memory_space<hbm>> -> memref<128xi32, #tpu.memory_space<hbm>>
    tpu.enqueue_dma source(%dma_start3A_14 : memref<128xi32, #tpu.memory_space<hbm>>) target(%arg14 : memref<128xi32, #tpu.memory_space<vmem>>) target_semaphore(%arg26 : memref<!tpu.dma_semaphore, #tpu.memory_space<semaphore_mem>>)
    %add3A_15 = arith.constant 0 : i32
    %add3A_16 = arith.addi %mul3A_4, %add3A_15 : i32
    %dma_start3A_17 = tpu.memref_slice %arg5[%add3A_16] : memref<344320xi32, #tpu.memory_space<hbm>> -> memref<128xi32, #tpu.memory_space<hbm>>
    %dma_start3A_18 = tpu.memref_slice %arg5[%add3A_16] : memref<344320xi32, #tpu.memory_space<hbm>> -> memref<128xi32, #tpu.memory_space<hbm>>
    tpu.enqueue_dma source(%dma_start3A_18 : memref<128xi32, #tpu.memory_space<hbm>>) target(%arg15 : memref<128xi32, #tpu.memory_space<vmem>>) target_semaphore(%arg27 : memref<!tpu.dma_semaphore, #tpu.memory_space<semaphore_mem>>)
    %add3A_19 = arith.constant 128 : i32
    %add3A_20 = arith.addi %mul3A_4, %add3A_19 : i32
    %dma_start3A_21 = tpu.memref_slice %arg5[%add3A_20] : memref<344320xi32, #tpu.memory_space<hbm>> -> memref<128xi32, #tpu.memory_space<hbm>>
    %dma_start3A_22 = tpu.memref_slice %arg5[%add3A_20] : memref<344320xi32, #tpu.memory_space<hbm>> -> memref<128xi32, #tpu.memory_space<hbm>>
    tpu.enqueue_dma source(%dma_start3A_22 : memref<128xi32, #tpu.memory_space<hbm>>) target(%arg16 : memref<128xi32, #tpu.memory_space<vmem>>) target_semaphore(%arg28 : memref<!tpu.dma_semaphore, #tpu.memory_space<semaphore_mem>>)
    %dma_wait3A = tpu.memref_slice %arg4[%mul3A_4] : memref<332160xi32, #tpu.memory_space<hbm>> -> memref<128xi32, #tpu.memory_space<hbm>>
    %dma_wait3A_23 = tpu.memref_slice %arg4[%mul3A_4] : memref<332160xi32, #tpu.memory_space<hbm>> -> memref<128xi32, #tpu.memory_space<hbm>>
    tpu.wait_dma2 semaphore(%arg24 : memref<!tpu.dma_semaphore, #tpu.memory_space<semaphore_mem>>) src(%dma_wait3A_23 : memref<128xi32, #tpu.memory_space<hbm>>) dst(%arg12 : memref<128xi32, #tpu.memory_space<vmem>>)
    %eq3A = arith.constant 0 : i32
    %eq3A_24 = arith.cmpi eq, %arg0, %eq3A : i32
    %convert_element_type3A = arith.extui %eq3A_24 : i1 to i32
    %cond3A = arith.constant 0 : i32
    %cond3A_25 = arith.cmpi ne, %convert_element_type3A, %cond3A : i32
    scf.if %cond3A_25 {
      %dma_start3A_69 = arith.constant 0 : i32
      %dma_start3A_70 = arith.constant 0 : i32
      %dma_start3A_71 = tpu.memref_slice %arg2[%dma_start3A_69, %dma_start3A_70] : memref<10000x128xf32, #tpu.memory_space<hbm>> -> memref<10000x128xf32, #tpu.memory_space<hbm>>
      tpu.enqueue_indirect_dma source(%dma_start3A_71 : memref<10000x128xf32, #tpu.memory_space<hbm>>) target(%arg9 : memref<128x128xf32, #tpu.memory_space<vmem>>) offsets(%arg12 : memref<128xi32, #tpu.memory_space<vmem>>) semaphore(%arg18 : memref<!tpu.dma_semaphore, #tpu.memory_space<semaphore_mem>>)
    } else {
    }
    %eq3A_26 = arith.constant 1 : i32
    %eq3A_27 = arith.cmpi eq, %arg0, %eq3A_26 : i32
    %convert_element_type3A_28 = arith.extui %eq3A_27 : i1 to i32
    %cond3A_29 = arith.constant 0 : i32
    %cond3A_30 = arith.cmpi ne, %convert_element_type3A_28, %cond3A_29 : i32
    scf.if %cond3A_30 {
      %dma_start3A_69 = arith.constant 0 : i32
      %dma_start3A_70 = arith.constant 0 : i32
      %dma_start3A_71 = tpu.memref_slice %arg3[%dma_start3A_69, %dma_start3A_70] : memref<10000x128xf32, #tpu.memory_space<hbm>> -> memref<10000x128xf32, #tpu.memory_space<hbm>>
      tpu.enqueue_indirect_dma source(%dma_start3A_71 : memref<10000x128xf32, #tpu.memory_space<hbm>>) target(%arg9 : memref<128x128xf32, #tpu.memory_space<vmem>>) offsets(%arg12 : memref<128xi32, #tpu.memory_space<vmem>>) semaphore(%arg18 : memref<!tpu.dma_semaphore, #tpu.memory_space<semaphore_mem>>)
    } else {
    }
    %dma_wait3A_31 = tpu.memref_slice %arg4[%mul3A_4] : memref<332160xi32, #tpu.memory_space<hbm>> -> memref<128xi32, #tpu.memory_space<hbm>>
    %dma_wait3A_32 = tpu.memref_slice %arg4[%mul3A_4] : memref<332160xi32, #tpu.memory_space<hbm>> -> memref<128xi32, #tpu.memory_space<hbm>>
    tpu.wait_dma2 semaphore(%arg25 : memref<!tpu.dma_semaphore, #tpu.memory_space<semaphore_mem>>) src(%dma_wait3A_32 : memref<128xi32, #tpu.memory_space<hbm>>) dst(%arg13 : memref<128xi32, #tpu.memory_space<vmem>>)
    %eq3A_33 = arith.constant 0 : i32
    %eq3A_34 = arith.cmpi eq, %arg0, %eq3A_33 : i32
    %convert_element_type3A_35 = arith.extui %eq3A_34 : i1 to i32
    %cond3A_36 = arith.constant 0 : i32
    %cond3A_37 = arith.cmpi ne, %convert_element_type3A_35, %cond3A_36 : i32
    scf.if %cond3A_37 {
      %dma_start3A_69 = arith.constant 0 : i32
      %dma_start3A_70 = arith.constant 0 : i32
      %dma_start3A_71 = tpu.memref_slice %arg2[%dma_start3A_69, %dma_start3A_70] : memref<10000x128xf32, #tpu.memory_space<hbm>> -> memref<10000x128xf32, #tpu.memory_space<hbm>>
      tpu.enqueue_indirect_dma source(%dma_start3A_71 : memref<10000x128xf32, #tpu.memory_space<hbm>>) target(%arg10 : memref<128x128xf32, #tpu.memory_space<vmem>>) offsets(%arg13 : memref<128xi32, #tpu.memory_space<vmem>>) semaphore(%arg19 : memref<!tpu.dma_semaphore, #tpu.memory_space<semaphore_mem>>)
    } else {
    }
    %eq3A_38 = arith.constant 1 : i32
    %eq3A_39 = arith.cmpi eq, %arg0, %eq3A_38 : i32
    %convert_element_type3A_40 = arith.extui %eq3A_39 : i1 to i32
    %cond3A_41 = arith.constant 0 : i32
    %cond3A_42 = arith.cmpi ne, %convert_element_type3A_40, %cond3A_41 : i32
    scf.if %cond3A_42 {
      %dma_start3A_69 = arith.constant 0 : i32
      %dma_start3A_70 = arith.constant 0 : i32
      %dma_start3A_71 = tpu.memref_slice %arg3[%dma_start3A_69, %dma_start3A_70] : memref<10000x128xf32, #tpu.memory_space<hbm>> -> memref<10000x128xf32, #tpu.memory_space<hbm>>
      tpu.enqueue_indirect_dma source(%dma_start3A_71 : memref<10000x128xf32, #tpu.memory_space<hbm>>) target(%arg10 : memref<128x128xf32, #tpu.memory_space<vmem>>) offsets(%arg13 : memref<128xi32, #tpu.memory_space<vmem>>) semaphore(%arg19 : memref<!tpu.dma_semaphore, #tpu.memory_space<semaphore_mem>>)
    } else {
    }
    %scan3A = arith.constant 0 : i32
    %scan3A_43 = arith.constant 0 : i32
    %scan3A_44 = arith.constant 54 : i32
    %scan3A_45 = arith.addi %scan3A_43, %scan3A_44 : i32
    %scan3A_46 = arith.constant 1 : i32
    %scan3A_47 = scf.for %scan3A_69 = %scan3A_43 to %scan3A_45 step %scan3A_46 iter_args(%scan3A_70 = %scan3A) -> (i32)  : i32 {
      %mul3A_71 = arith.constant 3 : i32
      %mul3A_72 = arith.muli %mul3A_71, %scan3A_69 : i32
      %add3A_73 = arith.constant 0 : i32
      %add3A_74 = arith.addi %mul3A_72, %add3A_73 : i32
      %dma_wait3A_75 = arith.constant 0 : i32
      %dma_wait3A_76 = arith.constant 0 : i32
      %dma_wait3A_77 = tpu.memref_slice %arg2[%dma_wait3A_75, %dma_wait3A_76] : memref<10000x128xf32, #tpu.memory_space<hbm>> -> memref<10000x128xf32, #tpu.memory_space<hbm>>
      tpu.wait_indirect_dma semaphore(%arg18 : memref<!tpu.dma_semaphore, #tpu.memory_space<semaphore_mem>>) src(%dma_wait3A_77 : memref<10000x128xf32, #tpu.memory_space<hbm>>) dst(%arg9 : memref<128x128xf32, #tpu.memory_space<vmem>>)
      %add3A_78 = arith.constant 3 : i32
      %add3A_79 = arith.addi %add3A_74, %add3A_78 : i32
      %mul3A_80 = arith.constant 128 : i32
      %mul3A_81 = arith.muli %add3A_79, %mul3A_80 : i32
      %add3A_82 = arith.addi %mul3A_4, %mul3A_81 : i32
      %dma_start3A_83 = tpu.memref_slice %arg4[%add3A_82] : memref<332160xi32, #tpu.memory_space<hbm>> -> memref<128xi32, #tpu.memory_space<hbm>>
      %dma_start3A_84 = tpu.memref_slice %arg4[%add3A_82] : memref<332160xi32, #tpu.memory_space<hbm>> -> memref<128xi32, #tpu.memory_space<hbm>>
      tpu.enqueue_dma source(%dma_start3A_84 : memref<128xi32, #tpu.memory_space<hbm>>) target(%arg12 : memref<128xi32, #tpu.memory_space<vmem>>) target_semaphore(%arg24 : memref<!tpu.dma_semaphore, #tpu.memory_space<semaphore_mem>>)
      %dma_wait3A_85 = tpu.memref_slice %arg5[%mul3A_4] : memref<344320xi32, #tpu.memory_space<hbm>> -> memref<128xi32, #tpu.memory_space<hbm>>
      %dma_wait3A_86 = tpu.memref_slice %arg5[%mul3A_4] : memref<344320xi32, #tpu.memory_space<hbm>> -> memref<128xi32, #tpu.memory_space<hbm>>
      tpu.wait_dma2 semaphore(%arg27 : memref<!tpu.dma_semaphore, #tpu.memory_space<semaphore_mem>>) src(%dma_wait3A_86 : memref<128xi32, #tpu.memory_space<hbm>>) dst(%arg15 : memref<128xi32, #tpu.memory_space<vmem>>)
      %dma_start3A_87 = arith.constant 0 : i32
      %dma_start3A_88 = arith.constant 0 : i32
      %dma_start3A_89 = tpu.memref_slice %arg8[%dma_start3A_87, %dma_start3A_88] : memref<10112x128xf32, #tpu.memory_space<vmem_shared>> -> memref<10112x128xf32, #tpu.memory_space<vmem_shared>>
      tpu.enqueue_indirect_dma source(%arg9 : memref<128x128xf32, #tpu.memory_space<vmem>>) target(%dma_start3A_89 : memref<10112x128xf32, #tpu.memory_space<vmem_shared>>) offsets(%arg15 : memref<128xi32, #tpu.memory_space<vmem>>) semaphore(%arg21 : memref<!tpu.dma_semaphore, #tpu.memory_space<semaphore_mem>>) {add = true}
      %gt3A = arith.constant 0 : i32
      %gt3A_90 = arith.cmpi sgt, %scan3A_69, %gt3A : i32
      %convert_element_type3A_91 = arith.extui %gt3A_90 : i1 to i32
      %cond3A_92 = arith.constant 0 : i32
      %cond3A_93 = arith.cmpi ne, %convert_element_type3A_91, %cond3A_92 : i32
      scf.if %cond3A_93 {
        %dma_wait3A_196 = arith.constant 0 : i32
        %dma_wait3A_197 = arith.constant 0 : i32
        %dma_wait3A_198 = tpu.memref_slice %arg8[%dma_wait3A_196, %dma_wait3A_197] : memref<10112x128xf32, #tpu.memory_space<vmem_shared>> -> memref<10112x128xf32, #tpu.memory_space<vmem_shared>>
        tpu.wait_indirect_dma semaphore(%arg23 : memref<!tpu.dma_semaphore, #tpu.memory_space<semaphore_mem>>) src(%arg11 : memref<128x128xf32, #tpu.memory_space<vmem>>) dst(%dma_wait3A_198 : memref<10112x128xf32, #tpu.memory_space<vmem_shared>>)
      } else {
      }
      %add3A_94 = arith.constant 2 : i32
      %add3A_95 = arith.addi %add3A_74, %add3A_94 : i32
      %mul3A_96 = arith.constant 128 : i32
      %mul3A_97 = arith.muli %add3A_95, %mul3A_96 : i32
      %add3A_98 = arith.addi %mul3A_4, %mul3A_97 : i32
      %dma_start3A_99 = tpu.memref_slice %arg5[%add3A_98] : memref<344320xi32, #tpu.memory_space<hbm>> -> memref<128xi32, #tpu.memory_space<hbm>>
      %dma_start3A_100 = tpu.memref_slice %arg5[%add3A_98] : memref<344320xi32, #tpu.memory_space<hbm>> -> memref<128xi32, #tpu.memory_space<hbm>>
      tpu.enqueue_dma source(%dma_start3A_100 : memref<128xi32, #tpu.memory_space<hbm>>) target(%arg17 : memref<128xi32, #tpu.memory_space<vmem>>) target_semaphore(%arg29 : memref<!tpu.dma_semaphore, #tpu.memory_space<semaphore_mem>>)
      %dma_wait3A_101 = tpu.memref_slice %arg4[%mul3A_4] : memref<332160xi32, #tpu.memory_space<hbm>> -> memref<128xi32, #tpu.memory_space<hbm>>
      %dma_wait3A_102 = tpu.memref_slice %arg4[%mul3A_4] : memref<332160xi32, #tpu.memory_space<hbm>> -> memref<128xi32, #tpu.memory_space<hbm>>
      tpu.wait_dma2 semaphore(%arg26 : memref<!tpu.dma_semaphore, #tpu.memory_space<semaphore_mem>>) src(%dma_wait3A_102 : memref<128xi32, #tpu.memory_space<hbm>>) dst(%arg14 : memref<128xi32, #tpu.memory_space<vmem>>)
      %eq3A_103 = arith.constant 0 : i32
      %eq3A_104 = arith.cmpi eq, %arg0, %eq3A_103 : i32
      %convert_element_type3A_105 = arith.extui %eq3A_104 : i1 to i32
      %cond3A_106 = arith.constant 0 : i32
      %cond3A_107 = arith.cmpi ne, %convert_element_type3A_105, %cond3A_106 : i32
      scf.if %cond3A_107 {
        %dma_start3A_196 = arith.constant 0 : i32
        %dma_start3A_197 = arith.constant 0 : i32
        %dma_start3A_198 = tpu.memref_slice %arg2[%dma_start3A_196, %dma_start3A_197] : memref<10000x128xf32, #tpu.memory_space<hbm>> -> memref<10000x128xf32, #tpu.memory_space<hbm>>
        tpu.enqueue_indirect_dma source(%dma_start3A_198 : memref<10000x128xf32, #tpu.memory_space<hbm>>) target(%arg11 : memref<128x128xf32, #tpu.memory_space<vmem>>) offsets(%arg14 : memref<128xi32, #tpu.memory_space<vmem>>) semaphore(%arg20 : memref<!tpu.dma_semaphore, #tpu.memory_space<semaphore_mem>>)
      } else {
      }
      %eq3A_108 = arith.constant 1 : i32
      %eq3A_109 = arith.cmpi eq, %arg0, %eq3A_108 : i32
      %convert_element_type3A_110 = arith.extui %eq3A_109 : i1 to i32
      %cond3A_111 = arith.constant 0 : i32
      %cond3A_112 = arith.cmpi ne, %convert_element_type3A_110, %cond3A_111 : i32
      scf.if %cond3A_112 {
        %dma_start3A_196 = arith.constant 0 : i32
        %dma_start3A_197 = arith.constant 0 : i32
        %dma_start3A_198 = tpu.memref_slice %arg3[%dma_start3A_196, %dma_start3A_197] : memref<10000x128xf32, #tpu.memory_space<hbm>> -> memref<10000x128xf32, #tpu.memory_space<hbm>>
        tpu.enqueue_indirect_dma source(%dma_start3A_198 : memref<10000x128xf32, #tpu.memory_space<hbm>>) target(%arg11 : memref<128x128xf32, #tpu.memory_space<vmem>>) offsets(%arg14 : memref<128xi32, #tpu.memory_space<vmem>>) semaphore(%arg20 : memref<!tpu.dma_semaphore, #tpu.memory_space<semaphore_mem>>)
      } else {
      }
      %mul3A_113 = arith.constant 3 : i32
      %mul3A_114 = arith.muli %mul3A_113, %scan3A_69 : i32
      %add3A_115 = arith.constant 1 : i32
      %add3A_116 = arith.addi %mul3A_114, %add3A_115 : i32
      %dma_wait3A_117 = arith.constant 0 : i32
      %dma_wait3A_118 = arith.constant 0 : i32
      %dma_wait3A_119 = tpu.memref_slice %arg2[%dma_wait3A_117, %dma_wait3A_118] : memref<10000x128xf32, #tpu.memory_space<hbm>> -> memref<10000x128xf32, #tpu.memory_space<hbm>>
      tpu.wait_indirect_dma semaphore(%arg19 : memref<!tpu.dma_semaphore, #tpu.memory_space<semaphore_mem>>) src(%dma_wait3A_119 : memref<10000x128xf32, #tpu.memory_space<hbm>>) dst(%arg10 : memref<128x128xf32, #tpu.memory_space<vmem>>)
      %add3A_120 = arith.constant 3 : i32
      %add3A_121 = arith.addi %add3A_116, %add3A_120 : i32
      %mul3A_122 = arith.constant 128 : i32
      %mul3A_123 = arith.muli %add3A_121, %mul3A_122 : i32
      %add3A_124 = arith.addi %mul3A_4, %mul3A_123 : i32
      %dma_start3A_125 = tpu.memref_slice %arg4[%add3A_124] : memref<332160xi32, #tpu.memory_space<hbm>> -> memref<128xi32, #tpu.memory_space<hbm>>
      %dma_start3A_126 = tpu.memref_slice %arg4[%add3A_124] : memref<332160xi32, #tpu.memory_space<hbm>> -> memref<128xi32, #tpu.memory_space<hbm>>
      tpu.enqueue_dma source(%dma_start3A_126 : memref<128xi32, #tpu.memory_space<hbm>>) target(%arg13 : memref<128xi32, #tpu.memory_space<vmem>>) target_semaphore(%arg25 : memref<!tpu.dma_semaphore, #tpu.memory_space<semaphore_mem>>)
      %dma_wait3A_127 = tpu.memref_slice %arg5[%mul3A_4] : memref<344320xi32, #tpu.memory_space<hbm>> -> memref<128xi32, #tpu.memory_space<hbm>>
      %dma_wait3A_128 = tpu.memref_slice %arg5[%mul3A_4] : memref<344320xi32, #tpu.memory_space<hbm>> -> memref<128xi32, #tpu.memory_space<hbm>>
      tpu.wait_dma2 semaphore(%arg28 : memref<!tpu.dma_semaphore, #tpu.memory_space<semaphore_mem>>) src(%dma_wait3A_128 : memref<128xi32, #tpu.memory_space<hbm>>) dst(%arg16 : memref<128xi32, #tpu.memory_space<vmem>>)
      %dma_start3A_129 = arith.constant 0 : i32
      %dma_start3A_130 = arith.constant 0 : i32
      %dma_start3A_131 = tpu.memref_slice %arg8[%dma_start3A_129, %dma_start3A_130] : memref<10112x128xf32, #tpu.memory_space<vmem_shared>> -> memref<10112x128xf32, #tpu.memory_space<vmem_shared>>
      tpu.enqueue_indirect_dma source(%arg10 : memref<128x128xf32, #tpu.memory_space<vmem>>) target(%dma_start3A_131 : memref<10112x128xf32, #tpu.memory_space<vmem_shared>>) offsets(%arg16 : memref<128xi32, #tpu.memory_space<vmem>>) semaphore(%arg22 : memref<!tpu.dma_semaphore, #tpu.memory_space<semaphore_mem>>) {add = true}
      %dma_wait3A_132 = arith.constant 0 : i32
      %dma_wait3A_133 = arith.constant 0 : i32
      %dma_wait3A_134 = tpu.memref_slice %arg8[%dma_wait3A_132, %dma_wait3A_133] : memref<10112x128xf32, #tpu.memory_space<vmem_shared>> -> memref<10112x128xf32, #tpu.memory_space<vmem_shared>>
      tpu.wait_indirect_dma semaphore(%arg21 : memref<!tpu.dma_semaphore, #tpu.memory_space<semaphore_mem>>) src(%arg9 : memref<128x128xf32, #tpu.memory_space<vmem>>) dst(%dma_wait3A_134 : memref<10112x128xf32, #tpu.memory_space<vmem_shared>>)
      %add3A_135 = arith.constant 2 : i32
      %add3A_136 = arith.addi %add3A_116, %add3A_135 : i32
      %mul3A_137 = arith.constant 128 : i32
      %mul3A_138 = arith.muli %add3A_136, %mul3A_137 : i32
      %add3A_139 = arith.addi %mul3A_4, %mul3A_138 : i32
      %dma_start3A_140 = tpu.memref_slice %arg5[%add3A_139] : memref<344320xi32, #tpu.memory_space<hbm>> -> memref<128xi32, #tpu.memory_space<hbm>>
      %dma_start3A_141 = tpu.memref_slice %arg5[%add3A_139] : memref<344320xi32, #tpu.memory_space<hbm>> -> memref<128xi32, #tpu.memory_space<hbm>>
      tpu.enqueue_dma source(%dma_start3A_141 : memref<128xi32, #tpu.memory_space<hbm>>) target(%arg15 : memref<128xi32, #tpu.memory_space<vmem>>) target_semaphore(%arg27 : memref<!tpu.dma_semaphore, #tpu.memory_space<semaphore_mem>>)
      %dma_wait3A_142 = tpu.memref_slice %arg4[%mul3A_4] : memref<332160xi32, #tpu.memory_space<hbm>> -> memref<128xi32, #tpu.memory_space<hbm>>
      %dma_wait3A_143 = tpu.memref_slice %arg4[%mul3A_4] : memref<332160xi32, #tpu.memory_space<hbm>> -> memref<128xi32, #tpu.memory_space<hbm>>
      tpu.wait_dma2 semaphore(%arg24 : memref<!tpu.dma_semaphore, #tpu.memory_space<semaphore_mem>>) src(%dma_wait3A_143 : memref<128xi32, #tpu.memory_space<hbm>>) dst(%arg12 : memref<128xi32, #tpu.memory_space<vmem>>)
      %eq3A_144 = arith.constant 0 : i32
      %eq3A_145 = arith.cmpi eq, %arg0, %eq3A_144 : i32
      %convert_element_type3A_146 = arith.extui %eq3A_145 : i1 to i32
      %cond3A_147 = arith.constant 0 : i32
      %cond3A_148 = arith.cmpi ne, %convert_element_type3A_146, %cond3A_147 : i32
      scf.if %cond3A_148 {
        %dma_start3A_196 = arith.constant 0 : i32
        %dma_start3A_197 = arith.constant 0 : i32
        %dma_start3A_198 = tpu.memref_slice %arg2[%dma_start3A_196, %dma_start3A_197] : memref<10000x128xf32, #tpu.memory_space<hbm>> -> memref<10000x128xf32, #tpu.memory_space<hbm>>
        tpu.enqueue_indirect_dma source(%dma_start3A_198 : memref<10000x128xf32, #tpu.memory_space<hbm>>) target(%arg9 : memref<128x128xf32, #tpu.memory_space<vmem>>) offsets(%arg12 : memref<128xi32, #tpu.memory_space<vmem>>) semaphore(%arg18 : memref<!tpu.dma_semaphore, #tpu.memory_space<semaphore_mem>>)
      } else {
      }
      %eq3A_149 = arith.constant 1 : i32
      %eq3A_150 = arith.cmpi eq, %arg0, %eq3A_149 : i32
      %convert_element_type3A_151 = arith.extui %eq3A_150 : i1 to i32
      %cond3A_152 = arith.constant 0 : i32
      %cond3A_153 = arith.cmpi ne, %convert_element_type3A_151, %cond3A_152 : i32
      scf.if %cond3A_153 {
        %dma_start3A_196 = arith.constant 0 : i32
        %dma_start3A_197 = arith.constant 0 : i32
        %dma_start3A_198 = tpu.memref_slice %arg3[%dma_start3A_196, %dma_start3A_197] : memref<10000x128xf32, #tpu.memory_space<hbm>> -> memref<10000x128xf32, #tpu.memory_space<hbm>>
        tpu.enqueue_indirect_dma source(%dma_start3A_198 : memref<10000x128xf32, #tpu.memory_space<hbm>>) target(%arg9 : memref<128x128xf32, #tpu.memory_space<vmem>>) offsets(%arg12 : memref<128xi32, #tpu.memory_space<vmem>>) semaphore(%arg18 : memref<!tpu.dma_semaphore, #tpu.memory_space<semaphore_mem>>)
      } else {
      }
      %mul3A_154 = arith.constant 3 : i32
      %mul3A_155 = arith.muli %mul3A_154, %scan3A_69 : i32
      %add3A_156 = arith.constant 2 : i32
      %add3A_157 = arith.addi %mul3A_155, %add3A_156 : i32
      %dma_wait3A_158 = arith.constant 0 : i32
      %dma_wait3A_159 = arith.constant 0 : i32
      %dma_wait3A_160 = tpu.memref_slice %arg2[%dma_wait3A_158, %dma_wait3A_159] : memref<10000x128xf32, #tpu.memory_space<hbm>> -> memref<10000x128xf32, #tpu.memory_space<hbm>>
      tpu.wait_indirect_dma semaphore(%arg20 : memref<!tpu.dma_semaphore, #tpu.memory_space<semaphore_mem>>) src(%dma_wait3A_160 : memref<10000x128xf32, #tpu.memory_space<hbm>>) dst(%arg11 : memref<128x128xf32, #tpu.memory_space<vmem>>)
      %add3A_161 = arith.constant 3 : i32
      %add3A_162 = arith.addi %add3A_157, %add3A_161 : i32
      %mul3A_163 = arith.constant 128 : i32
      %mul3A_164 = arith.muli %add3A_162, %mul3A_163 : i32
      %add3A_165 = arith.addi %mul3A_4, %mul3A_164 : i32
      %dma_start3A_166 = tpu.memref_slice %arg4[%add3A_165] : memref<332160xi32, #tpu.memory_space<hbm>> -> memref<128xi32, #tpu.memory_space<hbm>>
      %dma_start3A_167 = tpu.memref_slice %arg4[%add3A_165] : memref<332160xi32, #tpu.memory_space<hbm>> -> memref<128xi32, #tpu.memory_space<hbm>>
      tpu.enqueue_dma source(%dma_start3A_167 : memref<128xi32, #tpu.memory_space<hbm>>) target(%arg14 : memref<128xi32, #tpu.memory_space<vmem>>) target_semaphore(%arg26 : memref<!tpu.dma_semaphore, #tpu.memory_space<semaphore_mem>>)
      %dma_wait3A_168 = tpu.memref_slice %arg5[%mul3A_4] : memref<344320xi32, #tpu.memory_space<hbm>> -> memref<128xi32, #tpu.memory_space<hbm>>
      %dma_wait3A_169 = tpu.memref_slice %arg5[%mul3A_4] : memref<344320xi32, #tpu.memory_space<hbm>> -> memref<128xi32, #tpu.memory_space<hbm>>
      tpu.wait_dma2 semaphore(%arg29 : memref<!tpu.dma_semaphore, #tpu.memory_space<semaphore_mem>>) src(%dma_wait3A_169 : memref<128xi32, #tpu.memory_space<hbm>>) dst(%arg17 : memref<128xi32, #tpu.memory_space<vmem>>)
      %dma_start3A_170 = arith.constant 0 : i32
      %dma_start3A_171 = arith.constant 0 : i32
      %dma_start3A_172 = tpu.memref_slice %arg8[%dma_start3A_170, %dma_start3A_171] : memref<10112x128xf32, #tpu.memory_space<vmem_shared>> -> memref<10112x128xf32, #tpu.memory_space<vmem_shared>>
      tpu.enqueue_indirect_dma source(%arg11 : memref<128x128xf32, #tpu.memory_space<vmem>>) target(%dma_start3A_172 : memref<10112x128xf32, #tpu.memory_space<vmem_shared>>) offsets(%arg17 : memref<128xi32, #tpu.memory_space<vmem>>) semaphore(%arg23 : memref<!tpu.dma_semaphore, #tpu.memory_space<semaphore_mem>>) {add = true}
      %dma_wait3A_173 = arith.constant 0 : i32
      %dma_wait3A_174 = arith.constant 0 : i32
      %dma_wait3A_175 = tpu.memref_slice %arg8[%dma_wait3A_173, %dma_wait3A_174] : memref<10112x128xf32, #tpu.memory_space<vmem_shared>> -> memref<10112x128xf32, #tpu.memory_space<vmem_shared>>
      tpu.wait_indirect_dma semaphore(%arg22 : memref<!tpu.dma_semaphore, #tpu.memory_space<semaphore_mem>>) src(%arg10 : memref<128x128xf32, #tpu.memory_space<vmem>>) dst(%dma_wait3A_175 : memref<10112x128xf32, #tpu.memory_space<vmem_shared>>)
      %add3A_176 = arith.constant 2 : i32
      %add3A_177 = arith.addi %add3A_157, %add3A_176 : i32
      %mul3A_178 = arith.constant 128 : i32
      %mul3A_179 = arith.muli %add3A_177, %mul3A_178 : i32
      %add3A_180 = arith.addi %mul3A_4, %mul3A_179 : i32
      %dma_start3A_181 = tpu.memref_slice %arg5[%add3A_180] : memref<344320xi32, #tpu.memory_space<hbm>> -> memref<128xi32, #tpu.memory_space<hbm>>
      %dma_start3A_182 = tpu.memref_slice %arg5[%add3A_180] : memref<344320xi32, #tpu.memory_space<hbm>> -> memref<128xi32, #tpu.memory_space<hbm>>
      tpu.enqueue_dma source(%dma_start3A_182 : memref<128xi32, #tpu.memory_space<hbm>>) target(%arg16 : memref<128xi32, #tpu.memory_space<vmem>>) target_semaphore(%arg28 : memref<!tpu.dma_semaphore, #tpu.memory_space<semaphore_mem>>)
      %dma_wait3A_183 = tpu.memref_slice %arg4[%mul3A_4] : memref<332160xi32, #tpu.memory_space<hbm>> -> memref<128xi32, #tpu.memory_space<hbm>>
      %dma_wait3A_184 = tpu.memref_slice %arg4[%mul3A_4] : memref<332160xi32, #tpu.memory_space<hbm>> -> memref<128xi32, #tpu.memory_space<hbm>>
      tpu.wait_dma2 semaphore(%arg25 : memref<!tpu.dma_semaphore, #tpu.memory_space<semaphore_mem>>) src(%dma_wait3A_184 : memref<128xi32, #tpu.memory_space<hbm>>) dst(%arg13 : memref<128xi32, #tpu.memory_space<vmem>>)
      %eq3A_185 = arith.constant 0 : i32
      %eq3A_186 = arith.cmpi eq, %arg0, %eq3A_185 : i32
      %convert_element_type3A_187 = arith.extui %eq3A_186 : i1 to i32
      %cond3A_188 = arith.constant 0 : i32
      %cond3A_189 = arith.cmpi ne, %convert_element_type3A_187, %cond3A_188 : i32
      scf.if %cond3A_189 {
        %dma_start3A_196 = arith.constant 0 : i32
        %dma_start3A_197 = arith.constant 0 : i32
        %dma_start3A_198 = tpu.memref_slice %arg2[%dma_start3A_196, %dma_start3A_197] : memref<10000x128xf32, #tpu.memory_space<hbm>> -> memref<10000x128xf32, #tpu.memory_space<hbm>>
        tpu.enqueue_indirect_dma source(%dma_start3A_198 : memref<10000x128xf32, #tpu.memory_space<hbm>>) target(%arg10 : memref<128x128xf32, #tpu.memory_space<vmem>>) offsets(%arg13 : memref<128xi32, #tpu.memory_space<vmem>>) semaphore(%arg19 : memref<!tpu.dma_semaphore, #tpu.memory_space<semaphore_mem>>)
      } else {
      }
      %eq3A_190 = arith.constant 1 : i32
      %eq3A_191 = arith.cmpi eq, %arg0, %eq3A_190 : i32
      %convert_element_type3A_192 = arith.extui %eq3A_191 : i1 to i32
      %cond3A_193 = arith.constant 0 : i32
      %cond3A_194 = arith.cmpi ne, %convert_element_type3A_192, %cond3A_193 : i32
      scf.if %cond3A_194 {
        %dma_start3A_196 = arith.constant 0 : i32
        %dma_start3A_197 = arith.constant 0 : i32
        %dma_start3A_198 = tpu.memref_slice %arg3[%dma_start3A_196, %dma_start3A_197] : memref<10000x128xf32, #tpu.memory_space<hbm>> -> memref<10000x128xf32, #tpu.memory_space<hbm>>
        tpu.enqueue_indirect_dma source(%dma_start3A_198 : memref<10000x128xf32, #tpu.memory_space<hbm>>) target(%arg10 : memref<128x128xf32, #tpu.memory_space<vmem>>) offsets(%arg13 : memref<128xi32, #tpu.memory_space<vmem>>) semaphore(%arg19 : memref<!tpu.dma_semaphore, #tpu.memory_space<semaphore_mem>>)
      } else {
      }
      %scan3A_195 = arith.constant 0 : i32
      scf.yield %scan3A_195 : i32
    }
    %scan3A_48 = arith.constant 54 : i32
    %dma_wait3A_49 = arith.constant 0 : i32
    %dma_wait3A_50 = arith.constant 0 : i32
    %dma_wait3A_51 = tpu.memref_slice %arg2[%dma_wait3A_49, %dma_wait3A_50] : memref<10000x128xf32, #tpu.memory_space<hbm>> -> memref<10000x128xf32, #tpu.memory_space<hbm>>
    tpu.wait_indirect_dma semaphore(%arg18 : memref<!tpu.dma_semaphore, #tpu.memory_space<semaphore_mem>>) src(%dma_wait3A_51 : memref<10000x128xf32, #tpu.memory_space<hbm>>) dst(%arg9 : memref<128x128xf32, #tpu.memory_space<vmem>>)
    %dma_wait3A_52 = arith.constant 0 : i32
    %dma_wait3A_53 = arith.constant 0 : i32
    %dma_wait3A_54 = tpu.memref_slice %arg2[%dma_wait3A_52, %dma_wait3A_53] : memref<10000x128xf32, #tpu.memory_space<hbm>> -> memref<10000x128xf32, #tpu.memory_space<hbm>>
    tpu.wait_indirect_dma semaphore(%arg19 : memref<!tpu.dma_semaphore, #tpu.memory_space<semaphore_mem>>) src(%dma_wait3A_54 : memref<10000x128xf32, #tpu.memory_space<hbm>>) dst(%arg10 : memref<128x128xf32, #tpu.memory_space<vmem>>)
    %dma_wait3A_55 = arith.constant 0 : i32
    %dma_wait3A_56 = arith.constant 0 : i32
    %dma_wait3A_57 = tpu.memref_slice %arg8[%dma_wait3A_55, %dma_wait3A_56] : memref<10112x128xf32, #tpu.memory_space<vmem_shared>> -> memref<10112x128xf32, #tpu.memory_space<vmem_shared>>
    tpu.wait_indirect_dma semaphore(%arg23 : memref<!tpu.dma_semaphore, #tpu.memory_space<semaphore_mem>>) src(%arg11 : memref<128x128xf32, #tpu.memory_space<vmem>>) dst(%dma_wait3A_57 : memref<10112x128xf32, #tpu.memory_space<vmem_shared>>)
    %dma_wait3A_58 = tpu.memref_slice %arg4[%mul3A_4] : memref<332160xi32, #tpu.memory_space<hbm>> -> memref<128xi32, #tpu.memory_space<hbm>>
    %dma_wait3A_59 = tpu.memref_slice %arg4[%mul3A_4] : memref<332160xi32, #tpu.memory_space<hbm>> -> memref<128xi32, #tpu.memory_space<hbm>>
    tpu.wait_dma2 semaphore(%arg26 : memref<!tpu.dma_semaphore, #tpu.memory_space<semaphore_mem>>) src(%dma_wait3A_59 : memref<128xi32, #tpu.memory_space<hbm>>) dst(%arg14 : memref<128xi32, #tpu.memory_space<vmem>>)
    %dma_wait3A_60 = tpu.memref_slice %arg5[%mul3A_4] : memref<344320xi32, #tpu.memory_space<hbm>> -> memref<128xi32, #tpu.memory_space<hbm>>
    %dma_wait3A_61 = tpu.memref_slice %arg5[%mul3A_4] : memref<344320xi32, #tpu.memory_space<hbm>> -> memref<128xi32, #tpu.memory_space<hbm>>
    tpu.wait_dma2 semaphore(%arg27 : memref<!tpu.dma_semaphore, #tpu.memory_space<semaphore_mem>>) src(%dma_wait3A_61 : memref<128xi32, #tpu.memory_space<hbm>>) dst(%arg15 : memref<128xi32, #tpu.memory_space<vmem>>)
    %dma_wait3A_62 = tpu.memref_slice %arg5[%mul3A_4] : memref<344320xi32, #tpu.memory_space<hbm>> -> memref<128xi32, #tpu.memory_space<hbm>>
    %dma_wait3A_63 = tpu.memref_slice %arg5[%mul3A_4] : memref<344320xi32, #tpu.memory_space<hbm>> -> memref<128xi32, #tpu.memory_space<hbm>>
    tpu.wait_dma2 semaphore(%arg28 : memref<!tpu.dma_semaphore, #tpu.memory_space<semaphore_mem>>) src(%dma_wait3A_63 : memref<128xi32, #tpu.memory_space<hbm>>) dst(%arg16 : memref<128xi32, #tpu.memory_space<vmem>>)
    %barrier3A_64 = arith.constant 0 : index
    tpu.barrier barrier_id(%barrier3A_64)
    %mul3A_65 = arith.constant 632 : i32
    %mul3A_66 = arith.muli %arg1, %mul3A_65 : i32
    %mul3A_67 = arith.constant 632 : i32
    %mul3A_68 = arith.muli %arg1, %mul3A_67 : i32
    "tpu.region"() ({
      %run_scoped3A = tpu.sem_alloc : memref<!tpu.dma_semaphore, #tpu.memory_space<semaphore_mem>>
      %dma_start3A_69 = arith.constant 0 : i32
      %dma_start3A_70 = tpu.memref_slice %arg7[%arg0, %mul3A_68, %dma_start3A_69] : memref<2x10112x128xf32, #tpu.memory_space<hbm>> -> memref<1x632x128xf32, #tpu.memory_space<hbm>>
      %dma_start3A_71 = tpu.memref_squeeze %dma_start3A_70 : memref<1x632x128xf32, #tpu.memory_space<hbm>> -> memref<632x128xf32, #tpu.memory_space<hbm>>
      %dma_start3A_72 = arith.constant 0 : i32
      %dma_start3A_73 = tpu.memref_slice %arg8[%mul3A_66, %dma_start3A_72] : memref<10112x128xf32, #tpu.memory_space<vmem_shared>> -> memref<632x128xf32, #tpu.memory_space<vmem_shared>>
      tpu.enqueue_dma source(%dma_start3A_73 : memref<632x128xf32, #tpu.memory_space<vmem_shared>>) target(%dma_start3A_71 : memref<632x128xf32, #tpu.memory_space<hbm>>) target_semaphore(%run_scoped3A : memref<!tpu.dma_semaphore, #tpu.memory_space<semaphore_mem>>)
      %dma_wait3A_74 = arith.constant 0 : i32
      %dma_wait3A_75 = tpu.memref_slice %arg7[%arg0, %mul3A_68, %dma_wait3A_74] : memref<2x10112x128xf32, #tpu.memory_space<hbm>> -> memref<1x632x128xf32, #tpu.memory_space<hbm>>
      %dma_wait3A_76 = tpu.memref_squeeze %dma_wait3A_75 : memref<1x632x128xf32, #tpu.memory_space<hbm>> -> memref<632x128xf32, #tpu.memory_space<hbm>>
      %dma_wait3A_77 = arith.constant 0 : i32
      %dma_wait3A_78 = tpu.memref_slice %arg8[%mul3A_66, %dma_wait3A_77] : memref<10112x128xf32, #tpu.memory_space<vmem_shared>> -> memref<632x128xf32, #tpu.memory_space<vmem_shared>>
      tpu.wait_dma2 semaphore(%run_scoped3A : memref<!tpu.dma_semaphore, #tpu.memory_space<semaphore_mem>>) src(%dma_wait3A_78 : memref<632x128xf32, #tpu.memory_space<vmem_shared>>) dst(%dma_wait3A_76 : memref<632x128xf32, #tpu.memory_space<hbm>>)
      tpu.yield
    }) : () -> ()
    return
  }
}

#map = affine_map<(d0, d1) -> (0, 0)>
#map1 = affine_map<(d0, d1) -> (0)>
#map2 = affine_map<(d0, d1) -> (0, 0, 0)>
module attributes {stable_mosaic.version = 14 : i64} {
  func.func @_edge_kernel(%arg0: i32, %arg1: i32, %arg2: memref<10000x128xf32, #tpu.memory_space<hbm>>, %arg3: memref<10000x128xf32, #tpu.memory_space<hbm>>, %arg4: memref<332160xi32, #tpu.memory_space<hbm>>, %arg5: memref<344320xi32, #tpu.memory_space<hbm>>, %arg6: memref<10112x128xf32, #tpu.memory_space<hbm>>, %arg7: memref<2x10112x128xf32, #tpu.memory_space<hbm>>, %arg8: memref<10112x128xf32, #tpu.memory_space<vmem_shared>>, %arg9: memref<128x128xf32, #tpu.memory_space<vmem>>, %arg10: memref<128x128xf32, #tpu.memory_space<vmem>>, %arg11: memref<128x128xf32, #tpu.memory_space<vmem>>, %arg12: memref<128xi32, #tpu.memory_space<vmem>>, %arg13: memref<128xi32, #tpu.memory_space<vmem>>, %arg14: memref<128xi32, #tpu.memory_space<vmem>>, %arg15: memref<128xi32, #tpu.memory_space<vmem>>, %arg16: memref<128xi32, #tpu.memory_space<vmem>>, %arg17: memref<128xi32, #tpu.memory_space<vmem>>, %arg18: memref<!tpu.dma_semaphore, #tpu.memory_space<semaphore_mem>>, %arg19: memref<!tpu.dma_semaphore, #tpu.memory_space<semaphore_mem>>, %arg20: memref<!tpu.dma_semaphore, #tpu.memory_space<semaphore_mem>>, %arg21: memref<!tpu.dma_semaphore, #tpu.memory_space<semaphore_mem>>, %arg22: memref<!tpu.dma_semaphore, #tpu.memory_space<semaphore_mem>>, %arg23: memref<!tpu.dma_semaphore, #tpu.memory_space<semaphore_mem>>, %arg24: memref<!tpu.dma_semaphore, #tpu.memory_space<semaphore_mem>>, %arg25: memref<!tpu.dma_semaphore, #tpu.memory_space<semaphore_mem>>, %arg26: memref<!tpu.dma_semaphore, #tpu.memory_space<semaphore_mem>>, %arg27: memref<!tpu.dma_semaphore, #tpu.memory_space<semaphore_mem>>, %arg28: memref<!tpu.dma_semaphore, #tpu.memory_space<semaphore_mem>>, %arg29: memref<!tpu.dma_semaphore, #tpu.memory_space<semaphore_mem>>) attributes {dimension_semantics = [#tpu.dimension_semantics<core_parallel>, #tpu.dimension_semantics<subcore_parallel>], iteration_bounds = array<i64: 2, 16>, scalar_prefetch = 0 : i64, scratch_operands = 22 : i64, tpu.core_type = #tpu.core_type<sc_vector_subcore>, window_params = [{transform_indices = #map}, {transform_indices = #map}, {transform_indices = #map1}, {transform_indices = #map1}, {transform_indices = #map}, {transform_indices = #map2}]} {
    %mul3A = arith.constant 632 : i32
    %mul3A_0 = arith.muli %arg1, %mul3A : i32
    %mul3A_1 = arith.constant 632 : i32
    %mul3A_2 = arith.muli %arg1, %mul3A_1 : i32
    "tpu.region"() ({
      %run_scoped3A = tpu.sem_alloc : memref<!tpu.dma_semaphore, #tpu.memory_space<semaphore_mem>>
      %dma_start3A_69 = arith.constant 0 : i32
      %dma_start3A_70 = tpu.memref_slice %arg8[%mul3A_2, %dma_start3A_69] : memref<10112x128xf32, #tpu.memory_space<vmem_shared>> -> memref<632x128xf32, #tpu.memory_space<vmem_shared>>
      %dma_start3A_71 = arith.constant 0 : i32
      %dma_start3A_72 = tpu.memref_slice %arg6[%mul3A_0, %dma_start3A_71] : memref<10112x128xf32, #tpu.memory_space<hbm>> -> memref<632x128xf32, #tpu.memory_space<hbm>>
      tpu.enqueue_dma source(%dma_start3A_72 : memref<632x128xf32, #tpu.memory_space<hbm>>) target(%dma_start3A_70 : memref<632x128xf32, #tpu.memory_space<vmem_shared>>) target_semaphore(%run_scoped3A : memref<!tpu.dma_semaphore, #tpu.memory_space<semaphore_mem>>)
      %dma_wait3A_73 = arith.constant 0 : i32
      %dma_wait3A_74 = tpu.memref_slice %arg8[%mul3A_2, %dma_wait3A_73] : memref<10112x128xf32, #tpu.memory_space<vmem_shared>> -> memref<632x128xf32, #tpu.memory_space<vmem_shared>>
      %dma_wait3A_75 = arith.constant 0 : i32
      %dma_wait3A_76 = tpu.memref_slice %arg6[%mul3A_0, %dma_wait3A_75] : memref<10112x128xf32, #tpu.memory_space<hbm>> -> memref<632x128xf32, #tpu.memory_space<hbm>>
      tpu.wait_dma2 semaphore(%run_scoped3A : memref<!tpu.dma_semaphore, #tpu.memory_space<semaphore_mem>>) src(%dma_wait3A_76 : memref<632x128xf32, #tpu.memory_space<hbm>>) dst(%dma_wait3A_74 : memref<632x128xf32, #tpu.memory_space<vmem_shared>>)
      tpu.yield
    }) : () -> ()
    %barrier3A = arith.constant 0 : index
    tpu.barrier barrier_id(%barrier3A)
    %mul3A_3 = arith.constant 20736 : i32
    %mul3A_4 = arith.muli %arg1, %mul3A_3 : i32
    %add3A = arith.constant 0 : i32
    %add3A_5 = arith.addi %mul3A_4, %add3A : i32
    %dma_start3A = tpu.memref_slice %arg4[%add3A_5] : memref<332160xi32, #tpu.memory_space<hbm>> -> memref<128xi32, #tpu.memory_space<hbm>>
    %dma_start3A_6 = tpu.memref_slice %arg4[%add3A_5] : memref<332160xi32, #tpu.memory_space<hbm>> -> memref<128xi32, #tpu.memory_space<hbm>>
    tpu.enqueue_dma source(%dma_start3A_6 : memref<128xi32, #tpu.memory_space<hbm>>) target(%arg12 : memref<128xi32, #tpu.memory_space<vmem>>) target_semaphore(%arg24 : memref<!tpu.dma_semaphore, #tpu.memory_space<semaphore_mem>>)
    %add3A_7 = arith.constant 128 : i32
    %add3A_8 = arith.addi %mul3A_4, %add3A_7 : i32
    %dma_start3A_9 = tpu.memref_slice %arg4[%add3A_8] : memref<332160xi32, #tpu.memory_space<hbm>> -> memref<128xi32, #tpu.memory_space<hbm>>
    %dma_start3A_10 = tpu.memref_slice %arg4[%add3A_8] : memref<332160xi32, #tpu.memory_space<hbm>> -> memref<128xi32, #tpu.memory_space<hbm>>
    tpu.enqueue_dma source(%dma_start3A_10 : memref<128xi32, #tpu.memory_space<hbm>>) target(%arg13 : memref<128xi32, #tpu.memory_space<vmem>>) target_semaphore(%arg25 : memref<!tpu.dma_semaphore, #tpu.memory_space<semaphore_mem>>)
    %add3A_11 = arith.constant 256 : i32
    %add3A_12 = arith.addi %mul3A_4, %add3A_11 : i32
    %dma_start3A_13 = tpu.memref_slice %arg4[%add3A_12] : memref<332160xi32, #tpu.memory_space<hbm>> -> memref<128xi32, #tpu.memory_space<hbm>>
    %dma_start3A_14 = tpu.memref_slice %arg4[%add3A_12] : memref<332160xi32, #tpu.memory_space<hbm>> -> memref<128xi32, #tpu.memory_space<hbm>>
    tpu.enqueue_dma source(%dma_start3A_14 : memref<128xi32, #tpu.memory_space<hbm>>) target(%arg14 : memref<128xi32, #tpu.memory_space<vmem>>) target_semaphore(%arg26 : memref<!tpu.dma_semaphore, #tpu.memory_space<semaphore_mem>>)
    %add3A_15 = arith.constant 0 : i32
    %add3A_16 = arith.addi %mul3A_4, %add3A_15 : i32
    %dma_start3A_17 = tpu.memref_slice %arg5[%add3A_16] : memref<344320xi32, #tpu.memory_space<hbm>> -> memref<128xi32, #tpu.memory_space<hbm>>
    %dma_start3A_18 = tpu.memref_slice %arg5[%add3A_16] : memref<344320xi32, #tpu.memory_space<hbm>> -> memref<128xi32, #tpu.memory_space<hbm>>
    tpu.enqueue_dma source(%dma_start3A_18 : memref<128xi32, #tpu.memory_space<hbm>>) target(%arg15 : memref<128xi32, #tpu.memory_space<vmem>>) target_semaphore(%arg27 : memref<!tpu.dma_semaphore, #tpu.memory_space<semaphore_mem>>)
    %add3A_19 = arith.constant 128 : i32
    %add3A_20 = arith.addi %mul3A_4, %add3A_19 : i32
    %dma_start3A_21 = tpu.memref_slice %arg5[%add3A_20] : memref<344320xi32, #tpu.memory_space<hbm>> -> memref<128xi32, #tpu.memory_space<hbm>>
    %dma_start3A_22 = tpu.memref_slice %arg5[%add3A_20] : memref<344320xi32, #tpu.memory_space<hbm>> -> memref<128xi32, #tpu.memory_space<hbm>>
    tpu.enqueue_dma source(%dma_start3A_22 : memref<128xi32, #tpu.memory_space<hbm>>) target(%arg16 : memref<128xi32, #tpu.memory_space<vmem>>) target_semaphore(%arg28 : memref<!tpu.dma_semaphore, #tpu.memory_space<semaphore_mem>>)
    %dma_wait3A = tpu.memref_slice %arg4[%mul3A_4] : memref<332160xi32, #tpu.memory_space<hbm>> -> memref<128xi32, #tpu.memory_space<hbm>>
    %dma_wait3A_23 = tpu.memref_slice %arg4[%mul3A_4] : memref<332160xi32, #tpu.memory_space<hbm>> -> memref<128xi32, #tpu.memory_space<hbm>>
    tpu.wait_dma2 semaphore(%arg24 : memref<!tpu.dma_semaphore, #tpu.memory_space<semaphore_mem>>) src(%dma_wait3A_23 : memref<128xi32, #tpu.memory_space<hbm>>) dst(%arg12 : memref<128xi32, #tpu.memory_space<vmem>>)
    %eq3A = arith.constant 0 : i32
    %eq3A_24 = arith.cmpi eq, %arg0, %eq3A : i32
    %convert_element_type3A = arith.extui %eq3A_24 : i1 to i32
    %cond3A = arith.constant 0 : i32
    %cond3A_25 = arith.cmpi ne, %convert_element_type3A, %cond3A : i32
    scf.if %cond3A_25 {
      %dma_start3A_69 = arith.constant 0 : i32
      %dma_start3A_70 = arith.constant 0 : i32
      %dma_start3A_71 = tpu.memref_slice %arg2[%dma_start3A_69, %dma_start3A_70] : memref<10000x128xf32, #tpu.memory_space<hbm>> -> memref<10000x128xf32, #tpu.memory_space<hbm>>
      tpu.enqueue_indirect_dma source(%dma_start3A_71 : memref<10000x128xf32, #tpu.memory_space<hbm>>) target(%arg9 : memref<128x128xf32, #tpu.memory_space<vmem>>) offsets(%arg12 : memref<128xi32, #tpu.memory_space<vmem>>) semaphore(%arg18 : memref<!tpu.dma_semaphore, #tpu.memory_space<semaphore_mem>>)
    } else {
    }
    %eq3A_26 = arith.constant 1 : i32
    %eq3A_27 = arith.cmpi eq, %arg0, %eq3A_26 : i32
    %convert_element_type3A_28 = arith.extui %eq3A_27 : i1 to i32
    %cond3A_29 = arith.constant 0 : i32
    %cond3A_30 = arith.cmpi ne, %convert_element_type3A_28, %cond3A_29 : i32
    scf.if %cond3A_30 {
      %dma_start3A_69 = arith.constant 0 : i32
      %dma_start3A_70 = arith.constant 0 : i32
      %dma_start3A_71 = tpu.memref_slice %arg3[%dma_start3A_69, %dma_start3A_70] : memref<10000x128xf32, #tpu.memory_space<hbm>> -> memref<10000x128xf32, #tpu.memory_space<hbm>>
      tpu.enqueue_indirect_dma source(%dma_start3A_71 : memref<10000x128xf32, #tpu.memory_space<hbm>>) target(%arg9 : memref<128x128xf32, #tpu.memory_space<vmem>>) offsets(%arg12 : memref<128xi32, #tpu.memory_space<vmem>>) semaphore(%arg18 : memref<!tpu.dma_semaphore, #tpu.memory_space<semaphore_mem>>)
    } else {
    }
    %dma_wait3A_31 = tpu.memref_slice %arg4[%mul3A_4] : memref<332160xi32, #tpu.memory_space<hbm>> -> memref<128xi32, #tpu.memory_space<hbm>>
    %dma_wait3A_32 = tpu.memref_slice %arg4[%mul3A_4] : memref<332160xi32, #tpu.memory_space<hbm>> -> memref<128xi32, #tpu.memory_space<hbm>>
    tpu.wait_dma2 semaphore(%arg25 : memref<!tpu.dma_semaphore, #tpu.memory_space<semaphore_mem>>) src(%dma_wait3A_32 : memref<128xi32, #tpu.memory_space<hbm>>) dst(%arg13 : memref<128xi32, #tpu.memory_space<vmem>>)
    %eq3A_33 = arith.constant 0 : i32
    %eq3A_34 = arith.cmpi eq, %arg0, %eq3A_33 : i32
    %convert_element_type3A_35 = arith.extui %eq3A_34 : i1 to i32
    %cond3A_36 = arith.constant 0 : i32
    %cond3A_37 = arith.cmpi ne, %convert_element_type3A_35, %cond3A_36 : i32
    scf.if %cond3A_37 {
      %dma_start3A_69 = arith.constant 0 : i32
      %dma_start3A_70 = arith.constant 0 : i32
      %dma_start3A_71 = tpu.memref_slice %arg2[%dma_start3A_69, %dma_start3A_70] : memref<10000x128xf32, #tpu.memory_space<hbm>> -> memref<10000x128xf32, #tpu.memory_space<hbm>>
      tpu.enqueue_indirect_dma source(%dma_start3A_71 : memref<10000x128xf32, #tpu.memory_space<hbm>>) target(%arg10 : memref<128x128xf32, #tpu.memory_space<vmem>>) offsets(%arg13 : memref<128xi32, #tpu.memory_space<vmem>>) semaphore(%arg19 : memref<!tpu.dma_semaphore, #tpu.memory_space<semaphore_mem>>)
    } else {
    }
    %eq3A_38 = arith.constant 1 : i32
    %eq3A_39 = arith.cmpi eq, %arg0, %eq3A_38 : i32
    %convert_element_type3A_40 = arith.extui %eq3A_39 : i1 to i32
    %cond3A_41 = arith.constant 0 : i32
    %cond3A_42 = arith.cmpi ne, %convert_element_type3A_40, %cond3A_41 : i32
    scf.if %cond3A_42 {
      %dma_start3A_69 = arith.constant 0 : i32
      %dma_start3A_70 = arith.constant 0 : i32
      %dma_start3A_71 = tpu.memref_slice %arg3[%dma_start3A_69, %dma_start3A_70] : memref<10000x128xf32, #tpu.memory_space<hbm>> -> memref<10000x128xf32, #tpu.memory_space<hbm>>
      tpu.enqueue_indirect_dma source(%dma_start3A_71 : memref<10000x128xf32, #tpu.memory_space<hbm>>) target(%arg10 : memref<128x128xf32, #tpu.memory_space<vmem>>) offsets(%arg13 : memref<128xi32, #tpu.memory_space<vmem>>) semaphore(%arg19 : memref<!tpu.dma_semaphore, #tpu.memory_space<semaphore_mem>>)
    } else {
    }
    %scan3A = arith.constant 0 : i32
    %scan3A_43 = arith.constant 0 : i32
    %scan3A_44 = arith.constant 54 : i32
    %scan3A_45 = arith.addi %scan3A_43, %scan3A_44 : i32
    %scan3A_46 = arith.constant 1 : i32
    %scan3A_47 = scf.for %scan3A_69 = %scan3A_43 to %scan3A_45 step %scan3A_46 iter_args(%scan3A_70 = %scan3A) -> (i32)  : i32 {
      %mul3A_71 = arith.constant 3 : i32
      %mul3A_72 = arith.muli %mul3A_71, %scan3A_69 : i32
      %add3A_73 = arith.constant 0 : i32
      %add3A_74 = arith.addi %mul3A_72, %add3A_73 : i32
      %dma_wait3A_75 = arith.constant 0 : i32
      %dma_wait3A_76 = arith.constant 0 : i32
      %dma_wait3A_77 = tpu.memref_slice %arg2[%dma_wait3A_75, %dma_wait3A_76] : memref<10000x128xf32, #tpu.memory_space<hbm>> -> memref<10000x128xf32, #tpu.memory_space<hbm>>
      tpu.wait_indirect_dma semaphore(%arg18 : memref<!tpu.dma_semaphore, #tpu.memory_space<semaphore_mem>>) src(%dma_wait3A_77 : memref<10000x128xf32, #tpu.memory_space<hbm>>) dst(%arg9 : memref<128x128xf32, #tpu.memory_space<vmem>>)
      %add3A_78 = arith.constant 3 : i32
      %add3A_79 = arith.addi %add3A_74, %add3A_78 : i32
      %mul3A_80 = arith.constant 128 : i32
      %mul3A_81 = arith.muli %add3A_79, %mul3A_80 : i32
      %add3A_82 = arith.addi %mul3A_4, %mul3A_81 : i32
      %dma_start3A_83 = tpu.memref_slice %arg4[%add3A_82] : memref<332160xi32, #tpu.memory_space<hbm>> -> memref<128xi32, #tpu.memory_space<hbm>>
      %dma_start3A_84 = tpu.memref_slice %arg4[%add3A_82] : memref<332160xi32, #tpu.memory_space<hbm>> -> memref<128xi32, #tpu.memory_space<hbm>>
      tpu.enqueue_dma source(%dma_start3A_84 : memref<128xi32, #tpu.memory_space<hbm>>) target(%arg12 : memref<128xi32, #tpu.memory_space<vmem>>) target_semaphore(%arg24 : memref<!tpu.dma_semaphore, #tpu.memory_space<semaphore_mem>>)
      %dma_wait3A_85 = tpu.memref_slice %arg5[%mul3A_4] : memref<344320xi32, #tpu.memory_space<hbm>> -> memref<128xi32, #tpu.memory_space<hbm>>
      %dma_wait3A_86 = tpu.memref_slice %arg5[%mul3A_4] : memref<344320xi32, #tpu.memory_space<hbm>> -> memref<128xi32, #tpu.memory_space<hbm>>
      tpu.wait_dma2 semaphore(%arg27 : memref<!tpu.dma_semaphore, #tpu.memory_space<semaphore_mem>>) src(%dma_wait3A_86 : memref<128xi32, #tpu.memory_space<hbm>>) dst(%arg15 : memref<128xi32, #tpu.memory_space<vmem>>)
      %dma_start3A_87 = arith.constant 0 : i32
      %dma_start3A_88 = arith.constant 0 : i32
      %dma_start3A_89 = tpu.memref_slice %arg8[%dma_start3A_87, %dma_start3A_88] : memref<10112x128xf32, #tpu.memory_space<vmem_shared>> -> memref<10112x128xf32, #tpu.memory_space<vmem_shared>>
      tpu.enqueue_indirect_dma source(%arg9 : memref<128x128xf32, #tpu.memory_space<vmem>>) target(%dma_start3A_89 : memref<10112x128xf32, #tpu.memory_space<vmem_shared>>) offsets(%arg15 : memref<128xi32, #tpu.memory_space<vmem>>) semaphore(%arg21 : memref<!tpu.dma_semaphore, #tpu.memory_space<semaphore_mem>>) {add = true}
      %gt3A = arith.constant 0 : i32
      %gt3A_90 = arith.cmpi sgt, %scan3A_69, %gt3A : i32
      %convert_element_type3A_91 = arith.extui %gt3A_90 : i1 to i32
      %cond3A_92 = arith.constant 0 : i32
      %cond3A_93 = arith.cmpi ne, %convert_element_type3A_91, %cond3A_92 : i32
      scf.if %cond3A_93 {
        %dma_wait3A_196 = arith.constant 0 : i32
        %dma_wait3A_197 = arith.constant 0 : i32
        %dma_wait3A_198 = tpu.memref_slice %arg8[%dma_wait3A_196, %dma_wait3A_197] : memref<10112x128xf32, #tpu.memory_space<vmem_shared>> -> memref<10112x128xf32, #tpu.memory_space<vmem_shared>>
        tpu.wait_indirect_dma semaphore(%arg23 : memref<!tpu.dma_semaphore, #tpu.memory_space<semaphore_mem>>) src(%arg11 : memref<128x128xf32, #tpu.memory_space<vmem>>) dst(%dma_wait3A_198 : memref<10112x128xf32, #tpu.memory_space<vmem_shared>>)
      } else {
      }
      %add3A_94 = arith.constant 2 : i32
      %add3A_95 = arith.addi %add3A_74, %add3A_94 : i32
      %mul3A_96 = arith.constant 128 : i32
      %mul3A_97 = arith.muli %add3A_95, %mul3A_96 : i32
      %add3A_98 = arith.addi %mul3A_4, %mul3A_97 : i32
      %dma_start3A_99 = tpu.memref_slice %arg5[%add3A_98] : memref<344320xi32, #tpu.memory_space<hbm>> -> memref<128xi32, #tpu.memory_space<hbm>>
      %dma_start3A_100 = tpu.memref_slice %arg5[%add3A_98] : memref<344320xi32, #tpu.memory_space<hbm>> -> memref<128xi32, #tpu.memory_space<hbm>>
      tpu.enqueue_dma source(%dma_start3A_100 : memref<128xi32, #tpu.memory_space<hbm>>) target(%arg17 : memref<128xi32, #tpu.memory_space<vmem>>) target_semaphore(%arg29 : memref<!tpu.dma_semaphore, #tpu.memory_space<semaphore_mem>>)
      %dma_wait3A_101 = tpu.memref_slice %arg4[%mul3A_4] : memref<332160xi32, #tpu.memory_space<hbm>> -> memref<128xi32, #tpu.memory_space<hbm>>
      %dma_wait3A_102 = tpu.memref_slice %arg4[%mul3A_4] : memref<332160xi32, #tpu.memory_space<hbm>> -> memref<128xi32, #tpu.memory_space<hbm>>
      tpu.wait_dma2 semaphore(%arg26 : memref<!tpu.dma_semaphore, #tpu.memory_space<semaphore_mem>>) src(%dma_wait3A_102 : memref<128xi32, #tpu.memory_space<hbm>>) dst(%arg14 : memref<128xi32, #tpu.memory_space<vmem>>)
      %eq3A_103 = arith.constant 0 : i32
      %eq3A_104 = arith.cmpi eq, %arg0, %eq3A_103 : i32
      %convert_element_type3A_105 = arith.extui %eq3A_104 : i1 to i32
      %cond3A_106 = arith.constant 0 : i32
      %cond3A_107 = arith.cmpi ne, %convert_element_type3A_105, %cond3A_106 : i32
      scf.if %cond3A_107 {
        %dma_start3A_196 = arith.constant 0 : i32
        %dma_start3A_197 = arith.constant 0 : i32
        %dma_start3A_198 = tpu.memref_slice %arg2[%dma_start3A_196, %dma_start3A_197] : memref<10000x128xf32, #tpu.memory_space<hbm>> -> memref<10000x128xf32, #tpu.memory_space<hbm>>
        tpu.enqueue_indirect_dma source(%dma_start3A_198 : memref<10000x128xf32, #tpu.memory_space<hbm>>) target(%arg11 : memref<128x128xf32, #tpu.memory_space<vmem>>) offsets(%arg14 : memref<128xi32, #tpu.memory_space<vmem>>) semaphore(%arg20 : memref<!tpu.dma_semaphore, #tpu.memory_space<semaphore_mem>>)
      } else {
      }
      %eq3A_108 = arith.constant 1 : i32
      %eq3A_109 = arith.cmpi eq, %arg0, %eq3A_108 : i32
      %convert_element_type3A_110 = arith.extui %eq3A_109 : i1 to i32
      %cond3A_111 = arith.constant 0 : i32
      %cond3A_112 = arith.cmpi ne, %convert_element_type3A_110, %cond3A_111 : i32
      scf.if %cond3A_112 {
        %dma_start3A_196 = arith.constant 0 : i32
        %dma_start3A_197 = arith.constant 0 : i32
        %dma_start3A_198 = tpu.memref_slice %arg3[%dma_start3A_196, %dma_start3A_197] : memref<10000x128xf32, #tpu.memory_space<hbm>> -> memref<10000x128xf32, #tpu.memory_space<hbm>>
        tpu.enqueue_indirect_dma source(%dma_start3A_198 : memref<10000x128xf32, #tpu.memory_space<hbm>>) target(%arg11 : memref<128x128xf32, #tpu.memory_space<vmem>>) offsets(%arg14 : memref<128xi32, #tpu.memory_space<vmem>>) semaphore(%arg20 : memref<!tpu.dma_semaphore, #tpu.memory_space<semaphore_mem>>)
      } else {
      }
      %mul3A_113 = arith.constant 3 : i32
      %mul3A_114 = arith.muli %mul3A_113, %scan3A_69 : i32
      %add3A_115 = arith.constant 1 : i32
      %add3A_116 = arith.addi %mul3A_114, %add3A_115 : i32
      %dma_wait3A_117 = arith.constant 0 : i32
      %dma_wait3A_118 = arith.constant 0 : i32
      %dma_wait3A_119 = tpu.memref_slice %arg2[%dma_wait3A_117, %dma_wait3A_118] : memref<10000x128xf32, #tpu.memory_space<hbm>> -> memref<10000x128xf32, #tpu.memory_space<hbm>>
      tpu.wait_indirect_dma semaphore(%arg19 : memref<!tpu.dma_semaphore, #tpu.memory_space<semaphore_mem>>) src(%dma_wait3A_119 : memref<10000x128xf32, #tpu.memory_space<hbm>>) dst(%arg10 : memref<128x128xf32, #tpu.memory_space<vmem>>)
      %add3A_120 = arith.constant 3 : i32
      %add3A_121 = arith.addi %add3A_116, %add3A_120 : i32
      %mul3A_122 = arith.constant 128 : i32
      %mul3A_123 = arith.muli %add3A_121, %mul3A_122 : i32
      %add3A_124 = arith.addi %mul3A_4, %mul3A_123 : i32
      %dma_start3A_125 = tpu.memref_slice %arg4[%add3A_124] : memref<332160xi32, #tpu.memory_space<hbm>> -> memref<128xi32, #tpu.memory_space<hbm>>
      %dma_start3A_126 = tpu.memref_slice %arg4[%add3A_124] : memref<332160xi32, #tpu.memory_space<hbm>> -> memref<128xi32, #tpu.memory_space<hbm>>
      tpu.enqueue_dma source(%dma_start3A_126 : memref<128xi32, #tpu.memory_space<hbm>>) target(%arg13 : memref<128xi32, #tpu.memory_space<vmem>>) target_semaphore(%arg25 : memref<!tpu.dma_semaphore, #tpu.memory_space<semaphore_mem>>)
      %dma_wait3A_127 = tpu.memref_slice %arg5[%mul3A_4] : memref<344320xi32, #tpu.memory_space<hbm>> -> memref<128xi32, #tpu.memory_space<hbm>>
      %dma_wait3A_128 = tpu.memref_slice %arg5[%mul3A_4] : memref<344320xi32, #tpu.memory_space<hbm>> -> memref<128xi32, #tpu.memory_space<hbm>>
      tpu.wait_dma2 semaphore(%arg28 : memref<!tpu.dma_semaphore, #tpu.memory_space<semaphore_mem>>) src(%dma_wait3A_128 : memref<128xi32, #tpu.memory_space<hbm>>) dst(%arg16 : memref<128xi32, #tpu.memory_space<vmem>>)
      %dma_start3A_129 = arith.constant 0 : i32
      %dma_start3A_130 = arith.constant 0 : i32
      %dma_start3A_131 = tpu.memref_slice %arg8[%dma_start3A_129, %dma_start3A_130] : memref<10112x128xf32, #tpu.memory_space<vmem_shared>> -> memref<10112x128xf32, #tpu.memory_space<vmem_shared>>
      tpu.enqueue_indirect_dma source(%arg10 : memref<128x128xf32, #tpu.memory_space<vmem>>) target(%dma_start3A_131 : memref<10112x128xf32, #tpu.memory_space<vmem_shared>>) offsets(%arg16 : memref<128xi32, #tpu.memory_space<vmem>>) semaphore(%arg22 : memref<!tpu.dma_semaphore, #tpu.memory_space<semaphore_mem>>) {add = true}
      %dma_wait3A_132 = arith.constant 0 : i32
      %dma_wait3A_133 = arith.constant 0 : i32
      %dma_wait3A_134 = tpu.memref_slice %arg8[%dma_wait3A_132, %dma_wait3A_133] : memref<10112x128xf32, #tpu.memory_space<vmem_shared>> -> memref<10112x128xf32, #tpu.memory_space<vmem_shared>>
      tpu.wait_indirect_dma semaphore(%arg21 : memref<!tpu.dma_semaphore, #tpu.memory_space<semaphore_mem>>) src(%arg9 : memref<128x128xf32, #tpu.memory_space<vmem>>) dst(%dma_wait3A_134 : memref<10112x128xf32, #tpu.memory_space<vmem_shared>>)
      %add3A_135 = arith.constant 2 : i32
      %add3A_136 = arith.addi %add3A_116, %add3A_135 : i32
      %mul3A_137 = arith.constant 128 : i32
      %mul3A_138 = arith.muli %add3A_136, %mul3A_137 : i32
      %add3A_139 = arith.addi %mul3A_4, %mul3A_138 : i32
      %dma_start3A_140 = tpu.memref_slice %arg5[%add3A_139] : memref<344320xi32, #tpu.memory_space<hbm>> -> memref<128xi32, #tpu.memory_space<hbm>>
      %dma_start3A_141 = tpu.memref_slice %arg5[%add3A_139] : memref<344320xi32, #tpu.memory_space<hbm>> -> memref<128xi32, #tpu.memory_space<hbm>>
      tpu.enqueue_dma source(%dma_start3A_141 : memref<128xi32, #tpu.memory_space<hbm>>) target(%arg15 : memref<128xi32, #tpu.memory_space<vmem>>) target_semaphore(%arg27 : memref<!tpu.dma_semaphore, #tpu.memory_space<semaphore_mem>>)
      %dma_wait3A_142 = tpu.memref_slice %arg4[%mul3A_4] : memref<332160xi32, #tpu.memory_space<hbm>> -> memref<128xi32, #tpu.memory_space<hbm>>
      %dma_wait3A_143 = tpu.memref_slice %arg4[%mul3A_4] : memref<332160xi32, #tpu.memory_space<hbm>> -> memref<128xi32, #tpu.memory_space<hbm>>
      tpu.wait_dma2 semaphore(%arg24 : memref<!tpu.dma_semaphore, #tpu.memory_space<semaphore_mem>>) src(%dma_wait3A_143 : memref<128xi32, #tpu.memory_space<hbm>>) dst(%arg12 : memref<128xi32, #tpu.memory_space<vmem>>)
      %eq3A_144 = arith.constant 0 : i32
      %eq3A_145 = arith.cmpi eq, %arg0, %eq3A_144 : i32
      %convert_element_type3A_146 = arith.extui %eq3A_145 : i1 to i32
      %cond3A_147 = arith.constant 0 : i32
      %cond3A_148 = arith.cmpi ne, %convert_element_type3A_146, %cond3A_147 : i32
      scf.if %cond3A_148 {
        %dma_start3A_196 = arith.constant 0 : i32
        %dma_start3A_197 = arith.constant 0 : i32
        %dma_start3A_198 = tpu.memref_slice %arg2[%dma_start3A_196, %dma_start3A_197] : memref<10000x128xf32, #tpu.memory_space<hbm>> -> memref<10000x128xf32, #tpu.memory_space<hbm>>
        tpu.enqueue_indirect_dma source(%dma_start3A_198 : memref<10000x128xf32, #tpu.memory_space<hbm>>) target(%arg9 : memref<128x128xf32, #tpu.memory_space<vmem>>) offsets(%arg12 : memref<128xi32, #tpu.memory_space<vmem>>) semaphore(%arg18 : memref<!tpu.dma_semaphore, #tpu.memory_space<semaphore_mem>>)
      } else {
      }
      %eq3A_149 = arith.constant 1 : i32
      %eq3A_150 = arith.cmpi eq, %arg0, %eq3A_149 : i32
      %convert_element_type3A_151 = arith.extui %eq3A_150 : i1 to i32
      %cond3A_152 = arith.constant 0 : i32
      %cond3A_153 = arith.cmpi ne, %convert_element_type3A_151, %cond3A_152 : i32
      scf.if %cond3A_153 {
        %dma_start3A_196 = arith.constant 0 : i32
        %dma_start3A_197 = arith.constant 0 : i32
        %dma_start3A_198 = tpu.memref_slice %arg3[%dma_start3A_196, %dma_start3A_197] : memref<10000x128xf32, #tpu.memory_space<hbm>> -> memref<10000x128xf32, #tpu.memory_space<hbm>>
        tpu.enqueue_indirect_dma source(%dma_start3A_198 : memref<10000x128xf32, #tpu.memory_space<hbm>>) target(%arg9 : memref<128x128xf32, #tpu.memory_space<vmem>>) offsets(%arg12 : memref<128xi32, #tpu.memory_space<vmem>>) semaphore(%arg18 : memref<!tpu.dma_semaphore, #tpu.memory_space<semaphore_mem>>)
      } else {
      }
      %mul3A_154 = arith.constant 3 : i32
      %mul3A_155 = arith.muli %mul3A_154, %scan3A_69 : i32
      %add3A_156 = arith.constant 2 : i32
      %add3A_157 = arith.addi %mul3A_155, %add3A_156 : i32
      %dma_wait3A_158 = arith.constant 0 : i32
      %dma_wait3A_159 = arith.constant 0 : i32
      %dma_wait3A_160 = tpu.memref_slice %arg2[%dma_wait3A_158, %dma_wait3A_159] : memref<10000x128xf32, #tpu.memory_space<hbm>> -> memref<10000x128xf32, #tpu.memory_space<hbm>>
      tpu.wait_indirect_dma semaphore(%arg20 : memref<!tpu.dma_semaphore, #tpu.memory_space<semaphore_mem>>) src(%dma_wait3A_160 : memref<10000x128xf32, #tpu.memory_space<hbm>>) dst(%arg11 : memref<128x128xf32, #tpu.memory_space<vmem>>)
      %add3A_161 = arith.constant 3 : i32
      %add3A_162 = arith.addi %add3A_157, %add3A_161 : i32
      %mul3A_163 = arith.constant 128 : i32
      %mul3A_164 = arith.muli %add3A_162, %mul3A_163 : i32
      %add3A_165 = arith.addi %mul3A_4, %mul3A_164 : i32
      %dma_start3A_166 = tpu.memref_slice %arg4[%add3A_165] : memref<332160xi32, #tpu.memory_space<hbm>> -> memref<128xi32, #tpu.memory_space<hbm>>
      %dma_start3A_167 = tpu.memref_slice %arg4[%add3A_165] : memref<332160xi32, #tpu.memory_space<hbm>> -> memref<128xi32, #tpu.memory_space<hbm>>
      tpu.enqueue_dma source(%dma_start3A_167 : memref<128xi32, #tpu.memory_space<hbm>>) target(%arg14 : memref<128xi32, #tpu.memory_space<vmem>>) target_semaphore(%arg26 : memref<!tpu.dma_semaphore, #tpu.memory_space<semaphore_mem>>)
      %dma_wait3A_168 = tpu.memref_slice %arg5[%mul3A_4] : memref<344320xi32, #tpu.memory_space<hbm>> -> memref<128xi32, #tpu.memory_space<hbm>>
      %dma_wait3A_169 = tpu.memref_slice %arg5[%mul3A_4] : memref<344320xi32, #tpu.memory_space<hbm>> -> memref<128xi32, #tpu.memory_space<hbm>>
      tpu.wait_dma2 semaphore(%arg29 : memref<!tpu.dma_semaphore, #tpu.memory_space<semaphore_mem>>) src(%dma_wait3A_169 : memref<128xi32, #tpu.memory_space<hbm>>) dst(%arg17 : memref<128xi32, #tpu.memory_space<vmem>>)
      %dma_start3A_170 = arith.constant 0 : i32
      %dma_start3A_171 = arith.constant 0 : i32
      %dma_start3A_172 = tpu.memref_slice %arg8[%dma_start3A_170, %dma_start3A_171] : memref<10112x128xf32, #tpu.memory_space<vmem_shared>> -> memref<10112x128xf32, #tpu.memory_space<vmem_shared>>
      tpu.enqueue_indirect_dma source(%arg11 : memref<128x128xf32, #tpu.memory_space<vmem>>) target(%dma_start3A_172 : memref<10112x128xf32, #tpu.memory_space<vmem_shared>>) offsets(%arg17 : memref<128xi32, #tpu.memory_space<vmem>>) semaphore(%arg23 : memref<!tpu.dma_semaphore, #tpu.memory_space<semaphore_mem>>) {add = true}
      %dma_wait3A_173 = arith.constant 0 : i32
      %dma_wait3A_174 = arith.constant 0 : i32
      %dma_wait3A_175 = tpu.memref_slice %arg8[%dma_wait3A_173, %dma_wait3A_174] : memref<10112x128xf32, #tpu.memory_space<vmem_shared>> -> memref<10112x128xf32, #tpu.memory_space<vmem_shared>>
      tpu.wait_indirect_dma semaphore(%arg22 : memref<!tpu.dma_semaphore, #tpu.memory_space<semaphore_mem>>) src(%arg10 : memref<128x128xf32, #tpu.memory_space<vmem>>) dst(%dma_wait3A_175 : memref<10112x128xf32, #tpu.memory_space<vmem_shared>>)
      %add3A_176 = arith.constant 2 : i32
      %add3A_177 = arith.addi %add3A_157, %add3A_176 : i32
      %mul3A_178 = arith.constant 128 : i32
      %mul3A_179 = arith.muli %add3A_177, %mul3A_178 : i32
      %add3A_180 = arith.addi %mul3A_4, %mul3A_179 : i32
      %dma_start3A_181 = tpu.memref_slice %arg5[%add3A_180] : memref<344320xi32, #tpu.memory_space<hbm>> -> memref<128xi32, #tpu.memory_space<hbm>>
      %dma_start3A_182 = tpu.memref_slice %arg5[%add3A_180] : memref<344320xi32, #tpu.memory_space<hbm>> -> memref<128xi32, #tpu.memory_space<hbm>>
      tpu.enqueue_dma source(%dma_start3A_182 : memref<128xi32, #tpu.memory_space<hbm>>) target(%arg16 : memref<128xi32, #tpu.memory_space<vmem>>) target_semaphore(%arg28 : memref<!tpu.dma_semaphore, #tpu.memory_space<semaphore_mem>>)
      %dma_wait3A_183 = tpu.memref_slice %arg4[%mul3A_4] : memref<332160xi32, #tpu.memory_space<hbm>> -> memref<128xi32, #tpu.memory_space<hbm>>
      %dma_wait3A_184 = tpu.memref_slice %arg4[%mul3A_4] : memref<332160xi32, #tpu.memory_space<hbm>> -> memref<128xi32, #tpu.memory_space<hbm>>
      tpu.wait_dma2 semaphore(%arg25 : memref<!tpu.dma_semaphore, #tpu.memory_space<semaphore_mem>>) src(%dma_wait3A_184 : memref<128xi32, #tpu.memory_space<hbm>>) dst(%arg13 : memref<128xi32, #tpu.memory_space<vmem>>)
      %eq3A_185 = arith.constant 0 : i32
      %eq3A_186 = arith.cmpi eq, %arg0, %eq3A_185 : i32
      %convert_element_type3A_187 = arith.extui %eq3A_186 : i1 to i32
      %cond3A_188 = arith.constant 0 : i32
      %cond3A_189 = arith.cmpi ne, %convert_element_type3A_187, %cond3A_188 : i32
      scf.if %cond3A_189 {
        %dma_start3A_196 = arith.constant 0 : i32
        %dma_start3A_197 = arith.constant 0 : i32
        %dma_start3A_198 = tpu.memref_slice %arg2[%dma_start3A_196, %dma_start3A_197] : memref<10000x128xf32, #tpu.memory_space<hbm>> -> memref<10000x128xf32, #tpu.memory_space<hbm>>
        tpu.enqueue_indirect_dma source(%dma_start3A_198 : memref<10000x128xf32, #tpu.memory_space<hbm>>) target(%arg10 : memref<128x128xf32, #tpu.memory_space<vmem>>) offsets(%arg13 : memref<128xi32, #tpu.memory_space<vmem>>) semaphore(%arg19 : memref<!tpu.dma_semaphore, #tpu.memory_space<semaphore_mem>>)
      } else {
      }
      %eq3A_190 = arith.constant 1 : i32
      %eq3A_191 = arith.cmpi eq, %arg0, %eq3A_190 : i32
      %convert_element_type3A_192 = arith.extui %eq3A_191 : i1 to i32
      %cond3A_193 = arith.constant 0 : i32
      %cond3A_194 = arith.cmpi ne, %convert_element_type3A_192, %cond3A_193 : i32
      scf.if %cond3A_194 {
        %dma_start3A_196 = arith.constant 0 : i32
        %dma_start3A_197 = arith.constant 0 : i32
        %dma_start3A_198 = tpu.memref_slice %arg3[%dma_start3A_196, %dma_start3A_197] : memref<10000x128xf32, #tpu.memory_space<hbm>> -> memref<10000x128xf32, #tpu.memory_space<hbm>>
        tpu.enqueue_indirect_dma source(%dma_start3A_198 : memref<10000x128xf32, #tpu.memory_space<hbm>>) target(%arg10 : memref<128x128xf32, #tpu.memory_space<vmem>>) offsets(%arg13 : memref<128xi32, #tpu.memory_space<vmem>>) semaphore(%arg19 : memref<!tpu.dma_semaphore, #tpu.memory_space<semaphore_mem>>)
      } else {
      }
      %scan3A_195 = arith.constant 0 : i32
      scf.yield %scan3A_195 : i32
    }
    %scan3A_48 = arith.constant 54 : i32
    %dma_wait3A_49 = arith.constant 0 : i32
    %dma_wait3A_50 = arith.constant 0 : i32
    %dma_wait3A_51 = tpu.memref_slice %arg2[%dma_wait3A_49, %dma_wait3A_50] : memref<10000x128xf32, #tpu.memory_space<hbm>> -> memref<10000x128xf32, #tpu.memory_space<hbm>>
    tpu.wait_indirect_dma semaphore(%arg18 : memref<!tpu.dma_semaphore, #tpu.memory_space<semaphore_mem>>) src(%dma_wait3A_51 : memref<10000x128xf32, #tpu.memory_space<hbm>>) dst(%arg9 : memref<128x128xf32, #tpu.memory_space<vmem>>)
    %dma_wait3A_52 = arith.constant 0 : i32
    %dma_wait3A_53 = arith.constant 0 : i32
    %dma_wait3A_54 = tpu.memref_slice %arg2[%dma_wait3A_52, %dma_wait3A_53] : memref<10000x128xf32, #tpu.memory_space<hbm>> -> memref<10000x128xf32, #tpu.memory_space<hbm>>
    tpu.wait_indirect_dma semaphore(%arg19 : memref<!tpu.dma_semaphore, #tpu.memory_space<semaphore_mem>>) src(%dma_wait3A_54 : memref<10000x128xf32, #tpu.memory_space<hbm>>) dst(%arg10 : memref<128x128xf32, #tpu.memory_space<vmem>>)
    %dma_wait3A_55 = arith.constant 0 : i32
    %dma_wait3A_56 = arith.constant 0 : i32
    %dma_wait3A_57 = tpu.memref_slice %arg8[%dma_wait3A_55, %dma_wait3A_56] : memref<10112x128xf32, #tpu.memory_space<vmem_shared>> -> memref<10112x128xf32, #tpu.memory_space<vmem_shared>>
    tpu.wait_indirect_dma semaphore(%arg23 : memref<!tpu.dma_semaphore, #tpu.memory_space<semaphore_mem>>) src(%arg11 : memref<128x128xf32, #tpu.memory_space<vmem>>) dst(%dma_wait3A_57 : memref<10112x128xf32, #tpu.memory_space<vmem_shared>>)
    %dma_wait3A_58 = tpu.memref_slice %arg4[%mul3A_4] : memref<332160xi32, #tpu.memory_space<hbm>> -> memref<128xi32, #tpu.memory_space<hbm>>
    %dma_wait3A_59 = tpu.memref_slice %arg4[%mul3A_4] : memref<332160xi32, #tpu.memory_space<hbm>> -> memref<128xi32, #tpu.memory_space<hbm>>
    tpu.wait_dma2 semaphore(%arg26 : memref<!tpu.dma_semaphore, #tpu.memory_space<semaphore_mem>>) src(%dma_wait3A_59 : memref<128xi32, #tpu.memory_space<hbm>>) dst(%arg14 : memref<128xi32, #tpu.memory_space<vmem>>)
    %dma_wait3A_60 = tpu.memref_slice %arg5[%mul3A_4] : memref<344320xi32, #tpu.memory_space<hbm>> -> memref<128xi32, #tpu.memory_space<hbm>>
    %dma_wait3A_61 = tpu.memref_slice %arg5[%mul3A_4] : memref<344320xi32, #tpu.memory_space<hbm>> -> memref<128xi32, #tpu.memory_space<hbm>>
    tpu.wait_dma2 semaphore(%arg27 : memref<!tpu.dma_semaphore, #tpu.memory_space<semaphore_mem>>) src(%dma_wait3A_61 : memref<128xi32, #tpu.memory_space<hbm>>) dst(%arg15 : memref<128xi32, #tpu.memory_space<vmem>>)
    %dma_wait3A_62 = tpu.memref_slice %arg5[%mul3A_4] : memref<344320xi32, #tpu.memory_space<hbm>> -> memref<128xi32, #tpu.memory_space<hbm>>
    %dma_wait3A_63 = tpu.memref_slice %arg5[%mul3A_4] : memref<344320xi32, #tpu.memory_space<hbm>> -> memref<128xi32, #tpu.memory_space<hbm>>
    tpu.wait_dma2 semaphore(%arg28 : memref<!tpu.dma_semaphore, #tpu.memory_space<semaphore_mem>>) src(%dma_wait3A_63 : memref<128xi32, #tpu.memory_space<hbm>>) dst(%arg16 : memref<128xi32, #tpu.memory_space<vmem>>)
    %barrier3A_64 = arith.constant 0 : index
    tpu.barrier barrier_id(%barrier3A_64)
    %mul3A_65 = arith.constant 632 : i32
    %mul3A_66 = arith.muli %arg1, %mul3A_65 : i32
    %mul3A_67 = arith.constant 632 : i32
    %mul3A_68 = arith.muli %arg1, %mul3A_67 : i32
    "tpu.region"() ({
      %run_scoped3A = tpu.sem_alloc : memref<!tpu.dma_semaphore, #tpu.memory_space<semaphore_mem>>
      %dma_start3A_69 = arith.constant 0 : i32
      %dma_start3A_70 = tpu.memref_slice %arg7[%arg0, %mul3A_68, %dma_start3A_69] : memref<2x10112x128xf32, #tpu.memory_space<hbm>> -> memref<1x632x128xf32, #tpu.memory_space<hbm>>
      %dma_start3A_71 = tpu.memref_squeeze %dma_start3A_70 : memref<1x632x128xf32, #tpu.memory_space<hbm>> -> memref<632x128xf32, #tpu.memory_space<hbm>>
      %dma_start3A_72 = arith.constant 0 : i32
      %dma_start3A_73 = tpu.memref_slice %arg8[%mul3A_66, %dma_start3A_72] : memref<10112x128xf32, #tpu.memory_space<vmem_shared>> -> memref<632x128xf32, #tpu.memory_space<vmem_shared>>
      tpu.enqueue_dma source(%dma_start3A_73 : memref<632x128xf32, #tpu.memory_space<vmem_shared>>) target(%dma_start3A_71 : memref<632x128xf32, #tpu.memory_space<hbm>>) target_semaphore(%run_scoped3A : memref<!tpu.dma_semaphore, #tpu.memory_space<semaphore_mem>>)
      %dma_wait3A_74 = arith.constant 0 : i32
      %dma_wait3A_75 = tpu.memref_slice %arg7[%arg0, %mul3A_68, %dma_wait3A_74] : memref<2x10112x128xf32, #tpu.memory_space<hbm>> -> memref<1x632x128xf32, #tpu.memory_space<hbm>>
      %dma_wait3A_76 = tpu.memref_squeeze %dma_wait3A_75 : memref<1x632x128xf32, #tpu.memory_space<hbm>> -> memref<632x128xf32, #tpu.memory_space<hbm>>
      %dma_wait3A_77 = arith.constant 0 : i32
      %dma_wait3A_78 = tpu.memref_slice %arg8[%mul3A_66, %dma_wait3A_77] : memref<10112x128xf32, #tpu.memory_space<vmem_shared>> -> memref<632x128xf32, #tpu.memory_space<vmem_shared>>
      tpu.wait_dma2 semaphore(%run_scoped3A : memref<!tpu.dma_semaphore, #tpu.memory_space<semaphore_mem>>) src(%dma_wait3A_78 : memref<632x128xf32, #tpu.memory_space<vmem_shared>>) dst(%dma_wait3A_76 : memref<632x128xf32, #tpu.memory_space<hbm>>)
      tpu.yield
    }) : () -> ()
    return
  }
}

#map = affine_map<(d0, d1) -> (0, 0)>
#map1 = affine_map<(d0, d1) -> (0)>
#map2 = affine_map<(d0, d1) -> (0, 0, 0)>
module attributes {stable_mosaic.version = 14 : i64} {
  func.func @_edge_kernel(%arg0: i32, %arg1: i32, %arg2: memref<10000x128xf32, #tpu.memory_space<hbm>>, %arg3: memref<10000x128xf32, #tpu.memory_space<hbm>>, %arg4: memref<332160xi32, #tpu.memory_space<hbm>>, %arg5: memref<344320xi32, #tpu.memory_space<hbm>>, %arg6: memref<10112x128xf32, #tpu.memory_space<hbm>>, %arg7: memref<2x10112x128xf32, #tpu.memory_space<hbm>>, %arg8: memref<10112x128xf32, #tpu.memory_space<vmem_shared>>, %arg9: memref<128x128xf32, #tpu.memory_space<vmem>>, %arg10: memref<128x128xf32, #tpu.memory_space<vmem>>, %arg11: memref<128x128xf32, #tpu.memory_space<vmem>>, %arg12: memref<128xi32, #tpu.memory_space<vmem>>, %arg13: memref<128xi32, #tpu.memory_space<vmem>>, %arg14: memref<128xi32, #tpu.memory_space<vmem>>, %arg15: memref<128xi32, #tpu.memory_space<vmem>>, %arg16: memref<128xi32, #tpu.memory_space<vmem>>, %arg17: memref<128xi32, #tpu.memory_space<vmem>>, %arg18: memref<!tpu.dma_semaphore, #tpu.memory_space<semaphore_mem>>, %arg19: memref<!tpu.dma_semaphore, #tpu.memory_space<semaphore_mem>>, %arg20: memref<!tpu.dma_semaphore, #tpu.memory_space<semaphore_mem>>, %arg21: memref<!tpu.dma_semaphore, #tpu.memory_space<semaphore_mem>>, %arg22: memref<!tpu.dma_semaphore, #tpu.memory_space<semaphore_mem>>, %arg23: memref<!tpu.dma_semaphore, #tpu.memory_space<semaphore_mem>>, %arg24: memref<!tpu.dma_semaphore, #tpu.memory_space<semaphore_mem>>, %arg25: memref<!tpu.dma_semaphore, #tpu.memory_space<semaphore_mem>>, %arg26: memref<!tpu.dma_semaphore, #tpu.memory_space<semaphore_mem>>, %arg27: memref<!tpu.dma_semaphore, #tpu.memory_space<semaphore_mem>>, %arg28: memref<!tpu.dma_semaphore, #tpu.memory_space<semaphore_mem>>, %arg29: memref<!tpu.dma_semaphore, #tpu.memory_space<semaphore_mem>>) attributes {dimension_semantics = [#tpu.dimension_semantics<core_parallel>, #tpu.dimension_semantics<subcore_parallel>], iteration_bounds = array<i64: 2, 16>, scalar_prefetch = 0 : i64, scratch_operands = 22 : i64, tpu.core_type = #tpu.core_type<sc_vector_subcore>, window_params = [{transform_indices = #map}, {transform_indices = #map}, {transform_indices = #map1}, {transform_indices = #map1}, {transform_indices = #map}, {transform_indices = #map2}]} {
    %mul3A = arith.constant 632 : i32
    %mul3A_0 = arith.muli %arg1, %mul3A : i32
    %mul3A_1 = arith.constant 632 : i32
    %mul3A_2 = arith.muli %arg1, %mul3A_1 : i32
    "tpu.region"() ({
      %run_scoped3A = tpu.sem_alloc : memref<!tpu.dma_semaphore, #tpu.memory_space<semaphore_mem>>
      %dma_start3A_69 = arith.constant 0 : i32
      %dma_start3A_70 = tpu.memref_slice %arg8[%mul3A_2, %dma_start3A_69] : memref<10112x128xf32, #tpu.memory_space<vmem_shared>> -> memref<632x128xf32, #tpu.memory_space<vmem_shared>>
      %dma_start3A_71 = arith.constant 0 : i32
      %dma_start3A_72 = tpu.memref_slice %arg6[%mul3A_0, %dma_start3A_71] : memref<10112x128xf32, #tpu.memory_space<hbm>> -> memref<632x128xf32, #tpu.memory_space<hbm>>
      tpu.enqueue_dma source(%dma_start3A_72 : memref<632x128xf32, #tpu.memory_space<hbm>>) target(%dma_start3A_70 : memref<632x128xf32, #tpu.memory_space<vmem_shared>>) target_semaphore(%run_scoped3A : memref<!tpu.dma_semaphore, #tpu.memory_space<semaphore_mem>>)
      %dma_wait3A_73 = arith.constant 0 : i32
      %dma_wait3A_74 = tpu.memref_slice %arg8[%mul3A_2, %dma_wait3A_73] : memref<10112x128xf32, #tpu.memory_space<vmem_shared>> -> memref<632x128xf32, #tpu.memory_space<vmem_shared>>
      %dma_wait3A_75 = arith.constant 0 : i32
      %dma_wait3A_76 = tpu.memref_slice %arg6[%mul3A_0, %dma_wait3A_75] : memref<10112x128xf32, #tpu.memory_space<hbm>> -> memref<632x128xf32, #tpu.memory_space<hbm>>
      tpu.wait_dma2 semaphore(%run_scoped3A : memref<!tpu.dma_semaphore, #tpu.memory_space<semaphore_mem>>) src(%dma_wait3A_76 : memref<632x128xf32, #tpu.memory_space<hbm>>) dst(%dma_wait3A_74 : memref<632x128xf32, #tpu.memory_space<vmem_shared>>)
      tpu.yield
    }) : () -> ()
    %barrier3A = arith.constant 0 : index
    tpu.barrier barrier_id(%barrier3A)
    %mul3A_3 = arith.constant 20736 : i32
    %mul3A_4 = arith.muli %arg1, %mul3A_3 : i32
    %add3A = arith.constant 0 : i32
    %add3A_5 = arith.addi %mul3A_4, %add3A : i32
    %dma_start3A = tpu.memref_slice %arg4[%add3A_5] : memref<332160xi32, #tpu.memory_space<hbm>> -> memref<128xi32, #tpu.memory_space<hbm>>
    %dma_start3A_6 = tpu.memref_slice %arg4[%add3A_5] : memref<332160xi32, #tpu.memory_space<hbm>> -> memref<128xi32, #tpu.memory_space<hbm>>
    tpu.enqueue_dma source(%dma_start3A_6 : memref<128xi32, #tpu.memory_space<hbm>>) target(%arg12 : memref<128xi32, #tpu.memory_space<vmem>>) target_semaphore(%arg24 : memref<!tpu.dma_semaphore, #tpu.memory_space<semaphore_mem>>)
    %add3A_7 = arith.constant 128 : i32
    %add3A_8 = arith.addi %mul3A_4, %add3A_7 : i32
    %dma_start3A_9 = tpu.memref_slice %arg4[%add3A_8] : memref<332160xi32, #tpu.memory_space<hbm>> -> memref<128xi32, #tpu.memory_space<hbm>>
    %dma_start3A_10 = tpu.memref_slice %arg4[%add3A_8] : memref<332160xi32, #tpu.memory_space<hbm>> -> memref<128xi32, #tpu.memory_space<hbm>>
    tpu.enqueue_dma source(%dma_start3A_10 : memref<128xi32, #tpu.memory_space<hbm>>) target(%arg13 : memref<128xi32, #tpu.memory_space<vmem>>) target_semaphore(%arg25 : memref<!tpu.dma_semaphore, #tpu.memory_space<semaphore_mem>>)
    %add3A_11 = arith.constant 256 : i32
    %add3A_12 = arith.addi %mul3A_4, %add3A_11 : i32
    %dma_start3A_13 = tpu.memref_slice %arg4[%add3A_12] : memref<332160xi32, #tpu.memory_space<hbm>> -> memref<128xi32, #tpu.memory_space<hbm>>
    %dma_start3A_14 = tpu.memref_slice %arg4[%add3A_12] : memref<332160xi32, #tpu.memory_space<hbm>> -> memref<128xi32, #tpu.memory_space<hbm>>
    tpu.enqueue_dma source(%dma_start3A_14 : memref<128xi32, #tpu.memory_space<hbm>>) target(%arg14 : memref<128xi32, #tpu.memory_space<vmem>>) target_semaphore(%arg26 : memref<!tpu.dma_semaphore, #tpu.memory_space<semaphore_mem>>)
    %add3A_15 = arith.constant 0 : i32
    %add3A_16 = arith.addi %mul3A_4, %add3A_15 : i32
    %dma_start3A_17 = tpu.memref_slice %arg5[%add3A_16] : memref<344320xi32, #tpu.memory_space<hbm>> -> memref<128xi32, #tpu.memory_space<hbm>>
    %dma_start3A_18 = tpu.memref_slice %arg5[%add3A_16] : memref<344320xi32, #tpu.memory_space<hbm>> -> memref<128xi32, #tpu.memory_space<hbm>>
    tpu.enqueue_dma source(%dma_start3A_18 : memref<128xi32, #tpu.memory_space<hbm>>) target(%arg15 : memref<128xi32, #tpu.memory_space<vmem>>) target_semaphore(%arg27 : memref<!tpu.dma_semaphore, #tpu.memory_space<semaphore_mem>>)
    %add3A_19 = arith.constant 128 : i32
    %add3A_20 = arith.addi %mul3A_4, %add3A_19 : i32
    %dma_start3A_21 = tpu.memref_slice %arg5[%add3A_20] : memref<344320xi32, #tpu.memory_space<hbm>> -> memref<128xi32, #tpu.memory_space<hbm>>
    %dma_start3A_22 = tpu.memref_slice %arg5[%add3A_20] : memref<344320xi32, #tpu.memory_space<hbm>> -> memref<128xi32, #tpu.memory_space<hbm>>
    tpu.enqueue_dma source(%dma_start3A_22 : memref<128xi32, #tpu.memory_space<hbm>>) target(%arg16 : memref<128xi32, #tpu.memory_space<vmem>>) target_semaphore(%arg28 : memref<!tpu.dma_semaphore, #tpu.memory_space<semaphore_mem>>)
    %dma_wait3A = tpu.memref_slice %arg4[%mul3A_4] : memref<332160xi32, #tpu.memory_space<hbm>> -> memref<128xi32, #tpu.memory_space<hbm>>
    %dma_wait3A_23 = tpu.memref_slice %arg4[%mul3A_4] : memref<332160xi32, #tpu.memory_space<hbm>> -> memref<128xi32, #tpu.memory_space<hbm>>
    tpu.wait_dma2 semaphore(%arg24 : memref<!tpu.dma_semaphore, #tpu.memory_space<semaphore_mem>>) src(%dma_wait3A_23 : memref<128xi32, #tpu.memory_space<hbm>>) dst(%arg12 : memref<128xi32, #tpu.memory_space<vmem>>)
    %eq3A = arith.constant 0 : i32
    %eq3A_24 = arith.cmpi eq, %arg0, %eq3A : i32
    %convert_element_type3A = arith.extui %eq3A_24 : i1 to i32
    %cond3A = arith.constant 0 : i32
    %cond3A_25 = arith.cmpi ne, %convert_element_type3A, %cond3A : i32
    scf.if %cond3A_25 {
      %dma_start3A_69 = arith.constant 0 : i32
      %dma_start3A_70 = arith.constant 0 : i32
      %dma_start3A_71 = tpu.memref_slice %arg2[%dma_start3A_69, %dma_start3A_70] : memref<10000x128xf32, #tpu.memory_space<hbm>> -> memref<10000x128xf32, #tpu.memory_space<hbm>>
      tpu.enqueue_indirect_dma source(%dma_start3A_71 : memref<10000x128xf32, #tpu.memory_space<hbm>>) target(%arg9 : memref<128x128xf32, #tpu.memory_space<vmem>>) offsets(%arg12 : memref<128xi32, #tpu.memory_space<vmem>>) semaphore(%arg18 : memref<!tpu.dma_semaphore, #tpu.memory_space<semaphore_mem>>)
    } else {
    }
    %eq3A_26 = arith.constant 1 : i32
    %eq3A_27 = arith.cmpi eq, %arg0, %eq3A_26 : i32
    %convert_element_type3A_28 = arith.extui %eq3A_27 : i1 to i32
    %cond3A_29 = arith.constant 0 : i32
    %cond3A_30 = arith.cmpi ne, %convert_element_type3A_28, %cond3A_29 : i32
    scf.if %cond3A_30 {
      %dma_start3A_69 = arith.constant 0 : i32
      %dma_start3A_70 = arith.constant 0 : i32
      %dma_start3A_71 = tpu.memref_slice %arg3[%dma_start3A_69, %dma_start3A_70] : memref<10000x128xf32, #tpu.memory_space<hbm>> -> memref<10000x128xf32, #tpu.memory_space<hbm>>
      tpu.enqueue_indirect_dma source(%dma_start3A_71 : memref<10000x128xf32, #tpu.memory_space<hbm>>) target(%arg9 : memref<128x128xf32, #tpu.memory_space<vmem>>) offsets(%arg12 : memref<128xi32, #tpu.memory_space<vmem>>) semaphore(%arg18 : memref<!tpu.dma_semaphore, #tpu.memory_space<semaphore_mem>>)
    } else {
    }
    %dma_wait3A_31 = tpu.memref_slice %arg4[%mul3A_4] : memref<332160xi32, #tpu.memory_space<hbm>> -> memref<128xi32, #tpu.memory_space<hbm>>
    %dma_wait3A_32 = tpu.memref_slice %arg4[%mul3A_4] : memref<332160xi32, #tpu.memory_space<hbm>> -> memref<128xi32, #tpu.memory_space<hbm>>
    tpu.wait_dma2 semaphore(%arg25 : memref<!tpu.dma_semaphore, #tpu.memory_space<semaphore_mem>>) src(%dma_wait3A_32 : memref<128xi32, #tpu.memory_space<hbm>>) dst(%arg13 : memref<128xi32, #tpu.memory_space<vmem>>)
    %eq3A_33 = arith.constant 0 : i32
    %eq3A_34 = arith.cmpi eq, %arg0, %eq3A_33 : i32
    %convert_element_type3A_35 = arith.extui %eq3A_34 : i1 to i32
    %cond3A_36 = arith.constant 0 : i32
    %cond3A_37 = arith.cmpi ne, %convert_element_type3A_35, %cond3A_36 : i32
    scf.if %cond3A_37 {
      %dma_start3A_69 = arith.constant 0 : i32
      %dma_start3A_70 = arith.constant 0 : i32
      %dma_start3A_71 = tpu.memref_slice %arg2[%dma_start3A_69, %dma_start3A_70] : memref<10000x128xf32, #tpu.memory_space<hbm>> -> memref<10000x128xf32, #tpu.memory_space<hbm>>
      tpu.enqueue_indirect_dma source(%dma_start3A_71 : memref<10000x128xf32, #tpu.memory_space<hbm>>) target(%arg10 : memref<128x128xf32, #tpu.memory_space<vmem>>) offsets(%arg13 : memref<128xi32, #tpu.memory_space<vmem>>) semaphore(%arg19 : memref<!tpu.dma_semaphore, #tpu.memory_space<semaphore_mem>>)
    } else {
    }
    %eq3A_38 = arith.constant 1 : i32
    %eq3A_39 = arith.cmpi eq, %arg0, %eq3A_38 : i32
    %convert_element_type3A_40 = arith.extui %eq3A_39 : i1 to i32
    %cond3A_41 = arith.constant 0 : i32
    %cond3A_42 = arith.cmpi ne, %convert_element_type3A_40, %cond3A_41 : i32
    scf.if %cond3A_42 {
      %dma_start3A_69 = arith.constant 0 : i32
      %dma_start3A_70 = arith.constant 0 : i32
      %dma_start3A_71 = tpu.memref_slice %arg3[%dma_start3A_69, %dma_start3A_70] : memref<10000x128xf32, #tpu.memory_space<hbm>> -> memref<10000x128xf32, #tpu.memory_space<hbm>>
      tpu.enqueue_indirect_dma source(%dma_start3A_71 : memref<10000x128xf32, #tpu.memory_space<hbm>>) target(%arg10 : memref<128x128xf32, #tpu.memory_space<vmem>>) offsets(%arg13 : memref<128xi32, #tpu.memory_space<vmem>>) semaphore(%arg19 : memref<!tpu.dma_semaphore, #tpu.memory_space<semaphore_mem>>)
    } else {
    }
    %scan3A = arith.constant 0 : i32
    %scan3A_43 = arith.constant 0 : i32
    %scan3A_44 = arith.constant 54 : i32
    %scan3A_45 = arith.addi %scan3A_43, %scan3A_44 : i32
    %scan3A_46 = arith.constant 1 : i32
    %scan3A_47 = scf.for %scan3A_69 = %scan3A_43 to %scan3A_45 step %scan3A_46 iter_args(%scan3A_70 = %scan3A) -> (i32)  : i32 {
      %mul3A_71 = arith.constant 3 : i32
      %mul3A_72 = arith.muli %mul3A_71, %scan3A_69 : i32
      %add3A_73 = arith.constant 0 : i32
      %add3A_74 = arith.addi %mul3A_72, %add3A_73 : i32
      %dma_wait3A_75 = arith.constant 0 : i32
      %dma_wait3A_76 = arith.constant 0 : i32
      %dma_wait3A_77 = tpu.memref_slice %arg2[%dma_wait3A_75, %dma_wait3A_76] : memref<10000x128xf32, #tpu.memory_space<hbm>> -> memref<10000x128xf32, #tpu.memory_space<hbm>>
      tpu.wait_indirect_dma semaphore(%arg18 : memref<!tpu.dma_semaphore, #tpu.memory_space<semaphore_mem>>) src(%dma_wait3A_77 : memref<10000x128xf32, #tpu.memory_space<hbm>>) dst(%arg9 : memref<128x128xf32, #tpu.memory_space<vmem>>)
      %add3A_78 = arith.constant 3 : i32
      %add3A_79 = arith.addi %add3A_74, %add3A_78 : i32
      %mul3A_80 = arith.constant 128 : i32
      %mul3A_81 = arith.muli %add3A_79, %mul3A_80 : i32
      %add3A_82 = arith.addi %mul3A_4, %mul3A_81 : i32
      %dma_start3A_83 = tpu.memref_slice %arg4[%add3A_82] : memref<332160xi32, #tpu.memory_space<hbm>> -> memref<128xi32, #tpu.memory_space<hbm>>
      %dma_start3A_84 = tpu.memref_slice %arg4[%add3A_82] : memref<332160xi32, #tpu.memory_space<hbm>> -> memref<128xi32, #tpu.memory_space<hbm>>
      tpu.enqueue_dma source(%dma_start3A_84 : memref<128xi32, #tpu.memory_space<hbm>>) target(%arg12 : memref<128xi32, #tpu.memory_space<vmem>>) target_semaphore(%arg24 : memref<!tpu.dma_semaphore, #tpu.memory_space<semaphore_mem>>)
      %dma_wait3A_85 = tpu.memref_slice %arg5[%mul3A_4] : memref<344320xi32, #tpu.memory_space<hbm>> -> memref<128xi32, #tpu.memory_space<hbm>>
      %dma_wait3A_86 = tpu.memref_slice %arg5[%mul3A_4] : memref<344320xi32, #tpu.memory_space<hbm>> -> memref<128xi32, #tpu.memory_space<hbm>>
      tpu.wait_dma2 semaphore(%arg27 : memref<!tpu.dma_semaphore, #tpu.memory_space<semaphore_mem>>) src(%dma_wait3A_86 : memref<128xi32, #tpu.memory_space<hbm>>) dst(%arg15 : memref<128xi32, #tpu.memory_space<vmem>>)
      %dma_start3A_87 = arith.constant 0 : i32
      %dma_start3A_88 = arith.constant 0 : i32
      %dma_start3A_89 = tpu.memref_slice %arg8[%dma_start3A_87, %dma_start3A_88] : memref<10112x128xf32, #tpu.memory_space<vmem_shared>> -> memref<10112x128xf32, #tpu.memory_space<vmem_shared>>
      tpu.enqueue_indirect_dma source(%arg9 : memref<128x128xf32, #tpu.memory_space<vmem>>) target(%dma_start3A_89 : memref<10112x128xf32, #tpu.memory_space<vmem_shared>>) offsets(%arg15 : memref<128xi32, #tpu.memory_space<vmem>>) semaphore(%arg21 : memref<!tpu.dma_semaphore, #tpu.memory_space<semaphore_mem>>) {add = true}
      %gt3A = arith.constant 0 : i32
      %gt3A_90 = arith.cmpi sgt, %scan3A_69, %gt3A : i32
      %convert_element_type3A_91 = arith.extui %gt3A_90 : i1 to i32
      %cond3A_92 = arith.constant 0 : i32
      %cond3A_93 = arith.cmpi ne, %convert_element_type3A_91, %cond3A_92 : i32
      scf.if %cond3A_93 {
        %dma_wait3A_196 = arith.constant 0 : i32
        %dma_wait3A_197 = arith.constant 0 : i32
        %dma_wait3A_198 = tpu.memref_slice %arg8[%dma_wait3A_196, %dma_wait3A_197] : memref<10112x128xf32, #tpu.memory_space<vmem_shared>> -> memref<10112x128xf32, #tpu.memory_space<vmem_shared>>
        tpu.wait_indirect_dma semaphore(%arg23 : memref<!tpu.dma_semaphore, #tpu.memory_space<semaphore_mem>>) src(%arg11 : memref<128x128xf32, #tpu.memory_space<vmem>>) dst(%dma_wait3A_198 : memref<10112x128xf32, #tpu.memory_space<vmem_shared>>)
      } else {
      }
      %add3A_94 = arith.constant 2 : i32
      %add3A_95 = arith.addi %add3A_74, %add3A_94 : i32
      %mul3A_96 = arith.constant 128 : i32
      %mul3A_97 = arith.muli %add3A_95, %mul3A_96 : i32
      %add3A_98 = arith.addi %mul3A_4, %mul3A_97 : i32
      %dma_start3A_99 = tpu.memref_slice %arg5[%add3A_98] : memref<344320xi32, #tpu.memory_space<hbm>> -> memref<128xi32, #tpu.memory_space<hbm>>
      %dma_start3A_100 = tpu.memref_slice %arg5[%add3A_98] : memref<344320xi32, #tpu.memory_space<hbm>> -> memref<128xi32, #tpu.memory_space<hbm>>
      tpu.enqueue_dma source(%dma_start3A_100 : memref<128xi32, #tpu.memory_space<hbm>>) target(%arg17 : memref<128xi32, #tpu.memory_space<vmem>>) target_semaphore(%arg29 : memref<!tpu.dma_semaphore, #tpu.memory_space<semaphore_mem>>)
      %dma_wait3A_101 = tpu.memref_slice %arg4[%mul3A_4] : memref<332160xi32, #tpu.memory_space<hbm>> -> memref<128xi32, #tpu.memory_space<hbm>>
      %dma_wait3A_102 = tpu.memref_slice %arg4[%mul3A_4] : memref<332160xi32, #tpu.memory_space<hbm>> -> memref<128xi32, #tpu.memory_space<hbm>>
      tpu.wait_dma2 semaphore(%arg26 : memref<!tpu.dma_semaphore, #tpu.memory_space<semaphore_mem>>) src(%dma_wait3A_102 : memref<128xi32, #tpu.memory_space<hbm>>) dst(%arg14 : memref<128xi32, #tpu.memory_space<vmem>>)
      %eq3A_103 = arith.constant 0 : i32
      %eq3A_104 = arith.cmpi eq, %arg0, %eq3A_103 : i32
      %convert_element_type3A_105 = arith.extui %eq3A_104 : i1 to i32
      %cond3A_106 = arith.constant 0 : i32
      %cond3A_107 = arith.cmpi ne, %convert_element_type3A_105, %cond3A_106 : i32
      scf.if %cond3A_107 {
        %dma_start3A_196 = arith.constant 0 : i32
        %dma_start3A_197 = arith.constant 0 : i32
        %dma_start3A_198 = tpu.memref_slice %arg2[%dma_start3A_196, %dma_start3A_197] : memref<10000x128xf32, #tpu.memory_space<hbm>> -> memref<10000x128xf32, #tpu.memory_space<hbm>>
        tpu.enqueue_indirect_dma source(%dma_start3A_198 : memref<10000x128xf32, #tpu.memory_space<hbm>>) target(%arg11 : memref<128x128xf32, #tpu.memory_space<vmem>>) offsets(%arg14 : memref<128xi32, #tpu.memory_space<vmem>>) semaphore(%arg20 : memref<!tpu.dma_semaphore, #tpu.memory_space<semaphore_mem>>)
      } else {
      }
      %eq3A_108 = arith.constant 1 : i32
      %eq3A_109 = arith.cmpi eq, %arg0, %eq3A_108 : i32
      %convert_element_type3A_110 = arith.extui %eq3A_109 : i1 to i32
      %cond3A_111 = arith.constant 0 : i32
      %cond3A_112 = arith.cmpi ne, %convert_element_type3A_110, %cond3A_111 : i32
      scf.if %cond3A_112 {
        %dma_start3A_196 = arith.constant 0 : i32
        %dma_start3A_197 = arith.constant 0 : i32
        %dma_start3A_198 = tpu.memref_slice %arg3[%dma_start3A_196, %dma_start3A_197] : memref<10000x128xf32, #tpu.memory_space<hbm>> -> memref<10000x128xf32, #tpu.memory_space<hbm>>
        tpu.enqueue_indirect_dma source(%dma_start3A_198 : memref<10000x128xf32, #tpu.memory_space<hbm>>) target(%arg11 : memref<128x128xf32, #tpu.memory_space<vmem>>) offsets(%arg14 : memref<128xi32, #tpu.memory_space<vmem>>) semaphore(%arg20 : memref<!tpu.dma_semaphore, #tpu.memory_space<semaphore_mem>>)
      } else {
      }
      %mul3A_113 = arith.constant 3 : i32
      %mul3A_114 = arith.muli %mul3A_113, %scan3A_69 : i32
      %add3A_115 = arith.constant 1 : i32
      %add3A_116 = arith.addi %mul3A_114, %add3A_115 : i32
      %dma_wait3A_117 = arith.constant 0 : i32
      %dma_wait3A_118 = arith.constant 0 : i32
      %dma_wait3A_119 = tpu.memref_slice %arg2[%dma_wait3A_117, %dma_wait3A_118] : memref<10000x128xf32, #tpu.memory_space<hbm>> -> memref<10000x128xf32, #tpu.memory_space<hbm>>
      tpu.wait_indirect_dma semaphore(%arg19 : memref<!tpu.dma_semaphore, #tpu.memory_space<semaphore_mem>>) src(%dma_wait3A_119 : memref<10000x128xf32, #tpu.memory_space<hbm>>) dst(%arg10 : memref<128x128xf32, #tpu.memory_space<vmem>>)
      %add3A_120 = arith.constant 3 : i32
      %add3A_121 = arith.addi %add3A_116, %add3A_120 : i32
      %mul3A_122 = arith.constant 128 : i32
      %mul3A_123 = arith.muli %add3A_121, %mul3A_122 : i32
      %add3A_124 = arith.addi %mul3A_4, %mul3A_123 : i32
      %dma_start3A_125 = tpu.memref_slice %arg4[%add3A_124] : memref<332160xi32, #tpu.memory_space<hbm>> -> memref<128xi32, #tpu.memory_space<hbm>>
      %dma_start3A_126 = tpu.memref_slice %arg4[%add3A_124] : memref<332160xi32, #tpu.memory_space<hbm>> -> memref<128xi32, #tpu.memory_space<hbm>>
      tpu.enqueue_dma source(%dma_start3A_126 : memref<128xi32, #tpu.memory_space<hbm>>) target(%arg13 : memref<128xi32, #tpu.memory_space<vmem>>) target_semaphore(%arg25 : memref<!tpu.dma_semaphore, #tpu.memory_space<semaphore_mem>>)
      %dma_wait3A_127 = tpu.memref_slice %arg5[%mul3A_4] : memref<344320xi32, #tpu.memory_space<hbm>> -> memref<128xi32, #tpu.memory_space<hbm>>
      %dma_wait3A_128 = tpu.memref_slice %arg5[%mul3A_4] : memref<344320xi32, #tpu.memory_space<hbm>> -> memref<128xi32, #tpu.memory_space<hbm>>
      tpu.wait_dma2 semaphore(%arg28 : memref<!tpu.dma_semaphore, #tpu.memory_space<semaphore_mem>>) src(%dma_wait3A_128 : memref<128xi32, #tpu.memory_space<hbm>>) dst(%arg16 : memref<128xi32, #tpu.memory_space<vmem>>)
      %dma_start3A_129 = arith.constant 0 : i32
      %dma_start3A_130 = arith.constant 0 : i32
      %dma_start3A_131 = tpu.memref_slice %arg8[%dma_start3A_129, %dma_start3A_130] : memref<10112x128xf32, #tpu.memory_space<vmem_shared>> -> memref<10112x128xf32, #tpu.memory_space<vmem_shared>>
      tpu.enqueue_indirect_dma source(%arg10 : memref<128x128xf32, #tpu.memory_space<vmem>>) target(%dma_start3A_131 : memref<10112x128xf32, #tpu.memory_space<vmem_shared>>) offsets(%arg16 : memref<128xi32, #tpu.memory_space<vmem>>) semaphore(%arg22 : memref<!tpu.dma_semaphore, #tpu.memory_space<semaphore_mem>>) {add = true}
      %dma_wait3A_132 = arith.constant 0 : i32
      %dma_wait3A_133 = arith.constant 0 : i32
      %dma_wait3A_134 = tpu.memref_slice %arg8[%dma_wait3A_132, %dma_wait3A_133] : memref<10112x128xf32, #tpu.memory_space<vmem_shared>> -> memref<10112x128xf32, #tpu.memory_space<vmem_shared>>
      tpu.wait_indirect_dma semaphore(%arg21 : memref<!tpu.dma_semaphore, #tpu.memory_space<semaphore_mem>>) src(%arg9 : memref<128x128xf32, #tpu.memory_space<vmem>>) dst(%dma_wait3A_134 : memref<10112x128xf32, #tpu.memory_space<vmem_shared>>)
      %add3A_135 = arith.constant 2 : i32
      %add3A_136 = arith.addi %add3A_116, %add3A_135 : i32
      %mul3A_137 = arith.constant 128 : i32
      %mul3A_138 = arith.muli %add3A_136, %mul3A_137 : i32
      %add3A_139 = arith.addi %mul3A_4, %mul3A_138 : i32
      %dma_start3A_140 = tpu.memref_slice %arg5[%add3A_139] : memref<344320xi32, #tpu.memory_space<hbm>> -> memref<128xi32, #tpu.memory_space<hbm>>
      %dma_start3A_141 = tpu.memref_slice %arg5[%add3A_139] : memref<344320xi32, #tpu.memory_space<hbm>> -> memref<128xi32, #tpu.memory_space<hbm>>
      tpu.enqueue_dma source(%dma_start3A_141 : memref<128xi32, #tpu.memory_space<hbm>>) target(%arg15 : memref<128xi32, #tpu.memory_space<vmem>>) target_semaphore(%arg27 : memref<!tpu.dma_semaphore, #tpu.memory_space<semaphore_mem>>)
      %dma_wait3A_142 = tpu.memref_slice %arg4[%mul3A_4] : memref<332160xi32, #tpu.memory_space<hbm>> -> memref<128xi32, #tpu.memory_space<hbm>>
      %dma_wait3A_143 = tpu.memref_slice %arg4[%mul3A_4] : memref<332160xi32, #tpu.memory_space<hbm>> -> memref<128xi32, #tpu.memory_space<hbm>>
      tpu.wait_dma2 semaphore(%arg24 : memref<!tpu.dma_semaphore, #tpu.memory_space<semaphore_mem>>) src(%dma_wait3A_143 : memref<128xi32, #tpu.memory_space<hbm>>) dst(%arg12 : memref<128xi32, #tpu.memory_space<vmem>>)
      %eq3A_144 = arith.constant 0 : i32
      %eq3A_145 = arith.cmpi eq, %arg0, %eq3A_144 : i32
      %convert_element_type3A_146 = arith.extui %eq3A_145 : i1 to i32
      %cond3A_147 = arith.constant 0 : i32
      %cond3A_148 = arith.cmpi ne, %convert_element_type3A_146, %cond3A_147 : i32
      scf.if %cond3A_148 {
        %dma_start3A_196 = arith.constant 0 : i32
        %dma_start3A_197 = arith.constant 0 : i32
        %dma_start3A_198 = tpu.memref_slice %arg2[%dma_start3A_196, %dma_start3A_197] : memref<10000x128xf32, #tpu.memory_space<hbm>> -> memref<10000x128xf32, #tpu.memory_space<hbm>>
        tpu.enqueue_indirect_dma source(%dma_start3A_198 : memref<10000x128xf32, #tpu.memory_space<hbm>>) target(%arg9 : memref<128x128xf32, #tpu.memory_space<vmem>>) offsets(%arg12 : memref<128xi32, #tpu.memory_space<vmem>>) semaphore(%arg18 : memref<!tpu.dma_semaphore, #tpu.memory_space<semaphore_mem>>)
      } else {
      }
      %eq3A_149 = arith.constant 1 : i32
      %eq3A_150 = arith.cmpi eq, %arg0, %eq3A_149 : i32
      %convert_element_type3A_151 = arith.extui %eq3A_150 : i1 to i32
      %cond3A_152 = arith.constant 0 : i32
      %cond3A_153 = arith.cmpi ne, %convert_element_type3A_151, %cond3A_152 : i32
      scf.if %cond3A_153 {
        %dma_start3A_196 = arith.constant 0 : i32
        %dma_start3A_197 = arith.constant 0 : i32
        %dma_start3A_198 = tpu.memref_slice %arg3[%dma_start3A_196, %dma_start3A_197] : memref<10000x128xf32, #tpu.memory_space<hbm>> -> memref<10000x128xf32, #tpu.memory_space<hbm>>
        tpu.enqueue_indirect_dma source(%dma_start3A_198 : memref<10000x128xf32, #tpu.memory_space<hbm>>) target(%arg9 : memref<128x128xf32, #tpu.memory_space<vmem>>) offsets(%arg12 : memref<128xi32, #tpu.memory_space<vmem>>) semaphore(%arg18 : memref<!tpu.dma_semaphore, #tpu.memory_space<semaphore_mem>>)
      } else {
      }
      %mul3A_154 = arith.constant 3 : i32
      %mul3A_155 = arith.muli %mul3A_154, %scan3A_69 : i32
      %add3A_156 = arith.constant 2 : i32
      %add3A_157 = arith.addi %mul3A_155, %add3A_156 : i32
      %dma_wait3A_158 = arith.constant 0 : i32
      %dma_wait3A_159 = arith.constant 0 : i32
      %dma_wait3A_160 = tpu.memref_slice %arg2[%dma_wait3A_158, %dma_wait3A_159] : memref<10000x128xf32, #tpu.memory_space<hbm>> -> memref<10000x128xf32, #tpu.memory_space<hbm>>
      tpu.wait_indirect_dma semaphore(%arg20 : memref<!tpu.dma_semaphore, #tpu.memory_space<semaphore_mem>>) src(%dma_wait3A_160 : memref<10000x128xf32, #tpu.memory_space<hbm>>) dst(%arg11 : memref<128x128xf32, #tpu.memory_space<vmem>>)
      %add3A_161 = arith.constant 3 : i32
      %add3A_162 = arith.addi %add3A_157, %add3A_161 : i32
      %mul3A_163 = arith.constant 128 : i32
      %mul3A_164 = arith.muli %add3A_162, %mul3A_163 : i32
      %add3A_165 = arith.addi %mul3A_4, %mul3A_164 : i32
      %dma_start3A_166 = tpu.memref_slice %arg4[%add3A_165] : memref<332160xi32, #tpu.memory_space<hbm>> -> memref<128xi32, #tpu.memory_space<hbm>>
      %dma_start3A_167 = tpu.memref_slice %arg4[%add3A_165] : memref<332160xi32, #tpu.memory_space<hbm>> -> memref<128xi32, #tpu.memory_space<hbm>>
      tpu.enqueue_dma source(%dma_start3A_167 : memref<128xi32, #tpu.memory_space<hbm>>) target(%arg14 : memref<128xi32, #tpu.memory_space<vmem>>) target_semaphore(%arg26 : memref<!tpu.dma_semaphore, #tpu.memory_space<semaphore_mem>>)
      %dma_wait3A_168 = tpu.memref_slice %arg5[%mul3A_4] : memref<344320xi32, #tpu.memory_space<hbm>> -> memref<128xi32, #tpu.memory_space<hbm>>
      %dma_wait3A_169 = tpu.memref_slice %arg5[%mul3A_4] : memref<344320xi32, #tpu.memory_space<hbm>> -> memref<128xi32, #tpu.memory_space<hbm>>
      tpu.wait_dma2 semaphore(%arg29 : memref<!tpu.dma_semaphore, #tpu.memory_space<semaphore_mem>>) src(%dma_wait3A_169 : memref<128xi32, #tpu.memory_space<hbm>>) dst(%arg17 : memref<128xi32, #tpu.memory_space<vmem>>)
      %dma_start3A_170 = arith.constant 0 : i32
      %dma_start3A_171 = arith.constant 0 : i32
      %dma_start3A_172 = tpu.memref_slice %arg8[%dma_start3A_170, %dma_start3A_171] : memref<10112x128xf32, #tpu.memory_space<vmem_shared>> -> memref<10112x128xf32, #tpu.memory_space<vmem_shared>>
      tpu.enqueue_indirect_dma source(%arg11 : memref<128x128xf32, #tpu.memory_space<vmem>>) target(%dma_start3A_172 : memref<10112x128xf32, #tpu.memory_space<vmem_shared>>) offsets(%arg17 : memref<128xi32, #tpu.memory_space<vmem>>) semaphore(%arg23 : memref<!tpu.dma_semaphore, #tpu.memory_space<semaphore_mem>>) {add = true}
      %dma_wait3A_173 = arith.constant 0 : i32
      %dma_wait3A_174 = arith.constant 0 : i32
      %dma_wait3A_175 = tpu.memref_slice %arg8[%dma_wait3A_173, %dma_wait3A_174] : memref<10112x128xf32, #tpu.memory_space<vmem_shared>> -> memref<10112x128xf32, #tpu.memory_space<vmem_shared>>
      tpu.wait_indirect_dma semaphore(%arg22 : memref<!tpu.dma_semaphore, #tpu.memory_space<semaphore_mem>>) src(%arg10 : memref<128x128xf32, #tpu.memory_space<vmem>>) dst(%dma_wait3A_175 : memref<10112x128xf32, #tpu.memory_space<vmem_shared>>)
      %add3A_176 = arith.constant 2 : i32
      %add3A_177 = arith.addi %add3A_157, %add3A_176 : i32
      %mul3A_178 = arith.constant 128 : i32
      %mul3A_179 = arith.muli %add3A_177, %mul3A_178 : i32
      %add3A_180 = arith.addi %mul3A_4, %mul3A_179 : i32
      %dma_start3A_181 = tpu.memref_slice %arg5[%add3A_180] : memref<344320xi32, #tpu.memory_space<hbm>> -> memref<128xi32, #tpu.memory_space<hbm>>
      %dma_start3A_182 = tpu.memref_slice %arg5[%add3A_180] : memref<344320xi32, #tpu.memory_space<hbm>> -> memref<128xi32, #tpu.memory_space<hbm>>
      tpu.enqueue_dma source(%dma_start3A_182 : memref<128xi32, #tpu.memory_space<hbm>>) target(%arg16 : memref<128xi32, #tpu.memory_space<vmem>>) target_semaphore(%arg28 : memref<!tpu.dma_semaphore, #tpu.memory_space<semaphore_mem>>)
      %dma_wait3A_183 = tpu.memref_slice %arg4[%mul3A_4] : memref<332160xi32, #tpu.memory_space<hbm>> -> memref<128xi32, #tpu.memory_space<hbm>>
      %dma_wait3A_184 = tpu.memref_slice %arg4[%mul3A_4] : memref<332160xi32, #tpu.memory_space<hbm>> -> memref<128xi32, #tpu.memory_space<hbm>>
      tpu.wait_dma2 semaphore(%arg25 : memref<!tpu.dma_semaphore, #tpu.memory_space<semaphore_mem>>) src(%dma_wait3A_184 : memref<128xi32, #tpu.memory_space<hbm>>) dst(%arg13 : memref<128xi32, #tpu.memory_space<vmem>>)
      %eq3A_185 = arith.constant 0 : i32
      %eq3A_186 = arith.cmpi eq, %arg0, %eq3A_185 : i32
      %convert_element_type3A_187 = arith.extui %eq3A_186 : i1 to i32
      %cond3A_188 = arith.constant 0 : i32
      %cond3A_189 = arith.cmpi ne, %convert_element_type3A_187, %cond3A_188 : i32
      scf.if %cond3A_189 {
        %dma_start3A_196 = arith.constant 0 : i32
        %dma_start3A_197 = arith.constant 0 : i32
        %dma_start3A_198 = tpu.memref_slice %arg2[%dma_start3A_196, %dma_start3A_197] : memref<10000x128xf32, #tpu.memory_space<hbm>> -> memref<10000x128xf32, #tpu.memory_space<hbm>>
        tpu.enqueue_indirect_dma source(%dma_start3A_198 : memref<10000x128xf32, #tpu.memory_space<hbm>>) target(%arg10 : memref<128x128xf32, #tpu.memory_space<vmem>>) offsets(%arg13 : memref<128xi32, #tpu.memory_space<vmem>>) semaphore(%arg19 : memref<!tpu.dma_semaphore, #tpu.memory_space<semaphore_mem>>)
      } else {
      }
      %eq3A_190 = arith.constant 1 : i32
      %eq3A_191 = arith.cmpi eq, %arg0, %eq3A_190 : i32
      %convert_element_type3A_192 = arith.extui %eq3A_191 : i1 to i32
      %cond3A_193 = arith.constant 0 : i32
      %cond3A_194 = arith.cmpi ne, %convert_element_type3A_192, %cond3A_193 : i32
      scf.if %cond3A_194 {
        %dma_start3A_196 = arith.constant 0 : i32
        %dma_start3A_197 = arith.constant 0 : i32
        %dma_start3A_198 = tpu.memref_slice %arg3[%dma_start3A_196, %dma_start3A_197] : memref<10000x128xf32, #tpu.memory_space<hbm>> -> memref<10000x128xf32, #tpu.memory_space<hbm>>
        tpu.enqueue_indirect_dma source(%dma_start3A_198 : memref<10000x128xf32, #tpu.memory_space<hbm>>) target(%arg10 : memref<128x128xf32, #tpu.memory_space<vmem>>) offsets(%arg13 : memref<128xi32, #tpu.memory_space<vmem>>) semaphore(%arg19 : memref<!tpu.dma_semaphore, #tpu.memory_space<semaphore_mem>>)
      } else {
      }
      %scan3A_195 = arith.constant 0 : i32
      scf.yield %scan3A_195 : i32
    }
    %scan3A_48 = arith.constant 54 : i32
    %dma_wait3A_49 = arith.constant 0 : i32
    %dma_wait3A_50 = arith.constant 0 : i32
    %dma_wait3A_51 = tpu.memref_slice %arg2[%dma_wait3A_49, %dma_wait3A_50] : memref<10000x128xf32, #tpu.memory_space<hbm>> -> memref<10000x128xf32, #tpu.memory_space<hbm>>
    tpu.wait_indirect_dma semaphore(%arg18 : memref<!tpu.dma_semaphore, #tpu.memory_space<semaphore_mem>>) src(%dma_wait3A_51 : memref<10000x128xf32, #tpu.memory_space<hbm>>) dst(%arg9 : memref<128x128xf32, #tpu.memory_space<vmem>>)
    %dma_wait3A_52 = arith.constant 0 : i32
    %dma_wait3A_53 = arith.constant 0 : i32
    %dma_wait3A_54 = tpu.memref_slice %arg2[%dma_wait3A_52, %dma_wait3A_53] : memref<10000x128xf32, #tpu.memory_space<hbm>> -> memref<10000x128xf32, #tpu.memory_space<hbm>>
    tpu.wait_indirect_dma semaphore(%arg19 : memref<!tpu.dma_semaphore, #tpu.memory_space<semaphore_mem>>) src(%dma_wait3A_54 : memref<10000x128xf32, #tpu.memory_space<hbm>>) dst(%arg10 : memref<128x128xf32, #tpu.memory_space<vmem>>)
    %dma_wait3A_55 = arith.constant 0 : i32
    %dma_wait3A_56 = arith.constant 0 : i32
    %dma_wait3A_57 = tpu.memref_slice %arg8[%dma_wait3A_55, %dma_wait3A_56] : memref<10112x128xf32, #tpu.memory_space<vmem_shared>> -> memref<10112x128xf32, #tpu.memory_space<vmem_shared>>
    tpu.wait_indirect_dma semaphore(%arg23 : memref<!tpu.dma_semaphore, #tpu.memory_space<semaphore_mem>>) src(%arg11 : memref<128x128xf32, #tpu.memory_space<vmem>>) dst(%dma_wait3A_57 : memref<10112x128xf32, #tpu.memory_space<vmem_shared>>)
    %dma_wait3A_58 = tpu.memref_slice %arg4[%mul3A_4] : memref<332160xi32, #tpu.memory_space<hbm>> -> memref<128xi32, #tpu.memory_space<hbm>>
    %dma_wait3A_59 = tpu.memref_slice %arg4[%mul3A_4] : memref<332160xi32, #tpu.memory_space<hbm>> -> memref<128xi32, #tpu.memory_space<hbm>>
    tpu.wait_dma2 semaphore(%arg26 : memref<!tpu.dma_semaphore, #tpu.memory_space<semaphore_mem>>) src(%dma_wait3A_59 : memref<128xi32, #tpu.memory_space<hbm>>) dst(%arg14 : memref<128xi32, #tpu.memory_space<vmem>>)
    %dma_wait3A_60 = tpu.memref_slice %arg5[%mul3A_4] : memref<344320xi32, #tpu.memory_space<hbm>> -> memref<128xi32, #tpu.memory_space<hbm>>
    %dma_wait3A_61 = tpu.memref_slice %arg5[%mul3A_4] : memref<344320xi32, #tpu.memory_space<hbm>> -> memref<128xi32, #tpu.memory_space<hbm>>
    tpu.wait_dma2 semaphore(%arg27 : memref<!tpu.dma_semaphore, #tpu.memory_space<semaphore_mem>>) src(%dma_wait3A_61 : memref<128xi32, #tpu.memory_space<hbm>>) dst(%arg15 : memref<128xi32, #tpu.memory_space<vmem>>)
    %dma_wait3A_62 = tpu.memref_slice %arg5[%mul3A_4] : memref<344320xi32, #tpu.memory_space<hbm>> -> memref<128xi32, #tpu.memory_space<hbm>>
    %dma_wait3A_63 = tpu.memref_slice %arg5[%mul3A_4] : memref<344320xi32, #tpu.memory_space<hbm>> -> memref<128xi32, #tpu.memory_space<hbm>>
    tpu.wait_dma2 semaphore(%arg28 : memref<!tpu.dma_semaphore, #tpu.memory_space<semaphore_mem>>) src(%dma_wait3A_63 : memref<128xi32, #tpu.memory_space<hbm>>) dst(%arg16 : memref<128xi32, #tpu.memory_space<vmem>>)
    %barrier3A_64 = arith.constant 0 : index
    tpu.barrier barrier_id(%barrier3A_64)
    %mul3A_65 = arith.constant 632 : i32
    %mul3A_66 = arith.muli %arg1, %mul3A_65 : i32
    %mul3A_67 = arith.constant 632 : i32
    %mul3A_68 = arith.muli %arg1, %mul3A_67 : i32
    "tpu.region"() ({
      %run_scoped3A = tpu.sem_alloc : memref<!tpu.dma_semaphore, #tpu.memory_space<semaphore_mem>>
      %dma_start3A_69 = arith.constant 0 : i32
      %dma_start3A_70 = tpu.memref_slice %arg7[%arg0, %mul3A_68, %dma_start3A_69] : memref<2x10112x128xf32, #tpu.memory_space<hbm>> -> memref<1x632x128xf32, #tpu.memory_space<hbm>>
      %dma_start3A_71 = tpu.memref_squeeze %dma_start3A_70 : memref<1x632x128xf32, #tpu.memory_space<hbm>> -> memref<632x128xf32, #tpu.memory_space<hbm>>
      %dma_start3A_72 = arith.constant 0 : i32
      %dma_start3A_73 = tpu.memref_slice %arg8[%mul3A_66, %dma_start3A_72] : memref<10112x128xf32, #tpu.memory_space<vmem_shared>> -> memref<632x128xf32, #tpu.memory_space<vmem_shared>>
      tpu.enqueue_dma source(%dma_start3A_73 : memref<632x128xf32, #tpu.memory_space<vmem_shared>>) target(%dma_start3A_71 : memref<632x128xf32, #tpu.memory_space<hbm>>) target_semaphore(%run_scoped3A : memref<!tpu.dma_semaphore, #tpu.memory_space<semaphore_mem>>)
      %dma_wait3A_74 = arith.constant 0 : i32
      %dma_wait3A_75 = tpu.memref_slice %arg7[%arg0, %mul3A_68, %dma_wait3A_74] : memref<2x10112x128xf32, #tpu.memory_space<hbm>> -> memref<1x632x128xf32, #tpu.memory_space<hbm>>
      %dma_wait3A_76 = tpu.memref_squeeze %dma_wait3A_75 : memref<1x632x128xf32, #tpu.memory_space<hbm>> -> memref<632x128xf32, #tpu.memory_space<hbm>>
      %dma_wait3A_77 = arith.constant 0 : i32
      %dma_wait3A_78 = tpu.memref_slice %arg8[%mul3A_66, %dma_wait3A_77] : memref<10112x128xf32, #tpu.memory_space<vmem_shared>> -> memref<632x128xf32, #tpu.memory_space<vmem_shared>>
      tpu.wait_dma2 semaphore(%run_scoped3A : memref<!tpu.dma_semaphore, #tpu.memory_space<semaphore_mem>>) src(%dma_wait3A_78 : memref<632x128xf32, #tpu.memory_space<vmem_shared>>) dst(%dma_wait3A_76 : memref<632x128xf32, #tpu.memory_space<hbm>>)
      tpu.yield
    }) : () -> ()
    return
  }
}

#map = affine_map<(d0, d1) -> (0)>
#map1 = affine_map<(d0, d1) -> (0, 0, 0)>
module attributes {stable_mosaic.version = 14 : i64} {
  func.func @_deg_kernel(%arg0: i32, %arg1: i32, %arg2: memref<344320xi32, #tpu.memory_space<hbm>>, %arg3: memref<2x10112x16xf32, #tpu.memory_space<hbm>>, %arg4: memref<10112x16xf32, #tpu.memory_space<vmem_shared>>, %arg5: memref<632x16xf32, #tpu.memory_space<vmem>>, %arg6: memref<128x16xf32, #tpu.memory_space<vmem>>, %arg7: memref<128xi32, #tpu.memory_space<vmem>>, %arg8: memref<128xi32, #tpu.memory_space<vmem>>, %arg9: memref<128xi32, #tpu.memory_space<vmem>>, %arg10: memref<!tpu.dma_semaphore, #tpu.memory_space<semaphore_mem>>, %arg11: memref<!tpu.dma_semaphore, #tpu.memory_space<semaphore_mem>>, %arg12: memref<!tpu.dma_semaphore, #tpu.memory_space<semaphore_mem>>, %arg13: memref<!tpu.dma_semaphore, #tpu.memory_space<semaphore_mem>>, %arg14: memref<!tpu.dma_semaphore, #tpu.memory_space<semaphore_mem>>, %arg15: memref<!tpu.dma_semaphore, #tpu.memory_space<semaphore_mem>>) attributes {dimension_semantics = [#tpu.dimension_semantics<core_parallel>, #tpu.dimension_semantics<subcore_parallel>], iteration_bounds = array<i64: 2, 16>, scalar_prefetch = 0 : i64, scratch_operands = 12 : i64, tpu.core_type = #tpu.core_type<sc_vector_subcore>, window_params = [{transform_indices = #map}, {transform_indices = #map1}]} {
    %scan3A = arith.constant 0 : i32
    %scan3A_0 = arith.constant 0 : i32
    %scan3A_1 = arith.constant 632 : i32
    %scan3A_2 = arith.addi %scan3A_0, %scan3A_1 : i32
    %scan3A_3 = arith.constant 1 : i32
    %scan3A_4 = scf.for %scan3A_51 = %scan3A_0 to %scan3A_2 step %scan3A_3 iter_args(%scan3A_52 = %scan3A) -> (i32)  : i32 {
      %broadcast_in_dim3A = arith.constant 0.000000e+00 : f32
      %broadcast_in_dim3A_53 = vector.broadcast %broadcast_in_dim3A : f32 to vector<16xf32>
      %swap3A = arith.index_cast %scan3A_51 : i32 to index
      %swap3A_54 = arith.constant 0 : index
      %swap3A_55 = tpu.vector_load %arg5[%swap3A, %swap3A_54] {strides = array<i32>} : memref<632x16xf32, #tpu.memory_space<vmem>>, vector<1x16xf32>,
      %swap3A_56 = vector.shape_cast %swap3A_55 : vector<1x16xf32> to vector<16xf32>
      %swap3A_57 = vector.shape_cast %broadcast_in_dim3A_53 : vector<16xf32> to vector<1x16xf32>
      tpu.vector_store %arg5[%swap3A, %swap3A_54], %swap3A_57 {strides = array<i32>} : memref<632x16xf32, #tpu.memory_space<vmem>>, vector<1x16xf32>,
      %scan3A_58 = arith.constant 0 : i32
      scf.yield %scan3A_58 : i32
    }
    %scan3A_5 = arith.constant 632 : i32
    %mul3A = arith.constant 632 : i32
    %mul3A_6 = arith.muli %arg1, %mul3A : i32
    "tpu.region"() ({
      %run_scoped3A = tpu.sem_alloc : memref<!tpu.dma_semaphore, #tpu.memory_space<semaphore_mem>>
      %dma_start3A_51 = arith.constant 0 : i32
      %dma_start3A_52 = tpu.memref_slice %arg4[%mul3A_6, %dma_start3A_51] : memref<10112x16xf32, #tpu.memory_space<vmem_shared>> -> memref<632x16xf32, #tpu.memory_space<vmem_shared>>
      %dma_start3A_53 = arith.constant 0 : i32
      %dma_start3A_54 = tpu.memref_slice %arg4[%mul3A_6, %dma_start3A_53] : memref<10112x16xf32, #tpu.memory_space<vmem_shared>> -> memref<632x16xf32, #tpu.memory_space<vmem_shared>>
      tpu.enqueue_dma source(%arg5 : memref<632x16xf32, #tpu.memory_space<vmem>>) target(%dma_start3A_54 : memref<632x16xf32, #tpu.memory_space<vmem_shared>>) target_semaphore(%run_scoped3A : memref<!tpu.dma_semaphore, #tpu.memory_space<semaphore_mem>>)
      %dma_wait3A_55 = arith.constant 0 : i32
      %dma_wait3A_56 = tpu.memref_slice %arg4[%mul3A_6, %dma_wait3A_55] : memref<10112x16xf32, #tpu.memory_space<vmem_shared>> -> memref<632x16xf32, #tpu.memory_space<vmem_shared>>
      %dma_wait3A_57 = arith.constant 0 : i32
      %dma_wait3A_58 = tpu.memref_slice %arg4[%mul3A_6, %dma_wait3A_57] : memref<10112x16xf32, #tpu.memory_space<vmem_shared>> -> memref<632x16xf32, #tpu.memory_space<vmem_shared>>
      tpu.wait_dma2 semaphore(%run_scoped3A : memref<!tpu.dma_semaphore, #tpu.memory_space<semaphore_mem>>) src(%arg5 : memref<632x16xf32, #tpu.memory_space<vmem>>) dst(%dma_wait3A_58 : memref<632x16xf32, #tpu.memory_space<vmem_shared>>)
      tpu.yield
    }) : () -> ()
    %scan3A_7 = arith.constant 0 : i32
    %scan3A_8 = arith.constant 0 : i32
    %scan3A_9 = arith.constant 128 : i32
    %scan3A_10 = arith.addi %scan3A_8, %scan3A_9 : i32
    %scan3A_11 = arith.constant 1 : i32
    %scan3A_12 = scf.for %scan3A_51 = %scan3A_8 to %scan3A_10 step %scan3A_11 iter_args(%scan3A_52 = %scan3A_7) -> (i32)  : i32 {
      %broadcast_in_dim3A = arith.constant 1.000000e+00 : f32
      %broadcast_in_dim3A_53 = vector.broadcast %broadcast_in_dim3A : f32 to vector<16xf32>
      %swap3A = arith.index_cast %scan3A_51 : i32 to index
      %swap3A_54 = arith.constant 0 : index
      %swap3A_55 = tpu.vector_load %arg6[%swap3A, %swap3A_54] {strides = array<i32>} : memref<128x16xf32, #tpu.memory_space<vmem>>, vector<1x16xf32>,
      %swap3A_56 = vector.shape_cast %swap3A_55 : vector<1x16xf32> to vector<16xf32>
      %swap3A_57 = vector.shape_cast %broadcast_in_dim3A_53 : vector<16xf32> to vector<1x16xf32>
      tpu.vector_store %arg6[%swap3A, %swap3A_54], %swap3A_57 {strides = array<i32>} : memref<128x16xf32, #tpu.memory_space<vmem>>, vector<1x16xf32>,
      %scan3A_58 = arith.constant 0 : i32
      scf.yield %scan3A_58 : i32
    }
    %scan3A_13 = arith.constant 128 : i32
    %barrier3A = arith.constant 0 : index
    tpu.barrier barrier_id(%barrier3A)
    %mul3A_14 = arith.constant 16 : i32
    %mul3A_15 = arith.muli %arg0, %mul3A_14 : i32
    %add3A = arith.addi %mul3A_15, %arg1 : i32
    %mul3A_16 = arith.constant 84 : i32
    %mul3A_17 = arith.muli %add3A, %mul3A_16 : i32
    %add3A_18 = arith.constant 0 : i32
    %add3A_19 = arith.addi %mul3A_17, %add3A_18 : i32
    %mul3A_20 = arith.constant 128 : i32
    %mul3A_21 = arith.muli %add3A_19, %mul3A_20 : i32
    %dma_start3A = tpu.memref_slice %arg2[%mul3A_21] : memref<344320xi32, #tpu.memory_space<hbm>> -> memref<128xi32, #tpu.memory_space<hbm>>
    %dma_start3A_22 = tpu.memref_slice %arg2[%mul3A_21] : memref<344320xi32, #tpu.memory_space<hbm>> -> memref<128xi32, #tpu.memory_space<hbm>>
    tpu.enqueue_dma source(%dma_start3A_22 : memref<128xi32, #tpu.memory_space<hbm>>) target(%arg7 : memref<128xi32, #tpu.memory_space<vmem>>) target_semaphore(%arg10 : memref<!tpu.dma_semaphore, #tpu.memory_space<semaphore_mem>>)
    %add3A_23 = arith.constant 1 : i32
    %add3A_24 = arith.addi %mul3A_17, %add3A_23 : i32
    %mul3A_25 = arith.constant 128 : i32
    %mul3A_26 = arith.muli %add3A_24, %mul3A_25 : i32
    %dma_start3A_27 = tpu.memref_slice %arg2[%mul3A_26] : memref<344320xi32, #tpu.memory_space<hbm>> -> memref<128xi32, #tpu.memory_space<hbm>>
    %dma_start3A_28 = tpu.memref_slice %arg2[%mul3A_26] : memref<344320xi32, #tpu.memory_space<hbm>> -> memref<128xi32, #tpu.memory_space<hbm>>
    tpu.enqueue_dma source(%dma_start3A_28 : memref<128xi32, #tpu.memory_space<hbm>>) target(%arg8 : memref<128xi32, #tpu.memory_space<vmem>>) target_semaphore(%arg11 : memref<!tpu.dma_semaphore, #tpu.memory_space<semaphore_mem>>)
    %scan3A_29 = arith.constant 0 : i32
    %scan3A_30 = arith.constant 0 : i32
    %scan3A_31 = arith.constant 28 : i32
    %scan3A_32 = arith.addi %scan3A_30, %scan3A_31 : i32
    %scan3A_33 = arith.constant 1 : i32
    %scan3A_34 = scf.for %scan3A_51 = %scan3A_30 to %scan3A_32 step %scan3A_33 iter_args(%scan3A_52 = %scan3A_29) -> (i32)  : i32 {
      %mul3A_53 = arith.constant 3 : i32
      %mul3A_54 = arith.muli %mul3A_53, %scan3A_51 : i32
      %add3A_55 = arith.constant 0 : i32
      %add3A_56 = arith.addi %mul3A_54, %add3A_55 : i32
      %mul3A_57 = arith.constant 128 : i32
      %mul3A_58 = arith.muli %mul3A_17, %mul3A_57 : i32
      %dma_wait3A_59 = tpu.memref_slice %arg2[%mul3A_58] : memref<344320xi32, #tpu.memory_space<hbm>> -> memref<128xi32, #tpu.memory_space<hbm>>
      %dma_wait3A_60 = tpu.memref_slice %arg2[%mul3A_58] : memref<344320xi32, #tpu.memory_space<hbm>> -> memref<128xi32, #tpu.memory_space<hbm>>
      tpu.wait_dma2 semaphore(%arg10 : memref<!tpu.dma_semaphore, #tpu.memory_space<semaphore_mem>>) src(%dma_wait3A_60 : memref<128xi32, #tpu.memory_space<hbm>>) dst(%arg7 : memref<128xi32, #tpu.memory_space<vmem>>)
      %dma_start3A_61 = arith.constant 0 : i32
      %dma_start3A_62 = arith.constant 0 : i32
      %dma_start3A_63 = tpu.memref_slice %arg4[%dma_start3A_61, %dma_start3A_62] : memref<10112x16xf32, #tpu.memory_space<vmem_shared>> -> memref<10112x16xf32, #tpu.memory_space<vmem_shared>>
      tpu.enqueue_indirect_dma source(%arg6 : memref<128x16xf32, #tpu.memory_space<vmem>>) target(%dma_start3A_63 : memref<10112x16xf32, #tpu.memory_space<vmem_shared>>) offsets(%arg7 : memref<128xi32, #tpu.memory_space<vmem>>) semaphore(%arg13 : memref<!tpu.dma_semaphore, #tpu.memory_space<semaphore_mem>>) {add = true}
      %gt3A = arith.constant 0 : i32
      %gt3A_64 = arith.cmpi sgt, %scan3A_51, %gt3A : i32
      %convert_element_type3A = arith.extui %gt3A_64 : i1 to i32
      %cond3A = arith.constant 0 : i32
      %cond3A_65 = arith.cmpi ne, %convert_element_type3A, %cond3A : i32
      scf.if %cond3A_65 {
        %dma_wait3A_116 = arith.constant 0 : i32
        %dma_wait3A_117 = arith.constant 0 : i32
        %dma_wait3A_118 = tpu.memref_slice %arg4[%dma_wait3A_116, %dma_wait3A_117] : memref<10112x16xf32, #tpu.memory_space<vmem_shared>> -> memref<10112x16xf32, #tpu.memory_space<vmem_shared>>
        tpu.wait_indirect_dma semaphore(%arg15 : memref<!tpu.dma_semaphore, #tpu.memory_space<semaphore_mem>>) src(%arg6 : memref<128x16xf32, #tpu.memory_space<vmem>>) dst(%dma_wait3A_118 : memref<10112x16xf32, #tpu.memory_space<vmem_shared>>)
      } else {
      }
      %add3A_66 = arith.constant 2 : i32
      %add3A_67 = arith.addi %add3A_56, %add3A_66 : i32
      %add3A_68 = arith.addi %mul3A_17, %add3A_67 : i32
      %mul3A_69 = arith.constant 128 : i32
      %mul3A_70 = arith.muli %add3A_68, %mul3A_69 : i32
      %dma_start3A_71 = tpu.memref_slice %arg2[%mul3A_70] : memref<344320xi32, #tpu.memory_space<hbm>> -> memref<128xi32, #tpu.memory_space<hbm>>
      %dma_start3A_72 = tpu.memref_slice %arg2[%mul3A_70] : memref<344320xi32, #tpu.memory_space<hbm>> -> memref<128xi32, #tpu.memory_space<hbm>>
      tpu.enqueue_dma source(%dma_start3A_72 : memref<128xi32, #tpu.memory_space<hbm>>) target(%arg9 : memref<128xi32, #tpu.memory_space<vmem>>) target_semaphore(%arg12 : memref<!tpu.dma_semaphore, #tpu.memory_space<semaphore_mem>>)
      %mul3A_73 = arith.constant 3 : i32
      %mul3A_74 = arith.muli %mul3A_73, %scan3A_51 : i32
      %add3A_75 = arith.constant 1 : i32
      %add3A_76 = arith.addi %mul3A_74, %add3A_75 : i32
      %mul3A_77 = arith.constant 128 : i32
      %mul3A_78 = arith.muli %mul3A_17, %mul3A_77 : i32
      %dma_wait3A_79 = tpu.memref_slice %arg2[%mul3A_78] : memref<344320xi32, #tpu.memory_space<hbm>> -> memref<128xi32, #tpu.memory_space<hbm>>
      %dma_wait3A_80 = tpu.memref_slice %arg2[%mul3A_78] : memref<344320xi32, #tpu.memory_space<hbm>> -> memref<128xi32, #tpu.memory_space<hbm>>
      tpu.wait_dma2 semaphore(%arg11 : memref<!tpu.dma_semaphore, #tpu.memory_space<semaphore_mem>>) src(%dma_wait3A_80 : memref<128xi32, #tpu.memory_space<hbm>>) dst(%arg8 : memref<128xi32, #tpu.memory_space<vmem>>)
      %dma_start3A_81 = arith.constant 0 : i32
      %dma_start3A_82 = arith.constant 0 : i32
      %dma_start3A_83 = tpu.memref_slice %arg4[%dma_start3A_81, %dma_start3A_82] : memref<10112x16xf32, #tpu.memory_space<vmem_shared>> -> memref<10112x16xf32, #tpu.memory_space<vmem_shared>>
      tpu.enqueue_indirect_dma source(%arg6 : memref<128x16xf32, #tpu.memory_space<vmem>>) target(%dma_start3A_83 : memref<10112x16xf32, #tpu.memory_space<vmem_shared>>) offsets(%arg8 : memref<128xi32, #tpu.memory_space<vmem>>) semaphore(%arg14 : memref<!tpu.dma_semaphore, #tpu.memory_space<semaphore_mem>>) {add = true}
      %dma_wait3A_84 = arith.constant 0 : i32
      %dma_wait3A_85 = arith.constant 0 : i32
      %dma_wait3A_86 = tpu.memref_slice %arg4[%dma_wait3A_84, %dma_wait3A_85] : memref<10112x16xf32, #tpu.memory_space<vmem_shared>> -> memref<10112x16xf32, #tpu.memory_space<vmem_shared>>
      tpu.wait_indirect_dma semaphore(%arg13 : memref<!tpu.dma_semaphore, #tpu.memory_space<semaphore_mem>>) src(%arg6 : memref<128x16xf32, #tpu.memory_space<vmem>>) dst(%dma_wait3A_86 : memref<10112x16xf32, #tpu.memory_space<vmem_shared>>)
      %add3A_87 = arith.constant 2 : i32
      %add3A_88 = arith.addi %add3A_76, %add3A_87 : i32
      %add3A_89 = arith.addi %mul3A_17, %add3A_88 : i32
      %mul3A_90 = arith.constant 128 : i32
      %mul3A_91 = arith.muli %add3A_89, %mul3A_90 : i32
      %dma_start3A_92 = tpu.memref_slice %arg2[%mul3A_91] : memref<344320xi32, #tpu.memory_space<hbm>> -> memref<128xi32, #tpu.memory_space<hbm>>
      %dma_start3A_93 = tpu.memref_slice %arg2[%mul3A_91] : memref<344320xi32, #tpu.memory_space<hbm>> -> memref<128xi32, #tpu.memory_space<hbm>>
      tpu.enqueue_dma source(%dma_start3A_93 : memref<128xi32, #tpu.memory_space<hbm>>) target(%arg7 : memref<128xi32, #tpu.memory_space<vmem>>) target_semaphore(%arg10 : memref<!tpu.dma_semaphore, #tpu.memory_space<semaphore_mem>>)
      %mul3A_94 = arith.constant 3 : i32
      %mul3A_95 = arith.muli %mul3A_94, %scan3A_51 : i32
      %add3A_96 = arith.constant 2 : i32
      %add3A_97 = arith.addi %mul3A_95, %add3A_96 : i32
      %mul3A_98 = arith.constant 128 : i32
      %mul3A_99 = arith.muli %mul3A_17, %mul3A_98 : i32
      %dma_wait3A_100 = tpu.memref_slice %arg2[%mul3A_99] : memref<344320xi32, #tpu.memory_space<hbm>> -> memref<128xi32, #tpu.memory_space<hbm>>
      %dma_wait3A_101 = tpu.memref_slice %arg2[%mul3A_99] : memref<344320xi32, #tpu.memory_space<hbm>> -> memref<128xi32, #tpu.memory_space<hbm>>
      tpu.wait_dma2 semaphore(%arg12 : memref<!tpu.dma_semaphore, #tpu.memory_space<semaphore_mem>>) src(%dma_wait3A_101 : memref<128xi32, #tpu.memory_space<hbm>>) dst(%arg9 : memref<128xi32, #tpu.memory_space<vmem>>)
      %dma_start3A_102 = arith.constant 0 : i32
      %dma_start3A_103 = arith.constant 0 : i32
      %dma_start3A_104 = tpu.memref_slice %arg4[%dma_start3A_102, %dma_start3A_103] : memref<10112x16xf32, #tpu.memory_space<vmem_shared>> -> memref<10112x16xf32, #tpu.memory_space<vmem_shared>>
      tpu.enqueue_indirect_dma source(%arg6 : memref<128x16xf32, #tpu.memory_space<vmem>>) target(%dma_start3A_104 : memref<10112x16xf32, #tpu.memory_space<vmem_shared>>) offsets(%arg9 : memref<128xi32, #tpu.memory_space<vmem>>) semaphore(%arg15 : memref<!tpu.dma_semaphore, #tpu.memory_space<semaphore_mem>>) {add = true}
      %dma_wait3A_105 = arith.constant 0 : i32
      %dma_wait3A_106 = arith.constant 0 : i32
      %dma_wait3A_107 = tpu.memref_slice %arg4[%dma_wait3A_105, %dma_wait3A_106] : memref<10112x16xf32, #tpu.memory_space<vmem_shared>> -> memref<10112x16xf32, #tpu.memory_space<vmem_shared>>
      tpu.wait_indirect_dma semaphore(%arg14 : memref<!tpu.dma_semaphore, #tpu.memory_space<semaphore_mem>>) src(%arg6 : memref<128x16xf32, #tpu.memory_space<vmem>>) dst(%dma_wait3A_107 : memref<10112x16xf32, #tpu.memory_space<vmem_shared>>)
      %add3A_108 = arith.constant 2 : i32
      %add3A_109 = arith.addi %add3A_97, %add3A_108 : i32
      %add3A_110 = arith.addi %mul3A_17, %add3A_109 : i32
      %mul3A_111 = arith.constant 128 : i32
      %mul3A_112 = arith.muli %add3A_110, %mul3A_111 : i32
      %dma_start3A_113 = tpu.memref_slice %arg2[%mul3A_112] : memref<344320xi32, #tpu.memory_space<hbm>> -> memref<128xi32, #tpu.memory_space<hbm>>
      %dma_start3A_114 = tpu.memref_slice %arg2[%mul3A_112] : memref<344320xi32, #tpu.memory_space<hbm>> -> memref<128xi32, #tpu.memory_space<hbm>>
      tpu.enqueue_dma source(%dma_start3A_114 : memref<128xi32, #tpu.memory_space<hbm>>) target(%arg8 : memref<128xi32, #tpu.memory_space<vmem>>) target_semaphore(%arg11 : memref<!tpu.dma_semaphore, #tpu.memory_space<semaphore_mem>>)
      %scan3A_115 = arith.constant 0 : i32
      scf.yield %scan3A_115 : i32
    }
    %scan3A_35 = arith.constant 28 : i32
    %dma_wait3A = arith.constant 0 : i32
    %dma_wait3A_36 = arith.constant 0 : i32
    %dma_wait3A_37 = tpu.memref_slice %arg4[%dma_wait3A, %dma_wait3A_36] : memref<10112x16xf32, #tpu.memory_space<vmem_shared>> -> memref<10112x16xf32, #tpu.memory_space<vmem_shared>>
    tpu.wait_indirect_dma semaphore(%arg15 : memref<!tpu.dma_semaphore, #tpu.memory_space<semaphore_mem>>) src(%arg6 : memref<128x16xf32, #tpu.memory_space<vmem>>) dst(%dma_wait3A_37 : memref<10112x16xf32, #tpu.memory_space<vmem_shared>>)
    %mul3A_38 = arith.constant 128 : i32
    %mul3A_39 = arith.muli %mul3A_17, %mul3A_38 : i32
    %dma_wait3A_40 = tpu.memref_slice %arg2[%mul3A_39] : memref<344320xi32, #tpu.memory_space<hbm>> -> memref<128xi32, #tpu.memory_space<hbm>>
    %dma_wait3A_41 = tpu.memref_slice %arg2[%mul3A_39] : memref<344320xi32, #tpu.memory_space<hbm>> -> memref<128xi32, #tpu.memory_space<hbm>>
    tpu.wait_dma2 semaphore(%arg10 : memref<!tpu.dma_semaphore, #tpu.memory_space<semaphore_mem>>) src(%dma_wait3A_41 : memref<128xi32, #tpu.memory_space<hbm>>) dst(%arg7 : memref<128xi32, #tpu.memory_space<vmem>>)
    %mul3A_42 = arith.constant 128 : i32
    %mul3A_43 = arith.muli %mul3A_17, %mul3A_42 : i32
    %dma_wait3A_44 = tpu.memref_slice %arg2[%mul3A_43] : memref<344320xi32, #tpu.memory_space<hbm>> -> memref<128xi32, #tpu.memory_space<hbm>>
    %dma_wait3A_45 = tpu.memref_slice %arg2[%mul3A_43] : memref<344320xi32, #tpu.memory_space<hbm>> -> memref<128xi32, #tpu.memory_space<hbm>>
    tpu.wait_dma2 semaphore(%arg11 : memref<!tpu.dma_semaphore, #tpu.memory_space<semaphore_mem>>) src(%dma_wait3A_45 : memref<128xi32, #tpu.memory_space<hbm>>) dst(%arg8 : memref<128xi32, #tpu.memory_space<vmem>>)
    %barrier3A_46 = arith.constant 0 : index
    tpu.barrier barrier_id(%barrier3A_46)
    %mul3A_47 = arith.constant 632 : i32
    %mul3A_48 = arith.muli %arg1, %mul3A_47 : i32
    %mul3A_49 = arith.constant 632 : i32
    %mul3A_50 = arith.muli %arg1, %mul3A_49 : i32
    "tpu.region"() ({
      %run_scoped3A = tpu.sem_alloc : memref<!tpu.dma_semaphore, #tpu.memory_space<semaphore_mem>>
      %dma_start3A_51 = arith.constant 0 : i32
      %dma_start3A_52 = tpu.memref_slice %arg3[%arg0, %mul3A_50, %dma_start3A_51] : memref<2x10112x16xf32, #tpu.memory_space<hbm>> -> memref<1x632x16xf32, #tpu.memory_space<hbm>>
      %dma_start3A_53 = tpu.memref_squeeze %dma_start3A_52 : memref<1x632x16xf32, #tpu.memory_space<hbm>> -> memref<632x16xf32, #tpu.memory_space<hbm>>
      %dma_start3A_54 = arith.constant 0 : i32
      %dma_start3A_55 = tpu.memref_slice %arg4[%mul3A_48, %dma_start3A_54] : memref<10112x16xf32, #tpu.memory_space<vmem_shared>> -> memref<632x16xf32, #tpu.memory_space<vmem_shared>>
      tpu.enqueue_dma source(%dma_start3A_55 : memref<632x16xf32, #tpu.memory_space<vmem_shared>>) target(%dma_start3A_53 : memref<632x16xf32, #tpu.memory_space<hbm>>) target_semaphore(%run_scoped3A : memref<!tpu.dma_semaphore, #tpu.memory_space<semaphore_mem>>)
      %dma_wait3A_56 = arith.constant 0 : i32
      %dma_wait3A_57 = tpu.memref_slice %arg3[%arg0, %mul3A_50, %dma_wait3A_56] : memref<2x10112x16xf32, #tpu.memory_space<hbm>> -> memref<1x632x16xf32, #tpu.memory_space<hbm>>
      %dma_wait3A_58 = tpu.memref_squeeze %dma_wait3A_57 : memref<1x632x16xf32, #tpu.memory_space<hbm>> -> memref<632x16xf32, #tpu.memory_space<hbm>>
      %dma_wait3A_59 = arith.constant 0 : i32
      %dma_wait3A_60 = tpu.memref_slice %arg4[%mul3A_48, %dma_wait3A_59] : memref<10112x16xf32, #tpu.memory_space<vmem_shared>> -> memref<632x16xf32, #tpu.memory_space<vmem_shared>>
      tpu.wait_dma2 semaphore(%run_scoped3A : memref<!tpu.dma_semaphore, #tpu.memory_space<semaphore_mem>>) src(%dma_wait3A_60 : memref<632x16xf32, #tpu.memory_space<vmem_shared>>) dst(%dma_wait3A_58 : memref<632x16xf32, #tpu.memory_space<hbm>>)
      tpu.yield
    }) : () -> ()
    return
  }
}

module attributes {stable_mosaic.version = 14 : i64} {
  func.func @_mat1_body(%arg0: i32, %arg1: memref<1x1000x1xi32, #tpu.memory_space<vmem>>, %arg2: memref<1x1000x1xi32, #tpu.memory_space<vmem>>, %arg3: memref<1x1000x1xi32, #tpu.memory_space<vmem>>, %arg4: memref<1000x2xf32, #tpu.memory_space<vmem>>, %arg5: memref<2x1000x16xf32, #tpu.memory_space<vmem>>, %arg6: memref<184x256xf32, #tpu.memory_space<vmem>>, %arg7: memref<1000x8xf32, #tpu.memory_space<vmem>>, %arg8: memref<1000x128xf32, #tpu.memory_space<vmem>>, %arg9: memref<1000x128xf32, #tpu.memory_space<vmem>>) attributes {dimension_semantics = [#tpu.dimension_semantics<arbitrary>], iteration_bounds = array<i64: 10>, scalar_prefetch = 0 : i64, scratch_operands = 0 : i64, tpu.core_type = #tpu.core_type<tc>, window_params = [{transform_indices = @transform_0, window_bounds = array<i64: 1, 1000, 1>}, {transform_indices = @transform_1, window_bounds = array<i64: 1, 1000, 1>}, {transform_indices = @transform_2, window_bounds = array<i64: 1, 1000, 1>}, {transform_indices = @transform_3, window_bounds = array<i64: 1000, 2>}, {transform_indices = @transform_4, window_bounds = array<i64: 2, 1000, 16>}, {pipeline_mode = #tpu.pipeline_mode<synchronous>, transform_indices = @transform_5, window_bounds = array<i64: 184, 256>}, {transform_indices = @transform_6, window_bounds = array<i64: 1000, 8>}, {transform_indices = @transform_7, window_bounds = array<i64: 1000, 128>}, {transform_indices = @transform_8, window_bounds = array<i64: 1000, 128>}]} {
    %iota3A = tpu.iota {dimensions = array<i32: 1>} : vector<1x184xi32>
    %get3A = arith.constant 0 : index
    %get3A_0 = arith.constant 0 : index
    %get3A_1 = arith.constant 0 : index
    %get3A_2 = vector.load %arg1[%get3A, %get3A_0, %get3A_1] : memref<1x1000x1xi32, #tpu.memory_space<vmem>>, vector<1x1000x1xi32>
    %get3A_3 = vector.shape_cast %get3A_2 : vector<1x1000x1xi32> to vector<1000x1xi32>
    %eq3A = vector.broadcast %get3A_3 : vector<1000x1xi32> to vector<1000x184xi32>
    %eq3A_4 = vector.broadcast %iota3A : vector<1x184xi32> to vector<1000x184xi32>
    %eq3A_5 = arith.cmpi eq, %eq3A, %eq3A_4 : vector<1000x184xi32>
    %convert_element_type3A = arith.extui %eq3A_5 : vector<1000x184xi1> to vector<1000x184xi32>
    %convert_element_type3A_6 = arith.sitofp %convert_element_type3A : vector<1000x184xi32> to vector<1000x184xf32>
    %get3A_7 = arith.constant 0 : index
    %get3A_8 = arith.constant 0 : index
    %get3A_9 = arith.constant 0 : index
    %get3A_10 = vector.load %arg2[%get3A_7, %get3A_8, %get3A_9] : memref<1x1000x1xi32, #tpu.memory_space<vmem>>, vector<1x1000x1xi32>
    %get3A_11 = vector.shape_cast %get3A_10 : vector<1x1000x1xi32> to vector<1000x1xi32>
    %add3A = arith.constant 100 : i32
    %add3A_12 = vector.broadcast %add3A : i32 to vector<1000x1xi32>
    %add3A_13 = arith.addi %get3A_11, %add3A_12 : vector<1000x1xi32>
    %eq3A_14 = vector.broadcast %add3A_13 : vector<1000x1xi32> to vector<1000x184xi32>
    %eq3A_15 = vector.broadcast %iota3A : vector<1x184xi32> to vector<1000x184xi32>
    %eq3A_16 = arith.cmpi eq, %eq3A_14, %eq3A_15 : vector<1000x184xi32>
    %convert_element_type3A_17 = arith.extui %eq3A_16 : vector<1000x184xi1> to vector<1000x184xi32>
    %convert_element_type3A_18 = arith.sitofp %convert_element_type3A_17 : vector<1000x184xi32> to vector<1000x184xf32>
    %add3A_19 = arith.addf %convert_element_type3A_6, %convert_element_type3A_18 : vector<1000x184xf32>
    %get3A_20 = arith.constant 0 : index
    %get3A_21 = arith.constant 0 : index
    %get3A_22 = arith.constant 0 : index
    %get3A_23 = vector.load %arg3[%get3A_20, %get3A_21, %get3A_22] : memref<1x1000x1xi32, #tpu.memory_space<vmem>>, vector<1x1000x1xi32>
    %get3A_24 = vector.shape_cast %get3A_23 : vector<1x1000x1xi32> to vector<1000x1xi32>
    %add3A_25 = arith.constant 100 : i32
    %add3A_26 = vector.broadcast %add3A_25 : i32 to vector<1000x1xi32>
    %add3A_27 = arith.addi %get3A_24, %add3A_26 : vector<1000x1xi32>
    %add3A_28 = arith.constant 16 : i32
    %add3A_29 = vector.broadcast %add3A_28 : i32 to vector<1000x1xi32>
    %add3A_30 = arith.addi %add3A_27, %add3A_29 : vector<1000x1xi32>
    %eq3A_31 = vector.broadcast %add3A_30 : vector<1000x1xi32> to vector<1000x184xi32>
    %eq3A_32 = vector.broadcast %iota3A : vector<1x184xi32> to vector<1000x184xi32>
    %eq3A_33 = arith.cmpi eq, %eq3A_31, %eq3A_32 : vector<1000x184xi32>
    %convert_element_type3A_34 = arith.extui %eq3A_33 : vector<1000x184xi1> to vector<1000x184xi32>
    %convert_element_type3A_35 = arith.sitofp %convert_element_type3A_34 : vector<1000x184xi32> to vector<1000x184xf32>
    %add3A_36 = arith.addf %add3A_19, %convert_element_type3A_35 : vector<1000x184xf32>
    %get3A_37 = arith.constant 0 : index
    %get3A_38 = arith.constant 0 : index
    %get3A_39 = vector.load %arg4[%get3A_37, %get3A_38] : memref<1000x2xf32, #tpu.memory_space<vmem>>, vector<1000x1xf32>
    %eq3A_40 = arith.constant 180 : i32
    %eq3A_41 = vector.broadcast %eq3A_40 : i32 to vector<1x184xi32>
    %eq3A_42 = arith.cmpi eq, %iota3A, %eq3A_41 : vector<1x184xi32>
    %convert_element_type3A_43 = arith.extui %eq3A_42 : vector<1x184xi1> to vector<1x184xi32>
    %convert_element_type3A_44 = arith.sitofp %convert_element_type3A_43 : vector<1x184xi32> to vector<1x184xf32>
    %mul3A = vector.broadcast %get3A_39 : vector<1000x1xf32> to vector<1000x184xf32>
    %mul3A_45 = vector.broadcast %convert_element_type3A_44 : vector<1x184xf32> to vector<1000x184xf32>
    %mul3A_46 = arith.mulf %mul3A, %mul3A_45 : vector<1000x184xf32>
    %get3A_47 = arith.constant 0 : index
    %get3A_48 = arith.constant 1 : index
    %get3A_49 = vector.load %arg4[%get3A_47, %get3A_48] : memref<1000x2xf32, #tpu.memory_space<vmem>>, vector<1000x1xf32>
    %eq3A_50 = arith.constant 181 : i32
    %eq3A_51 = vector.broadcast %eq3A_50 : i32 to vector<1x184xi32>
    %eq3A_52 = arith.cmpi eq, %iota3A, %eq3A_51 : vector<1x184xi32>
    %convert_element_type3A_53 = arith.extui %eq3A_52 : vector<1x184xi1> to vector<1x184xi32>
    %convert_element_type3A_54 = arith.sitofp %convert_element_type3A_53 : vector<1x184xi32> to vector<1x184xf32>
    %mul3A_55 = vector.broadcast %get3A_49 : vector<1000x1xf32> to vector<1000x184xf32>
    %mul3A_56 = vector.broadcast %convert_element_type3A_54 : vector<1x184xf32> to vector<1000x184xf32>
    %mul3A_57 = arith.mulf %mul3A_55, %mul3A_56 : vector<1000x184xf32>
    %add3A_58 = arith.addf %add3A_36, %mul3A_46 : vector<1000x184xf32>
    %add3A_59 = arith.addf %add3A_58, %mul3A_57 : vector<1000x184xf32>
    %get3A_60 = arith.constant 0 : index
    %get3A_61 = arith.constant 0 : index
    %get3A_62 = arith.constant 0 : index
    %get3A_63 = vector.load %arg5[%get3A_60, %get3A_61, %get3A_62] : memref<2x1000x16xf32, #tpu.memory_space<vmem>>, vector<1x1000x16xf32>
    %get3A_64 = vector.shape_cast %get3A_63 : vector<1x1000x16xf32> to vector<1000x16xf32>
    %slice3A = vector.extract_strided_slice %get3A_64 {offsets = [0, 0], sizes = [1000, 1], strides = [1, 1]} : vector<1000x16xf32> to vector<1000x1xf32>
    %get3A_65 = arith.constant 1 : index
    %get3A_66 = arith.constant 0 : index
    %get3A_67 = arith.constant 0 : index
    %get3A_68 = vector.load %arg5[%get3A_65, %get3A_66, %get3A_67] : memref<2x1000x16xf32, #tpu.memory_space<vmem>>, vector<1x1000x16xf32>
    %get3A_69 = vector.shape_cast %get3A_68 : vector<1x1000x16xf32> to vector<1000x16xf32>
    %slice3A_70 = vector.extract_strided_slice %get3A_69 {offsets = [0, 0], sizes = [1000, 1], strides = [1, 1]} : vector<1000x16xf32> to vector<1000x1xf32>
    %add3A_71 = arith.addf %slice3A, %slice3A_70 : vector<1000x1xf32>
    %rsqrt3A = math.rsqrt %add3A_71 : vector<1000x1xf32>
    %get3A_72 = arith.constant 0 : index
    %get3A_73 = arith.constant 0 : index
    %get3A_74 = vector.load %arg6[%get3A_72, %get3A_73] : memref<184x256xf32, #tpu.memory_space<vmem>>, vector<184x256xf32>
    %dot_general3A = arith.constant dense<0.000000e+00> : vector<1000x256xf32>
    %dot_general3A_75 = tpu.matmul %add3A_59, %get3A_74, %dot_general3A {dimension_numbers = #tpu.dot_dimension_numbers<[1], [0], [0], [1], [0, 0, 1, 1], [], []>, transpose_lhs_hint = false} : vector<1000x184xf32>, vector<184x256xf32>, vector<1000x256xf32> -> vector<1000x256xf32>
    %mul3A_76 = vector.broadcast %rsqrt3A : vector<1000x1xf32> to vector<1000x256xf32>
    %mul3A_77 = arith.mulf %dot_general3A_75, %mul3A_76 : vector<1000x256xf32>
    %broadcast_in_dim3A = vector.shape_cast %rsqrt3A : vector<1000x1xf32> to vector<1000x1xf32>
    %broadcast_in_dim3A_78 = vector.broadcast %broadcast_in_dim3A : vector<1000x1xf32> to vector<1000x8xf32>
    %swap3A = arith.constant 0 : index
    %swap3A_79 = arith.constant 0 : index
    %swap3A_80 = vector.load %arg7[%swap3A, %swap3A_79] : memref<1000x8xf32, #tpu.memory_space<vmem>>, vector<1000x8xf32>
    tpu.vector_store %arg7[%swap3A, %swap3A_79], %broadcast_in_dim3A_78 {strides = array<i32>} : memref<1000x8xf32, #tpu.memory_space<vmem>>, vector<1000x8xf32>,
    %slice3A_81 = vector.extract_strided_slice %mul3A_77 {offsets = [0, 0], sizes = [1000, 128], strides = [1, 1]} : vector<1000x256xf32> to vector<1000x128xf32>
    %swap3A_82 = arith.constant 0 : index
    %swap3A_83 = arith.constant 0 : index
    %swap3A_84 = vector.load %arg8[%swap3A_82, %swap3A_83] : memref<1000x128xf32, #tpu.memory_space<vmem>>, vector<1000x128xf32>
    tpu.vector_store %arg8[%swap3A_82, %swap3A_83], %slice3A_81 {strides = array<i32>} : memref<1000x128xf32, #tpu.memory_space<vmem>>, vector<1000x128xf32>,
    %slice3A_85 = vector.extract_strided_slice %mul3A_77 {offsets = [0, 128], sizes = [1000, 128], strides = [1, 1]} : vector<1000x256xf32> to vector<1000x128xf32>
    %swap3A_86 = arith.constant 0 : index
    %swap3A_87 = arith.constant 0 : index
    %swap3A_88 = vector.load %arg9[%swap3A_86, %swap3A_87] : memref<1000x128xf32, #tpu.memory_space<vmem>>, vector<1000x128xf32>
    tpu.vector_store %arg9[%swap3A_86, %swap3A_87], %slice3A_85 {strides = array<i32>} : memref<1000x128xf32, #tpu.memory_space<vmem>>, vector<1000x128xf32>,
    return
  }
  func.func @transform_0(%arg0: i32) -> (i32, i32, i32) {
    %c0_i32 = arith.constant 0 : i32
    %c0_i32_0 = arith.constant 0 : i32
    %c0_i32_1 = arith.constant 0 : i32
    return %arg0, %c0_i32, %c0_i32_0 : i32, i32, i32
  }
  func.func @transform_1(%arg0: i32) -> (i32, i32, i32) {
    %c0_i32 = arith.constant 0 : i32
    %c0_i32_0 = arith.constant 0 : i32
    %c0_i32_1 = arith.constant 0 : i32
    return %arg0, %c0_i32, %c0_i32_0 : i32, i32, i32
  }
  func.func @transform_2(%arg0: i32) -> (i32, i32, i32) {
    %c0_i32 = arith.constant 0 : i32
    %c0_i32_0 = arith.constant 0 : i32
    %c0_i32_1 = arith.constant 0 : i32
    return %arg0, %c0_i32, %c0_i32_0 : i32, i32, i32
  }
  func.func @transform_3(%arg0: i32) -> (i32, i32) {
    %c0_i32 = arith.constant 0 : i32
    %c0_i32_0 = arith.constant 0 : i32
    return %arg0, %c0_i32 : i32, i32
  }
  func.func @transform_4(%arg0: i32) -> (i32, i32, i32) {
    %c0_i32 = arith.constant 0 : i32
    %c0_i32_0 = arith.constant 0 : i32
    %c0_i32_1 = arith.constant 0 : i32
    return %c0_i32, %arg0, %c0_i32_0 : i32, i32, i32
  }
  func.func @transform_5(%arg0: i32) -> (i32, i32) {
    %c0_i32 = arith.constant 0 : i32
    %c0_i32_0 = arith.constant 0 : i32
    %c0_i32_1 = arith.constant 0 : i32
    return %c0_i32, %c0_i32_0 : i32, i32
  }
  func.func @transform_6(%arg0: i32) -> (i32, i32) {
    %c0_i32 = arith.constant 0 : i32
    %c0_i32_0 = arith.constant 0 : i32
    return %arg0, %c0_i32 : i32, i32
  }
  func.func @transform_7(%arg0: i32) -> (i32, i32) {
    %c0_i32 = arith.constant 0 : i32
    %c0_i32_0 = arith.constant 0 : i32
    return %arg0, %c0_i32 : i32, i32
  }
  func.func @transform_8(%arg0: i32) -> (i32, i32) {
    %c0_i32 = arith.constant 0 : i32
    %c0_i32_0 = arith.constant 0 : i32
    return %arg0, %c0_i32 : i32, i32
  }
}

module attributes {stable_mosaic.version = 14 : i64} {
  func.func @_mat2_body(%arg0: i32, %arg1: memref<2x1000x128xf32, #tpu.memory_space<vmem>>, %arg2: memref<1000x8xf32, #tpu.memory_space<vmem>>, %arg3: memref<1x256xf32, #tpu.memory_space<vmem>>, %arg4: memref<256x256xf32, #tpu.memory_space<vmem>>, %arg5: memref<1000x128xf32, #tpu.memory_space<vmem>>, %arg6: memref<1000x128xf32, #tpu.memory_space<vmem>>) attributes {dimension_semantics = [#tpu.dimension_semantics<arbitrary>], iteration_bounds = array<i64: 10>, scalar_prefetch = 0 : i64, scratch_operands = 0 : i64, tpu.core_type = #tpu.core_type<tc>, window_params = [{transform_indices = @transform_0, window_bounds = array<i64: 2, 1000, 128>}, {transform_indices = @transform_1, window_bounds = array<i64: 1000, 8>}, {pipeline_mode = #tpu.pipeline_mode<synchronous>, transform_indices = @transform_2, window_bounds = array<i64: 1, 256>}, {pipeline_mode = #tpu.pipeline_mode<synchronous>, transform_indices = @transform_3, window_bounds = array<i64: 256, 256>}, {transform_indices = @transform_4, window_bounds = array<i64: 1000, 128>}, {transform_indices = @transform_5, window_bounds = array<i64: 1000, 128>}]} {
    %get3A = arith.constant 0 : index
    %get3A_0 = arith.constant 0 : index
    %get3A_1 = arith.constant 0 : index
    %get3A_2 = vector.load %arg1[%get3A, %get3A_0, %get3A_1] : memref<2x1000x128xf32, #tpu.memory_space<vmem>>, vector<1x1000x128xf32>
    %get3A_3 = vector.shape_cast %get3A_2 : vector<1x1000x128xf32> to vector<1000x128xf32>
    %get3A_4 = arith.constant 1 : index
    %get3A_5 = arith.constant 0 : index
    %get3A_6 = arith.constant 0 : index
    %get3A_7 = vector.load %arg1[%get3A_4, %get3A_5, %get3A_6] : memref<2x1000x128xf32, #tpu.memory_space<vmem>>, vector<1x1000x128xf32>
    %get3A_8 = vector.shape_cast %get3A_7 : vector<1x1000x128xf32> to vector<1000x128xf32>
    %concatenate3A = tpu.concatenate %get3A_3, %get3A_8 in 1 : vector<1000x128xf32>, vector<1000x128xf32> -> vector<1000x256xf32>
    %get3A_9 = arith.constant 0 : index
    %get3A_10 = arith.constant 0 : index
    %get3A_11 = vector.load %arg2[%get3A_9, %get3A_10] : memref<1000x8xf32, #tpu.memory_space<vmem>>, vector<1000x1xf32>
    %mul3A = vector.broadcast %get3A_11 : vector<1000x1xf32> to vector<1000x256xf32>
    %mul3A_12 = arith.mulf %concatenate3A, %mul3A : vector<1000x256xf32>
    %get3A_13 = arith.constant 0 : index
    %get3A_14 = arith.constant 0 : index
    %get3A_15 = vector.load %arg3[%get3A_13, %get3A_14] : memref<1x256xf32, #tpu.memory_space<vmem>>, vector<1x256xf32>
    %add3A = vector.broadcast %get3A_15 : vector<1x256xf32> to vector<1000x256xf32>
    %add3A_16 = arith.addf %mul3A_12, %add3A : vector<1000x256xf32>
    %gt3A = arith.constant 0.000000e+00 : f32
    %gt3A_17 = vector.broadcast %gt3A : f32 to vector<1000x256xf32>
    %gt3A_18 = arith.cmpf ogt, %add3A_16, %gt3A_17 : vector<1000x256xf32>
    %min3A = arith.constant 0.000000e+00 : f32
    %min3A_19 = vector.broadcast %min3A : f32 to vector<1000x256xf32>
    %min3A_20 = arith.minimumf %add3A_16, %min3A_19 : vector<1000x256xf32>
    %exp3A = math.exp %min3A_20 : vector<1000x256xf32>
    %sub3A = arith.constant 1.000000e+00 : f32
    %sub3A_21 = vector.broadcast %sub3A : f32 to vector<1000x256xf32>
    %sub3A_22 = arith.subf %exp3A, %sub3A_21 : vector<1000x256xf32>
    %select_n3A = arith.select %gt3A_18, %add3A_16, %sub3A_22 : vector<1000x256xi1>, vector<1000x256xf32>
    %get3A_23 = arith.constant 0 : index
    %get3A_24 = arith.constant 0 : index
    %get3A_25 = vector.load %arg4[%get3A_23, %get3A_24] : memref<256x256xf32, #tpu.memory_space<vmem>>, vector<256x256xf32>
    %dot_general3A = arith.constant dense<0.000000e+00> : vector<1000x256xf32>
    %dot_general3A_26 = tpu.matmul %select_n3A, %get3A_25, %dot_general3A {dimension_numbers = #tpu.dot_dimension_numbers<[1], [0], [0], [1], [0, 0, 1, 1], [], []>, transpose_lhs_hint = false} : vector<1000x256xf32>, vector<256x256xf32>, vector<1000x256xf32> -> vector<1000x256xf32>
    %mul3A_27 = vector.broadcast %get3A_11 : vector<1000x1xf32> to vector<1000x256xf32>
    %mul3A_28 = arith.mulf %dot_general3A_26, %mul3A_27 : vector<1000x256xf32>
    %slice3A = vector.extract_strided_slice %mul3A_28 {offsets = [0, 0], sizes = [1000, 128], strides = [1, 1]} : vector<1000x256xf32> to vector<1000x128xf32>
    %swap3A = arith.constant 0 : index
    %swap3A_29 = arith.constant 0 : index
    %swap3A_30 = vector.load %arg5[%swap3A, %swap3A_29] : memref<1000x128xf32, #tpu.memory_space<vmem>>, vector<1000x128xf32>
    tpu.vector_store %arg5[%swap3A, %swap3A_29], %slice3A {strides = array<i32>} : memref<1000x128xf32, #tpu.memory_space<vmem>>, vector<1000x128xf32>,
    %slice3A_31 = vector.extract_strided_slice %mul3A_28 {offsets = [0, 128], sizes = [1000, 128], strides = [1, 1]} : vector<1000x256xf32> to vector<1000x128xf32>
    %swap3A_32 = arith.constant 0 : index
    %swap3A_33 = arith.constant 0 : index
    %swap3A_34 = vector.load %arg6[%swap3A_32, %swap3A_33] : memref<1000x128xf32, #tpu.memory_space<vmem>>, vector<1000x128xf32>
    tpu.vector_store %arg6[%swap3A_32, %swap3A_33], %slice3A_31 {strides = array<i32>} : memref<1000x128xf32, #tpu.memory_space<vmem>>, vector<1000x128xf32>,
    return
  }
  func.func @transform_0(%arg0: i32) -> (i32, i32, i32) {
    %c0_i32 = arith.constant 0 : i32
    %c0_i32_0 = arith.constant 0 : i32
    %c0_i32_1 = arith.constant 0 : i32
    return %c0_i32, %arg0, %c0_i32_0 : i32, i32, i32
  }
  func.func @transform_1(%arg0: i32) -> (i32, i32) {
    %c0_i32 = arith.constant 0 : i32
    %c0_i32_0 = arith.constant 0 : i32
    return %arg0, %c0_i32 : i32, i32
  }
  func.func @transform_2(%arg0: i32) -> (i32, i32) {
    %c0_i32 = arith.constant 0 : i32
    %c0_i32_0 = arith.constant 0 : i32
    %c0_i32_1 = arith.constant 0 : i32
    return %c0_i32, %c0_i32_0 : i32, i32
  }
  func.func @transform_3(%arg0: i32) -> (i32, i32) {
    %c0_i32 = arith.constant 0 : i32
    %c0_i32_0 = arith.constant 0 : i32
    %c0_i32_1 = arith.constant 0 : i32
    return %c0_i32, %c0_i32_0 : i32, i32
  }
  func.func @transform_4(%arg0: i32) -> (i32, i32) {
    %c0_i32 = arith.constant 0 : i32
    %c0_i32_0 = arith.constant 0 : i32
    return %arg0, %c0_i32 : i32, i32
  }
  func.func @transform_5(%arg0: i32) -> (i32, i32) {
    %c0_i32 = arith.constant 0 : i32
    %c0_i32_0 = arith.constant 0 : i32
    return %arg0, %c0_i32 : i32, i32
  }
}

module attributes {stable_mosaic.version = 14 : i64} {
  func.func @_head_body(%arg0: i32, %arg1: memref<2x1000x128xf32, #tpu.memory_space<vmem>>, %arg2: memref<1000x8xf32, #tpu.memory_space<vmem>>, %arg3: memref<1x256xf32, #tpu.memory_space<vmem>>, %arg4: memref<1x1000x1xi32, #tpu.memory_space<vmem>>, %arg5: memref<256x512xf32, #tpu.memory_space<vmem>>, %arg6: memref<1x512xf32, #tpu.memory_space<vmem>>, %arg7: memref<512x128xf32, #tpu.memory_space<vmem>>, %arg8: memref<1x128xf32, #tpu.memory_space<vmem>>, %arg9: memref<128x8xf32, #tpu.memory_space<vmem>>, %arg10: memref<1x8xf32, #tpu.memory_space<vmem>>, %arg11: memref<256x8xf32, #tpu.memory_space<vmem>>, %arg12: memref<256x256xf32, #tpu.memory_space<vmem>>, %arg13: memref<256x8xf32, #tpu.memory_space<vmem>>) attributes {dimension_semantics = [#tpu.dimension_semantics<arbitrary>], iteration_bounds = array<i64: 10>, scalar_prefetch = 0 : i64, scratch_operands = 2 : i64, tpu.core_type = #tpu.core_type<tc>, window_params = [{transform_indices = @transform_0, window_bounds = array<i64: 2, 1000, 128>}, {transform_indices = @transform_1, window_bounds = array<i64: 1000, 8>}, {pipeline_mode = #tpu.pipeline_mode<synchronous>, transform_indices = @transform_2, window_bounds = array<i64: 1, 256>}, {transform_indices = @transform_3, window_bounds = array<i64: 1, 1000, 1>}, {pipeline_mode = #tpu.pipeline_mode<synchronous>, transform_indices = @transform_4, window_bounds = array<i64: 256, 512>}, {pipeline_mode = #tpu.pipeline_mode<synchronous>, transform_indices = @transform_5, window_bounds = array<i64: 1, 512>}, {pipeline_mode = #tpu.pipeline_mode<synchronous>, transform_indices = @transform_6, window_bounds = array<i64: 512, 128>}, {pipeline_mode = #tpu.pipeline_mode<synchronous>, transform_indices = @transform_7, window_bounds = array<i64: 1, 128>}, {pipeline_mode = #tpu.pipeline_mode<synchronous>, transform_indices = @transform_8, window_bounds = array<i64: 128, 8>}, {pipeline_mode = #tpu.pipeline_mode<synchronous>, transform_indices = @transform_9, window_bounds = array<i64: 1, 8>}, {pipeline_mode = #tpu.pipeline_mode<synchronous>, transform_indices = @transform_10, window_bounds = array<i64: 256, 8>}]} {
    %get3A = arith.constant 0 : index
    %get3A_0 = arith.constant 0 : index
    %get3A_1 = arith.constant 0 : index
    %get3A_2 = vector.load %arg1[%get3A, %get3A_0, %get3A_1] : memref<2x1000x128xf32, #tpu.memory_space<vmem>>, vector<1x1000x128xf32>
    %get3A_3 = vector.shape_cast %get3A_2 : vector<1x1000x128xf32> to vector<1000x128xf32>
    %get3A_4 = arith.constant 1 : index
    %get3A_5 = arith.constant 0 : index
    %get3A_6 = arith.constant 0 : index
    %get3A_7 = vector.load %arg1[%get3A_4, %get3A_5, %get3A_6] : memref<2x1000x128xf32, #tpu.memory_space<vmem>>, vector<1x1000x128xf32>
    %get3A_8 = vector.shape_cast %get3A_7 : vector<1x1000x128xf32> to vector<1000x128xf32>
    %concatenate3A = tpu.concatenate %get3A_3, %get3A_8 in 1 : vector<1000x128xf32>, vector<1000x128xf32> -> vector<1000x256xf32>
    %get3A_9 = arith.constant 0 : index
    %get3A_10 = arith.constant 0 : index
    %get3A_11 = vector.load %arg2[%get3A_9, %get3A_10] : memref<1000x8xf32, #tpu.memory_space<vmem>>, vector<1000x1xf32>
    %mul3A = vector.broadcast %get3A_11 : vector<1000x1xf32> to vector<1000x256xf32>
    %mul3A_12 = arith.mulf %concatenate3A, %mul3A : vector<1000x256xf32>
    %get3A_13 = arith.constant 0 : index
    %get3A_14 = arith.constant 0 : index
    %get3A_15 = vector.load %arg3[%get3A_13, %get3A_14] : memref<1x256xf32, #tpu.memory_space<vmem>>, vector<1x256xf32>
    %add3A = vector.broadcast %get3A_15 : vector<1x256xf32> to vector<1000x256xf32>
    %add3A_16 = arith.addf %mul3A_12, %add3A : vector<1000x256xf32>
    %gt3A = arith.constant 0.000000e+00 : f32
    %gt3A_17 = vector.broadcast %gt3A : f32 to vector<1000x256xf32>
    %gt3A_18 = arith.cmpf ogt, %add3A_16, %gt3A_17 : vector<1000x256xf32>
    %min3A = arith.constant 0.000000e+00 : f32
    %min3A_19 = vector.broadcast %min3A : f32 to vector<1000x256xf32>
    %min3A_20 = arith.minimumf %add3A_16, %min3A_19 : vector<1000x256xf32>
    %exp3A = math.exp %min3A_20 : vector<1000x256xf32>
    %sub3A = arith.constant 1.000000e+00 : f32
    %sub3A_21 = vector.broadcast %sub3A : f32 to vector<1000x256xf32>
    %sub3A_22 = arith.subf %exp3A, %sub3A_21 : vector<1000x256xf32>
    %select_n3A = arith.select %gt3A_18, %add3A_16, %sub3A_22 : vector<1000x256xi1>, vector<1000x256xf32>
    %iota3A = tpu.iota {dimensions = array<i32: 1>} : vector<1x256xi32>
    %get3A_23 = arith.constant 0 : index
    %get3A_24 = arith.constant 0 : index
    %get3A_25 = arith.constant 0 : index
    %get3A_26 = vector.load %arg4[%get3A_23, %get3A_24, %get3A_25] : memref<1x1000x1xi32, #tpu.memory_space<vmem>>, vector<1x1000x1xi32>
    %get3A_27 = vector.shape_cast %get3A_26 : vector<1x1000x1xi32> to vector<1000x1xi32>
    %eq3A = vector.broadcast %get3A_27 : vector<1000x1xi32> to vector<1000x256xi32>
    %eq3A_28 = vector.broadcast %iota3A : vector<1x256xi32> to vector<1000x256xi32>
    %eq3A_29 = arith.cmpi eq, %eq3A, %eq3A_28 : vector<1000x256xi32>
    %convert_element_type3A = arith.extui %eq3A_29 : vector<1000x256xi1> to vector<1000x256xi32>
    %convert_element_type3A_30 = arith.sitofp %convert_element_type3A : vector<1000x256xi32> to vector<1000x256xf32>
    %dot_general3A = arith.constant dense<0.000000e+00> : vector<256x256xf32>
    %dot_general3A_31 = tpu.matmul %convert_element_type3A_30, %select_n3A, %dot_general3A {dimension_numbers = #tpu.dot_dimension_numbers<[0], [0], [1], [1], [0, 1, 1, 1], [], []>, transpose_lhs_hint = false} : vector<1000x256xf32>, vector<1000x256xf32>, vector<256x256xf32> -> vector<256x256xf32>
    %broadcast_in_dim3A = arith.constant 1.000000e+00 : f32
    %broadcast_in_dim3A_32 = vector.broadcast %broadcast_in_dim3A : f32 to vector<1000x8xf32>
    %dot_general3A_33 = arith.constant dense<0.000000e+00> : vector<256x8xf32>
    %dot_general3A_34 = tpu.matmul %convert_element_type3A_30, %broadcast_in_dim3A_32, %dot_general3A_33 {dimension_numbers = #tpu.dot_dimension_numbers<[0], [0], [1], [1], [0, 1, 1, 1], [], []>, transpose_lhs_hint = false} : vector<1000x256xf32>, vector<1000x8xf32>, vector<256x8xf32> -> vector<256x8xf32>
    %eq3A_35 = arith.constant 0 : i32
    %eq3A_36 = arith.cmpi eq, %arg0, %eq3A_35 : i32
    %convert_element_type3A_37 = arith.extui %eq3A_36 : i1 to i32
    %cond3A = arith.constant 0 : i32
    %cond3A_38 = arith.cmpi ne, %convert_element_type3A_37, %cond3A : i32
    scf.if %cond3A_38 {
      %swap3A = arith.constant 0 : index
      %swap3A_49 = arith.constant 0 : index
      %swap3A_50 = vector.load %arg12[%swap3A, %swap3A_49] : memref<256x256xf32, #tpu.memory_space<vmem>>, vector<256x256xf32>
      tpu.vector_store %arg12[%swap3A, %swap3A_49], %dot_general3A_31 {strides = array<i32>} : memref<256x256xf32, #tpu.memory_space<vmem>>, vector<256x256xf32>,
      %swap3A_51 = arith.constant 0 : index
      %swap3A_52 = arith.constant 0 : index
      %swap3A_53 = vector.load %arg13[%swap3A_51, %swap3A_52] : memref<256x8xf32, #tpu.memory_space<vmem>>, vector<256x8xf32>
      tpu.vector_store %arg13[%swap3A_51, %swap3A_52], %dot_general3A_34 {strides = array<i32>} : memref<256x8xf32, #tpu.memory_space<vmem>>, vector<256x8xf32>,
    } else {
    }
    %gt3A_39 = arith.constant 0 : i32
    %gt3A_40 = arith.cmpi sgt, %arg0, %gt3A_39 : i32
    %convert_element_type3A_41 = arith.extui %gt3A_40 : i1 to i32
    %cond3A_42 = arith.constant 0 : i32
    %cond3A_43 = arith.cmpi ne, %convert_element_type3A_41, %cond3A_42 : i32
    scf.if %cond3A_43 {
      %get3A_49 = arith.constant 0 : index
      %get3A_50 = arith.constant 0 : index
      %get3A_51 = vector.load %arg12[%get3A_49, %get3A_50] : memref<256x256xf32, #tpu.memory_space<vmem>>, vector<256x256xf32>
      %add3A_52 = arith.addf %get3A_51, %dot_general3A_31 : vector<256x256xf32>
      %swap3A = arith.constant 0 : index
      %swap3A_53 = arith.constant 0 : index
      %swap3A_54 = vector.load %arg12[%swap3A, %swap3A_53] : memref<256x256xf32, #tpu.memory_space<vmem>>, vector<256x256xf32>
      tpu.vector_store %arg12[%swap3A, %swap3A_53], %add3A_52 {strides = array<i32>} : memref<256x256xf32, #tpu.memory_space<vmem>>, vector<256x256xf32>,
      %get3A_55 = arith.constant 0 : index
      %get3A_56 = arith.constant 0 : index
      %get3A_57 = vector.load %arg13[%get3A_55, %get3A_56] : memref<256x8xf32, #tpu.memory_space<vmem>>, vector<256x8xf32>
      %add3A_58 = arith.addf %get3A_57, %dot_general3A_34 : vector<256x8xf32>
      %swap3A_59 = arith.constant 0 : index
      %swap3A_60 = arith.constant 0 : index
      %swap3A_61 = vector.load %arg13[%swap3A_59, %swap3A_60] : memref<256x8xf32, #tpu.memory_space<vmem>>, vector<256x8xf32>
      tpu.vector_store %arg13[%swap3A_59, %swap3A_60], %add3A_58 {strides = array<i32>} : memref<256x8xf32, #tpu.memory_space<vmem>>, vector<256x8xf32>,
    } else {
    }
    %eq3A_44 = arith.constant 9 : i32
    %eq3A_45 = arith.cmpi eq, %arg0, %eq3A_44 : i32
    %convert_element_type3A_46 = arith.extui %eq3A_45 : i1 to i32
    %cond3A_47 = arith.constant 0 : i32
    %cond3A_48 = arith.cmpi ne, %convert_element_type3A_46, %cond3A_47 : i32
    scf.if %cond3A_48 {
      %get3A_49 = arith.constant 0 : index
      %get3A_50 = arith.constant 0 : index
      %get3A_51 = vector.load %arg12[%get3A_49, %get3A_50] : memref<256x256xf32, #tpu.memory_space<vmem>>, vector<256x256xf32>
      %get3A_52 = arith.constant 0 : index
      %get3A_53 = arith.constant 0 : index
      %get3A_54 = vector.load %arg13[%get3A_52, %get3A_53] : memref<256x8xf32, #tpu.memory_space<vmem>>, vector<256x1xf32>
      %max3A = arith.constant 1.000000e+00 : f32
      %max3A_55 = vector.broadcast %max3A : f32 to vector<256x1xf32>
      %max3A_56 = arith.maximumf %get3A_54, %max3A_55 : vector<256x1xf32>
      %div3A = vector.broadcast %max3A_56 : vector<256x1xf32> to vector<256x256xf32>
      %div3A_57 = arith.divf %get3A_51, %div3A : vector<256x256xf32>
      %get3A_58 = arith.constant 0 : index
      %get3A_59 = arith.constant 0 : index
      %get3A_60 = vector.load %arg5[%get3A_58, %get3A_59] : memref<256x512xf32, #tpu.memory_space<vmem>>, vector<256x512xf32>
      %dot_general3A_61 = arith.constant dense<0.000000e+00> : vector<256x512xf32>
      %dot_general3A_62 = tpu.matmul %div3A_57, %get3A_60, %dot_general3A_61 {dimension_numbers = #tpu.dot_dimension_numbers<[1], [0], [0], [1], [0, 0, 1, 1], [], []>, transpose_lhs_hint = false} : vector<256x256xf32>, vector<256x512xf32>, vector<256x512xf32> -> vector<256x512xf32>
      %get3A_63 = arith.constant 0 : index
      %get3A_64 = arith.constant 0 : index
      %get3A_65 = vector.load %arg6[%get3A_63, %get3A_64] : memref<1x512xf32, #tpu.memory_space<vmem>>, vector<1x512xf32>
      %add3A_66 = vector.broadcast %get3A_65 : vector<1x512xf32> to vector<256x512xf32>
      %add3A_67 = arith.addf %dot_general3A_62, %add3A_66 : vector<256x512xf32>
      %gt3A_68 = arith.constant 0.000000e+00 : f32
      %gt3A_69 = vector.broadcast %gt3A_68 : f32 to vector<256x512xf32>
      %gt3A_70 = arith.cmpf ogt, %add3A_67, %gt3A_69 : vector<256x512xf32>
      %min3A_71 = arith.constant 0.000000e+00 : f32
      %min3A_72 = vector.broadcast %min3A_71 : f32 to vector<256x512xf32>
      %min3A_73 = arith.minimumf %add3A_67, %min3A_72 : vector<256x512xf32>
      %exp3A_74 = math.exp %min3A_73 : vector<256x512xf32>
      %sub3A_75 = arith.constant 1.000000e+00 : f32
      %sub3A_76 = vector.broadcast %sub3A_75 : f32 to vector<256x512xf32>
      %sub3A_77 = arith.subf %exp3A_74, %sub3A_76 : vector<256x512xf32>
      %select_n3A_78 = arith.select %gt3A_70, %add3A_67, %sub3A_77 : vector<256x512xi1>, vector<256x512xf32>
      %get3A_79 = arith.constant 0 : index
      %get3A_80 = arith.constant 0 : index
      %get3A_81 = vector.load %arg7[%get3A_79, %get3A_80] : memref<512x128xf32, #tpu.memory_space<vmem>>, vector<512x128xf32>
      %dot_general3A_82 = arith.constant dense<0.000000e+00> : vector<256x128xf32>
      %dot_general3A_83 = tpu.matmul %select_n3A_78, %get3A_81, %dot_general3A_82 {dimension_numbers = #tpu.dot_dimension_numbers<[1], [0], [0], [1], [0, 0, 1, 1], [], []>, transpose_lhs_hint = false} : vector<256x512xf32>, vector<512x128xf32>, vector<256x128xf32> -> vector<256x128xf32>
      %get3A_84 = arith.constant 0 : index
      %get3A_85 = arith.constant 0 : index
      %get3A_86 = vector.load %arg8[%get3A_84, %get3A_85] : memref<1x128xf32, #tpu.memory_space<vmem>>, vector<1x128xf32>
      %add3A_87 = vector.broadcast %get3A_86 : vector<1x128xf32> to vector<256x128xf32>
      %add3A_88 = arith.addf %dot_general3A_83, %add3A_87 : vector<256x128xf32>
      %gt3A_89 = arith.constant 0.000000e+00 : f32
      %gt3A_90 = vector.broadcast %gt3A_89 : f32 to vector<256x128xf32>
      %gt3A_91 = arith.cmpf ogt, %add3A_88, %gt3A_90 : vector<256x128xf32>
      %min3A_92 = arith.constant 0.000000e+00 : f32
      %min3A_93 = vector.broadcast %min3A_92 : f32 to vector<256x128xf32>
      %min3A_94 = arith.minimumf %add3A_88, %min3A_93 : vector<256x128xf32>
      %exp3A_95 = math.exp %min3A_94 : vector<256x128xf32>
      %sub3A_96 = arith.constant 1.000000e+00 : f32
      %sub3A_97 = vector.broadcast %sub3A_96 : f32 to vector<256x128xf32>
      %sub3A_98 = arith.subf %exp3A_95, %sub3A_97 : vector<256x128xf32>
      %select_n3A_99 = arith.select %gt3A_91, %add3A_88, %sub3A_98 : vector<256x128xi1>, vector<256x128xf32>
      %get3A_100 = arith.constant 0 : index
      %get3A_101 = arith.constant 0 : index
      %get3A_102 = vector.load %arg9[%get3A_100, %get3A_101] : memref<128x8xf32, #tpu.memory_space<vmem>>, vector<128x8xf32>
      %dot_general3A_103 = arith.constant dense<0.000000e+00> : vector<256x8xf32>
      %dot_general3A_104 = tpu.matmul %select_n3A_99, %get3A_102, %dot_general3A_103 {dimension_numbers = #tpu.dot_dimension_numbers<[1], [0], [0], [1], [0, 0, 1, 1], [], []>, transpose_lhs_hint = false} : vector<256x128xf32>, vector<128x8xf32>, vector<256x8xf32> -> vector<256x8xf32>
      %get3A_105 = arith.constant 0 : index
      %get3A_106 = arith.constant 0 : index
      %get3A_107 = vector.load %arg10[%get3A_105, %get3A_106] : memref<1x8xf32, #tpu.memory_space<vmem>>, vector<1x8xf32>
      %add3A_108 = vector.broadcast %get3A_107 : vector<1x8xf32> to vector<256x8xf32>
      %add3A_109 = arith.addf %dot_general3A_104, %add3A_108 : vector<256x8xf32>
      %swap3A = arith.constant 0 : index
      %swap3A_110 = arith.constant 0 : index
      %swap3A_111 = vector.load %arg11[%swap3A, %swap3A_110] : memref<256x8xf32, #tpu.memory_space<vmem>>, vector<256x8xf32>
      tpu.vector_store %arg11[%swap3A, %swap3A_110], %add3A_109 {strides = array<i32>} : memref<256x8xf32, #tpu.memory_space<vmem>>, vector<256x8xf32>,
    } else {
    }
    return
  }
  func.func @transform_0(%arg0: i32) -> (i32, i32, i32) {
    %c0_i32 = arith.constant 0 : i32
    %c0_i32_0 = arith.constant 0 : i32
    %c0_i32_1 = arith.constant 0 : i32
    return %c0_i32, %arg0, %c0_i32_0 : i32, i32, i32
  }
  func.func @transform_1(%arg0: i32) -> (i32, i32) {
    %c0_i32 = arith.constant 0 : i32
    %c0_i32_0 = arith.constant 0 : i32
    return %arg0, %c0_i32 : i32, i32
  }
  func.func @transform_2(%arg0: i32) -> (i32, i32) {
    %c0_i32 = arith.constant 0 : i32
    %c0_i32_0 = arith.constant 0 : i32
    %c0_i32_1 = arith.constant 0 : i32
    return %c0_i32, %c0_i32_0 : i32, i32
  }
  func.func @transform_3(%arg0: i32) -> (i32, i32, i32) {
    %c0_i32 = arith.constant 0 : i32
    %c0_i32_0 = arith.constant 0 : i32
    %c0_i32_1 = arith.constant 0 : i32
    return %arg0, %c0_i32, %c0_i32_0 : i32, i32, i32
  }
  func.func @transform_4(%arg0: i32) -> (i32, i32) {
    %c0_i32 = arith.constant 0 : i32
    %c0_i32_0 = arith.constant 0 : i32
    %c0_i32_1 = arith.constant 0 : i32
    return %c0_i32, %c0_i32_0 : i32, i32
  }
  func.func @transform_5(%arg0: i32) -> (i32, i32) {
    %c0_i32 = arith.constant 0 : i32
    %c0_i32_0 = arith.constant 0 : i32
    %c0_i32_1 = arith.constant 0 : i32
    return %c0_i32, %c0_i32_0 : i32, i32
  }
  func.func @transform_6(%arg0: i32) -> (i32, i32) {
    %c0_i32 = arith.constant 0 : i32
    %c0_i32_0 = arith.constant 0 : i32
    %c0_i32_1 = arith.constant 0 : i32
    return %c0_i32, %c0_i32_0 : i32, i32
  }
  func.func @transform_7(%arg0: i32) -> (i32, i32) {
    %c0_i32 = arith.constant 0 : i32
    %c0_i32_0 = arith.constant 0 : i32
    %c0_i32_1 = arith.constant 0 : i32
    return %c0_i32, %c0_i32_0 : i32, i32
  }
  func.func @transform_8(%arg0: i32) -> (i32, i32) {
    %c0_i32 = arith.constant 0 : i32
    %c0_i32_0 = arith.constant 0 : i32
    %c0_i32_1 = arith.constant 0 : i32
    return %c0_i32, %c0_i32_0 : i32, i32
  }
  func.func @transform_9(%arg0: i32) -> (i32, i32) {
    %c0_i32 = arith.constant 0 : i32
    %c0_i32_0 = arith.constant 0 : i32
    %c0_i32_1 = arith.constant 0 : i32
    return %c0_i32, %c0_i32_0 : i32, i32
  }
  func.func @transform_10(%arg0: i32) -> (i32, i32) {
    %c0_i32 = arith.constant 0 : i32
    %c0_i32_0 = arith.constant 0 : i32
    %c0_i32_1 = arith.constant 0 : i32
    return %c0_i32, %c0_i32_0 : i32, i32
  }
}

</mosaic_0001>

<sc_bundles>
// kernel: kernel.10.cloned.1.call-start
scs
__scs_entry_jumppad:
0x0: {  	(pc) =	sbr.rel $0x88, $3  }
0x1: {  	(tag) =	ssettag $0x0;
	lr =	simm.s32 $0x1  }
0x2: {  	[smem:$0x3F8C] =	sst lr;
	_ =	strace $0xD0000000  }
0x3: {  	_ = 	snop  }
0x4: {  	_ = 	snop  }
0x5: {  	_ = 	snop  }
0x6: {  	_ = 	snop  }
0x7: {  	_ = 	snop  }
__scs_overlays_trampoline_lowered:
0x8: {  	[smem:$0x3F9B] =	sst s0  }
0x9: {  	[smem:$0x3F9C] =	sst s1  }
0xa: {  	[smem:$0x3F9D] =	sst s2  }
0xb: {  	[smem:$0x3F9E] =	sst s3  }
0xc: {  	[smem:$0x3F9F] =	sst s4  }
0xd: {  	[smem:$0x3FA0] =	sst s5  }
0xe: {  	[smem:$0x3FA1] =	sst s6  }
0xf: {  	[smem:$0x3FA2] =	sst s7  }
0x10: {  	[smem:$0x3FA3] =	sst s8  }
0x11: {  	[smem:$0x3FA4] =	sst s9;
	s0 =	simm.s32 @!p0 $0x0  }
0x12: {  	s1 =	sld [smem:$0x3F8A];
	s0 =	simm.s32 @p0 $0x1  }
0x13: {  	[smem:$0x3FA5] =	sst s0;
	s0 =	simm.s32 @!p1 $0x0  }
0x14: {  	s2 =	sld [smem:$0x3F89];
	s0 =	simm.s32 @p1 $0x1  }
0x15: {  	[smem:$0x3FA6] =	sst s0;
	s0 =	simm.s32 @!p2 $0x0  }
0x16: {  	s3 =	sld [smem:$0x3FDB];
	s0 =	simm.s32 @p2 $0x1  }
0x17: {  	s4 =	simm.s32 $0x1BF5;
	[smem:$0x3FA8] =	sst s0  }
0x18: {  	s0 =	sld [smem:$0x3F8B];
	_ =	swait.ge [sflag:s4], $0x0  }
0x19: {  	s7 =	sld [smem:$0x3F8C]  }
0x1a: {  	s8 =	sadd.s32 $0xFFFFE003, lr  }
0x1b: {  	s9 =	sadd.s32 $0xFFFFFEF7, lr;
	s5 =	simm.s32 $0xFFFFFFFF;
	p2 =	slt.u32 s8, $0xFFFFF086  }
0x1c: {  	p1 =	slt.u32 s9, $0xF7A;
	s5 =	simm.s32 @!p2 $0x0  }
0x1d: {  	s5 =	simm.s32 @p1 $0x1;
	p0 =	seq.s32 s7, s2  }
0x1e: {  	s7 =	smul.u32 @!p0 $0xF7A, s2;
	p2 =	seq.s32 @!p0 s5, $0x0  }
0x1f: {  	s9 =	smul.u32 $0xF7A, s1;
	s8 =	simm.s32 @!p0 $0x1BF5;
	p2 =	por !p2, p0  }
0x20: {  	[sflag:s8] =	ssyncset.s32 @!p0 $0xFFFFF086;
	s6 =	sadd.s32 @!p0 s3, s7;
	s7 =	simm.s32 @!p0 $0x108  }
0x21: {  	s3 =	sadd.s32 s3, s9;
	s6 =	sadd.s32 @!p0 $0x88, s6;
	s7 =	simm.s32 @p2 $0x1082  }
0x22: {  	[simem:s7], [sflag:s8] =	dma.local @!p0 [hbm:s6], $0xF7A  }
0x23: {  	s9 =	sor.u32 $0xD0000000, s2;
	s6 =	simm.s32 $0x108;
	_ =	swait.ge @!p0 [sflag:s8], $0x0  }
0x24: {  	s3 =	sadd.s32 $0x88, s3;
	s6 =	simm.s32 @!p1 $0x1082;
	[sflag:s4] =	ssyncset.s32 $0xFFFFF086  }
0x25: {  	[simem:s6], [sflag:s4] =	dma.local [hbm:s3], $0xF7A  }
0x26: {  	[smem:$0x3F8C] =	sst s1;
	(tag) =	ssettag s2;
	_ =	strace s9  }
0x27: {  	s1 =	sld [smem:$0x3F9C]  }
0x28: {  	s2 =	sld [smem:$0x3F9D]  }
0x29: {  	s4 =	sld [smem:$0x3F9F]  }
0x2a: {  	p0 =	seq.s32 s5, $0x0;
	s5 =	sld [smem:$0x3FA0]  }
0x2b: {  	s6 =	sld [smem:$0x3FA1]  }
0x2c: {  	s7 =	sld [smem:$0x3FA2]  }
0x2d: {  	s3 =	simm.s32 $0x108;
	s8 =	sld [smem:$0x3FA3]  }
0x2e: {  	s3 =	simm.s32 @!p0 $0x1082;
	s9 =	sld [smem:$0x3FA4]  }
0x2f: {  	lr =	sadd.s32 s0, s3;
	s0 =	sld [smem:$0x3F9B]  }
0x30: {  	s3 =	sld [smem:$0x3F9E]  }
0x31: {  	[smem:$0x3FA7] =	sst s10  }
0x32: {  	s10 =	sld [smem:$0x3FA5];
	_ =	sdelay $0x3  }
0x33: {  	p0 =	seq.s32 s10, $0x1;
	s10 =	sld [smem:$0x3FA7];
	_ =	sdelay $0x3  }
0x34: {  	[smem:$0x3FA7] =	sst s10  }
0x35: {  	s10 =	sld [smem:$0x3FA6];
	_ =	sdelay $0x3  }
0x36: {  	p1 =	seq.s32 s10, $0x1;
	s10 =	sld [smem:$0x3FA7];
	_ =	sdelay $0x3  }
0x37: {  	[smem:$0x3FA7] =	sst s10  }
0x38: {  	s10 =	sld [smem:$0x3FA8]  }
0x39: {  	_ = 	snop;
	(pc) =	sbr.ind lr, $3  }
0x3a: {  	_ = 	snop  }
0x3b: {  	_ = 	snop  }
0x3c: {  	p2 =	seq.s32 s10, $0x1;
	s10 =	sld [smem:$0x3FA7]  }
0x3d: {  	_ =	shalt  }
0x3e: {  	_ =	shalt  }
0x3f: {  	_ =	shalt  }
0x40: {  	_ =	shalt  }
0x41: {  	_ =	shalt  }
0x42: {  	_ =	shalt  }
0x43: {  	_ =	shalt  }
0x44: {  	_ =	shalt  }
0x45: {  	_ =	shalt  }
0x46: {  	_ =	shalt  }
0x47: {  	_ =	shalt  }
0x48: {  	_ =	shalt  }
0x49: {  	_ =	shalt  }
0x4a: {  	_ =	shalt  }
0x4b: {  	_ =	shalt  }
0x4c: {  	_ =	shalt  }
0x4d: {  	_ =	shalt  }
0x4e: {  	_ =	shalt  }
0x4f: {  	_ =	shalt  }
0x50: {  	_ =	shalt  }
0x51: {  	_ =	shalt  }
0x52: {  	_ =	shalt  }
0x53: {  	_ =	shalt  }
0x54: {  	_ =	shalt  }
0x55: {  	_ =	shalt  }
0x56: {  	_ =	shalt  }
0x57: {  	_ =	shalt  }
0x58: {  	_ =	shalt  }
0x59: {  	_ =	shalt  }
0x5a: {  	_ =	shalt  }
0x5b: {  	_ =	shalt  }
0x5c: {  	_ =	shalt  }
0x5d: {  	_ =	shalt  }
0x5e: {  	_ =	shalt  }
0x5f: {  	_ =	shalt  }
0x60: {  	_ =	shalt  }
0x61: {  	_ =	shalt  }
0x62: {  	_ =	shalt  }
0x63: {  	_ =	shalt  }
0x64: {  	_ =	shalt  }
0x65: {  	_ =	shalt  }
0x66: {  	_ =	shalt  }
0x67: {  	_ =	shalt  }
0x68: {  	_ =	shalt  }
0x69: {  	_ =	shalt  }
0x6a: {  	_ =	shalt  }
0x6b: {  	_ =	shalt  }
0x6c: {  	_ =	shalt  }
0x6d: {  	_ =	shalt  }
0x6e: {  	_ =	shalt  }
0x6f: {  	_ =	shalt  }
0x70: {  	_ =	shalt  }
0x71: {  	_ =	shalt  }
0x72: {  	_ =	shalt  }
0x73: {  	_ =	shalt  }
0x74: {  	_ =	shalt  }
0x75: {  	_ =	shalt  }
0x76: {  	_ =	shalt  }
0x77: {  	_ =	shalt  }
0x78: {  	_ =	shalt  }
0x79: {  	_ =	shalt  }
0x7a: {  	_ =	shalt  }
0x7b: {  	_ =	shalt  }
0x7c: {  	_ =	shalt  }
0x7d: {  	_ =	shalt  }
0x7e: {  	_ =	shalt  }
0x7f: {  	_ =	shalt  }
0x80: {  	_ =	shalt  }
0x81: {  	_ =	shalt  }
0x82: {  	_ =	shalt  }
0x83: {  	_ =	shalt  }
0x84: {  	_ =	shalt  }
0x85: {  	_ =	shalt  }
0x86: {  	_ =	shalt  }
0x87: {  	_ =	shalt  }
.Lfunc_end0:
.L_simem_size_0:
called_computation_lowered:
.L_overlay_start_0:
0x88: {  	s2 =	sld [smem:$0x3FD9]  }
0x89: {  	s3 =	sld [smem:$0x3FFE];
	_ =	sdelay $0x1  }
0x8a: {  	s1 =	srdreg.scid  }
0x8b: {  	s0 =	sand.u32 $0x1, s1  }
0x8c: {  	s16 =	sshll.u32 s0, $0xA;
	s2 =	sadd.s32 s3, s2  }
0x8d: {  	s2 =	sadd.s32 s2, s16  }
0x8e: {  	[smem:$0x3FB3] =	sst s2  }
0x8f: {  	_ = 	snop  }
0x90: {  	(tm) =	ssettm $0x1  }
0x91: {  	s17 =	sld [smem:$0x3FFB];
	_ =	sdelay $0x3  }
0x92: {  	_ =	strace s17  }
0x93: {  	s2 =	sld [smem:$0x3FFC];
	_ =	sdelay $0x3  }
0x94: {  	_ =	strace s2  }
0x95: {  	s2 =	sld [smem:$0x3FFD];
	_ =	sdelay $0x3  }
0x96: {  	_ =	strace s2  }
0x97: {  	_ =	strace $0x8FFFFFFF  }
0x98: {  	s18 =	sld [smem:$0x3FDB];
	_ =	sdelay $0x1  }
0x99: {  	s19 =	simm.s32 $_scs_section_size  }
0x9a: {  	s4 =	simm.s32 $_size__tile_overlayer_lowered;
	s5 =	simm.s32 $_tile_overlayer_lowered  }
0x9b: {  	s22 =	simm.s32 $0x1BFF;
	s21 =	sshll.u32 s5, $0x1;
	s2 =	sadd.s32 s19, s18  }
0x9c: {  	s6 =	simm.s32 $0x0;
	s20 =	sshll.u32 s4, $0x1;
	s4 =	sadd.s32 s21, s2  }
0x9d: {  	[timem:s6], [sflag:s22] =	dma.local [hbm:s4], s20  }
0x9e: {  	_ =	swait.ge [sflag:s22], s20  }
0x9f: {  	s3 =	ssub.s32 $0x0, s20;
	[sflag:s22] =	ssyncset.done $0x0  }
0xa0: {  	[sflag:s22] =	ssyncadd.s32 s3;
	_ =	sdelay $0x1  }
0xa1: {  	s23 =	simm.s32 $0x1B8B  }
0xa2: {  	_ =	swait.ge [sflag:s23], $0x1  }
0xa3: {  	[sflag:s23] =	ssyncset.done $0x0  }
0xa4: {  	s25 =	simm.s32 $0x1B8E;
	s24 =	sld [smem:$0x3FFE];
	[sflag:s23] =	ssyncadd.s32 $0xFFFFFFFF  }
0xa5: {  	s26 =	simm.s32 $execute0_lowered;
	[smem:$0x3FD2] =	sst s25  }
0xa6: {  	s4 =	sshll.u32 s26, $0x1;
	_ =	strace $0x80000046;
	[dreg:$0x1] =	wrdreg $0xFFFFFFFF  }
0xa7: {  	s28 =	simm.s32 $_size_execute0_lowered;
	s2 =	sadd.s32 s2, s4;
	[dreg:$0x0] =	wrdreg $0x0  }
0xa8: {  	s4 =	sshll.u32 s28, $0x1;
	[dreg:$0x2] =	wrdreg s2  }
0xa9: {  	[dreg:$0x3] =	wrdreg s4  }
0xaa: {  	[dreg:$0x4] =	wrdreg $0xC0  }
0xab: {  	_ =	task [dreg:s6], $0x5FFFF  }
0xac: {  	[dreg:$0x1] =	wrdreg $0xFFFFFFFF  }
0xad: {  	[dreg:$0x0] =	wrdreg $0x60  }
0xae: {  	[dreg:$0x2] =	wrdreg s24  }
0xaf: {  	[dreg:$0x3] =	wrdreg $0x0  }
0xb0: {  	[dreg:$0x4] =	wrdreg $0x9  }
0xb1: {  	_ =	task.clear_ibuf [dreg:s6], $0x5FFFF;
	_ =	strace $0x90000046  }
0xb2: {  	s29 =	simm.s32 $0x9;
	_ =	strace $0x80000048  }
0xb3: {  	_ =	swait.ge [sflag:s29], $0x1  }
0xb4: {  	[sflag:s29] =	ssyncadd.s32 $0xFFFFFFFF  }
0xb5: {  	_ =	strace $0x90000048  }
0xb6: {  	_ =	sfence  }
0xb7: {  	s30 =	sld [smem:$0x0];
	_ =	sdelay $0x2  }
0xb8: {  	s31 =	sshll.u32 s1, $0xD;
	s1 =	sshrl.u32 s1, $0x2  }
0xb9: {  	s3 =	sand.u32 $0x4000, s31;
	s1 =	sadd.s32 s1, s30  }
0xba: {  	s0 =	sor.u32 s3, s0;
	s1 =	sshll.u32 s1, $0x11  }
0xbb: {  	s0 =	sor.u32 s1, s0  }
0xbc: {  	s0 =	sadd.s32 $0x8F2B, s0  }
0xbd: {  	[sflag:s0] =	ssyncadd.remote.s32 $0x1  }
0xbe: {  	_ =	sfence.sel $0xFFFF  }
0xbf: {  	[dreg:$0x0] =	wrdreg $0xFFFFFFFF;
	(pc) =	sbr.abs _section_cstart, $3  }
0xc0: {  	[dreg:$0x1] =	wrdreg $0xFFFFFFFF  }
0xc1: {  	_ =	task.clear_ibuf [dreg:s6], $0x2FFFF;
	_ =	strace $0x9FFFFFFF  }
0xc2: {  	(tm) =	ssettm $0x7FFFFFFF  }
0xc3: {  	_ =	shalt  }
tec
execute0_lowered:
.L_overlay_start_1:
0x0: {  	(tag) =	ssettag $0x1  }
0x1: {  	s4 =	rddreg [dreg:$0x0]  }
0x2: {  	s1 =	rddreg [dreg:$0x1];
	s2 =	srdreg.scid  }
0x3: {  	s0 =	rddreg [dreg:$0x2];
	s3 =	simm.s32 $0x0;
	s14 =	simm.s32 $0x7  }
0x4: {  	s15 =	simm.s32 $0x1A380;
	s16 =	simm.s32 $0x1A400;
	s17 =	simm.s32 $0x1  }
0x5: {  	s18 =	simm.s32 $0x80;
	s19 =	simm.s32 $0x16380;
	s20 =	simm.s32 $0x1A480  }
0x6: {  	s21 =	simm.s32 $0x2;
	s22 =	simm.s32 $0x4;
	s5 =	sand.u32 $0x1, s2  }
0x7: {  	s23 =	simm.s32 $0x3;
	s2 =	stileid.u32;
	s6 =	smul.u32 $0x13C000, s5  }
0x8: {  	s24 =	simm.s32 $0x5;
	s25 =	simm.s32 $0x6;
	s7 =	smul.u32 $0x13C00, s2  }
0x9: {  	[smem:$0x7FF] =	sst s3;
	s12 =	sadd.s32 $0x4800, s4;
	s26 =	smul.u32 $0x4F000, s2  }
0xa: {  	_ =	strace $0x80000047;
	s8 =	sshll.u32 s5, $0x4;
	s10 =	smul.u32 $0x540, s5  }
0xb: {  	s28 =	ssub.s32 $0x2, s5;
	s11 =	smul.u32 $0x54, s2;
	s8 =	sor.u32 s2, s8  }
0xc: {  	s29 =	sshrl.u32 s28, $0x1;
	s6 =	sadd.s32 s7, s6;
	s8 =	smul.u32 $0x540, s8  }
0xd: {  	s30 =	sshrl.u32 s26, $0x2;
	s13 =	ssub.s32 s28, s29;
	s10 =	sadd.s32 s11, s10  }
0xe: {  	s26 =	simm.s32 $0x0;
	s6 =	sshrl.u32 s6, $0x3;
	s31 =	sshll.u32 s10, $0x4  }
0xf: {  	s9 =	sadd.s32 s6, s4;
	s4 =	sadd.s32 s30, s1;
	s5 =	sadd.s32 s12, s8  }
0x10: {  	s8 =	smax.u32 s13, $0x1;
	s12 =	sadd.s32 s12, s31;
	s13 =	simm.s32 $0x2780  }
0x11: {  	s6 =	sadd.s32 $0x10, s5;
	s7 =	sadd.s32 $0x19600, s9;
	s9 =	sadd.s32 $0x20, s5  }
0x12: {  	v0 =	vimm.f32 $0.0e+00;
	v1 =	vimm.f32 $1.000000000e+00;
	s10 =	sadd.s32 $0x30, s5;
	s11 =	sadd.s32 $0x40, s5;
	s12 =	sadd.s32 $0x40, s12  }
.LBB2_1:
0x13: {  	s28 =	simm.s32 $0x200;
	s29 =	simm.s32 $0x0  }
.LBB2_2:
0x14: {  	p0 =	sne.s32 s28, $0x4EE00;
	[tilespmem:s29+$0x2780] =	vst v0;
	s29 =	smov.u32 s28;
	s28 =	sadd.s32 $0x200, s28  }
.Ltmp0:
0x15: {  	(pc) =	sbr.rel @p0 .LBB2_2-.Ltmp0, $2  }
0x16: {  	_ =	sdelay $0x2  }
0x17: {  	s29 =	sshra.s32 s29, $0x2  }
0x18: {  	[tilespmem:s29+$0x2780] =	vst v0  }
0x19: {  	[spmem:s4] =	stream.linear.scatter [tilespmem:s13], [sflag:$0x7], $0x13C00, $0x38;
	[tilespmem:$0x1A500] =	vst v63  }
0x1a: {  	_ =	swait.ge [sflag:s14], $0x13C00  }
0x1b: {  	[sflag:s14] =	ssyncset.done $0x0  }
0x1c: {  	s28 =	simm.s32 $0x200;
	s29 =	simm.s32 $0x0;
	[sflag:s14] =	ssyncadd.s32 $0xFFFEC400  }
.LBB2_4:
0x1d: {  	p0 =	sne.s32 s28, $0xFE00;
	[tilespmem:s29+$0x16380] =	vst v1;
	s29 =	smov.u32 s28;
	s28 =	sadd.s32 $0x200, s28  }
.Ltmp1:
0x1e: {  	(pc) =	sbr.rel @p0 .LBB2_4-.Ltmp1, $2  }
0x1f: {  	_ =	sdelay $0x2  }
0x20: {  	s29 =	sshra.s32 s29, $0x2  }
0x21: {  	[tilespmem:s29+$0x16380] =	vst v1  }
0x22: {  	[bflag:$0x0] =	sbarrier.arrive $0xFFFF  }
0x23: {  	[tilespmem:s15], [sflag:$0x1] =	stream.linear.gather [hbm4b:s5+s3], $0x80, $0x38;
	[tilespmem:$0x1A500] =	vst v63  }
0x24: {  	_ = 	snop  }
0x25: {  	[tilespmem:s16], [sflag:$0x2] =	stream.linear.gather [hbm4b:s6+s3], $0x80, $0x38;
	[tilespmem:$0x1A500] =	vst v63  }
0x26: {  	_ =	swait.ge [sflag:s17], $0x80  }
0x27: {  	[sflag:s17] =	ssyncset.done $0x0  }
0x28: {  	[sflag:s17] =	ssyncadd.s32 $0xFFFFFF80  }
0x29: {  	[spmem:s1] =	stream.indirect.scatter.add.f32 [tilespmem:s19], [sflag:$0x4], $0x10, s15, s18, $0xb8;
	[tilespmem:$0x1A500] =	vst v63  }
0x2a: {  	_ = 	snop  }
0x2b: {  	[tilespmem:s20], [sflag:$0x3] =	stream.linear.gather [hbm4b:s9+s3], $0x80, $0x38;
	[tilespmem:$0x1A500] =	vst v63  }
0x2c: {  	_ =	swait.ge [sflag:s21], $0x80  }
0x2d: {  	[sflag:s21] =	ssyncset.done $0x0  }
0x2e: {  	[sflag:s21] =	ssyncadd.s32 $0xFFFFFF80  }
0x2f: {  	[spmem:s1] =	stream.indirect.scatter.add.f32 [tilespmem:s19], [sflag:$0x5], $0x10, s16, s18, $0xb8;
	[tilespmem:$0x1A500] =	vst v63  }
0x30: {  	_ =	swait.ge [sflag:s22], $0x800  }
0x31: {  	[sflag:s22] =	ssyncset.done $0x0  }
0x32: {  	[sflag:s22] =	ssyncadd.s32 $0xFFFFF800  }
0x33: {  	[tilespmem:s15], [sflag:$0x1] =	stream.linear.gather [hbm4b:s10+s3], $0x80, $0x38;
	[tilespmem:$0x1A500] =	vst v63  }
0x34: {  	_ =	swait.ge [sflag:s23], $0x80  }
0x35: {  	[sflag:s23] =	ssyncset.done $0x0  }
0x36: {  	[sflag:s23] =	ssyncadd.s32 $0xFFFFFF80  }
0x37: {  	[spmem:s1] =	stream.indirect.scatter.add.f32 [tilespmem:s19], [sflag:$0x6], $0x10, s20, s18, $0xb8;
	[tilespmem:$0x1A500] =	vst v63  }
0x38: {  	_ =	swait.ge [sflag:s24], $0x800  }
0x39: {  	[sflag:s24] =	ssyncset.done $0x0  }
0x3a: {  	[sflag:s24] =	ssyncadd.s32 $0xFFFFF800  }
0x3b: {  	[tilespmem:s16], [sflag:$0x2] =	stream.linear.gather [hbm4b:s11+s3], $0x80, $0x38;
	[tilespmem:$0x1A500] =	vst v63  }
0x3c: {  	_ =	swait.ge [sflag:s17], $0x80  }
0x3d: {  	[sflag:s17] =	ssyncset.done $0x0  }
0x3e: {  	[sflag:s17] =	ssyncadd.s32 $0xFFFFFF80  }
0x3f: {  	[spmem:s1] =	stream.indirect.scatter.add.f32 [tilespmem:s19], [sflag:$0x4], $0x10, s15, s18, $0xb8;
	[tilespmem:$0x1A500] =	vst v63  }
0x40: {  	_ =	swait.ge [sflag:s25], $0x800  }
0x41: {  	s29 =	sadd.s32 $0xFFFFFAF0, s12;
	[sflag:s25] =	ssyncset.done $0x0  }
0x42: {  	s28 =	sadd.s32 $0x520, s29;
	[sflag:s25] =	ssyncadd.s32 $0xFFFFF800  }
0x43: {  	[tilespmem:s20], [sflag:$0x3] =	stream.linear.gather [hbm4b:s28+s3], $0x80, $0x38;
	[tilespmem:$0x1A500] =	vst v63  }
0x44: {  	_ =	swait.ge [sflag:s21], $0x80  }
0x45: {  	[sflag:s21] =	ssyncset.done $0x0  }
0x46: {  	[sflag:s21] =	ssyncadd.s32 $0xFFFFFF80  }
0x47: {  	[spmem:s1] =	stream.indirect.scatter.add.f32 [tilespmem:s19], [sflag:$0x5], $0x10, s16, s18, $0xb8;
	[tilespmem:$0x1A500] =	vst v63  }
0x48: {  	_ =	swait.ge [sflag:s22], $0x800  }
0x49: {  	[sflag:s22] =	ssyncset.done $0x0  }
0x4a: {  	s28 =	sadd.s32 $0x530, s29;
	[sflag:s22] =	ssyncadd.s32 $0xFFFFF800  }
0x4b: {  	[tilespmem:s15], [sflag:$0x1] =	stream.linear.gather [hbm4b:s28+s3], $0x80, $0x38;
	[tilespmem:$0x1A500] =	vst v63  }
0x4c: {  	_ =	swait.ge [sflag:s23], $0x80  }
0x4d: {  	[sflag:s23] =	ssyncset.done $0x0  }
0x4e: {  	[sflag:s23] =	ssyncadd.s32 $0xFFFFFF80  }
0x4f: {  	[spmem:s1] =	stream.indirect.scatter.add.f32 [tilespmem:s19], [sflag:$0x6], $0x10, s20, s18, $0xb8;
	[tilespmem:$0x1A500] =	vst v63  }
0x50: {  	_ =	swait.ge [sflag:s24], $0x800  }
0x51: {  	[sflag:s24] =	ssyncset.done $0x0  }
0x52: {  	s29 =	sadd.s32 $0x540, s29;
	s28 =	simm.s32 $0xFFFFFB20;
	[sflag:s24] =	ssyncadd.s32 $0xFFFFF800  }
.LBB2_6:
0x53: {  	[tilespmem:s16], [sflag:$0x2] =	stream.linear.gather [hbm4b:s29+s3], $0x80, $0x38;
	[tilespmem:$0x1A500] =	vst v63  }
0x54: {  	s29 =	smov.u32 s28  }
0x55: {  	p0 =	sne.s32 s28, $0xFFFFFFD0;
	s28 =	sadd.s32 $0x30, s28;
	_ =	swait.ge [sflag:s17], $0x80  }
0x56: {  	[sflag:s17] =	ssyncset.done $0x0  }
0x57: {  	[sflag:s17] =	ssyncadd.s32 $0xFFFFFF80  }
0x58: {  	[spmem:s1] =	stream.indirect.scatter.add.f32 [tilespmem:s19], [sflag:$0x4], $0x10, s15, s18, $0xb8;
	[tilespmem:$0x1A500] =	vst v63  }
0x59: {  	_ =	swait.ge [sflag:s25], $0x800  }
0x5a: {  	s29 =	sadd.s32 s29, s12;
	[sflag:s25] =	ssyncset.done $0x0  }
0x5b: {  	s30 =	sadd.s32 $0x520, s29;
	[sflag:s25] =	ssyncadd.s32 $0xFFFFF800  }
0x5c: {  	[tilespmem:s20], [sflag:$0x3] =	stream.linear.gather [hbm4b:s30+s3], $0x80, $0x38;
	[tilespmem:$0x1A500] =	vst v63  }
0x5d: {  	_ =	swait.ge [sflag:s21], $0x80  }
0x5e: {  	[sflag:s21] =	ssyncset.done $0x0  }
0x5f: {  	[sflag:s21] =	ssyncadd.s32 $0xFFFFFF80  }
0x60: {  	[spmem:s1] =	stream.indirect.scatter.add.f32 [tilespmem:s19], [sflag:$0x5], $0x10, s16, s18, $0xb8;
	[tilespmem:$0x1A500] =	vst v63  }
0x61: {  	_ =	swait.ge [sflag:s22], $0x800  }
0x62: {  	[sflag:s22] =	ssyncset.done $0x0  }
0x63: {  	s30 =	sadd.s32 $0x530, s29;
	[sflag:s22] =	ssyncadd.s32 $0xFFFFF800  }
0x64: {  	[tilespmem:s15], [sflag:$0x1] =	stream.linear.gather [hbm4b:s30+s3], $0x80, $0x38;
	[tilespmem:$0x1A500] =	vst v63  }
0x65: {  	_ =	swait.ge [sflag:s23], $0x80  }
0x66: {  	[sflag:s23] =	ssyncset.done $0x0  }
.Ltmp2:
0x67: {  	[sflag:s23] =	ssyncadd.s32 $0xFFFFFF80;
	(pc) =	sbr.rel @p0 .LBB2_6-.Ltmp2, $4  }
0x68: {  	[spmem:s1] =	stream.indirect.scatter.add.f32 [tilespmem:s19], [sflag:$0x6], $0x10, s20, s18, $0xb8;
	[tilespmem:$0x1A500] =	vst v63  }
0x69: {  	_ =	swait.ge [sflag:s24], $0x800  }
0x6a: {  	[sflag:s24] =	ssyncset.done $0x0  }
0x6b: {  	s29 =	sadd.s32 $0x540, s29;
	[sflag:s24] =	ssyncadd.s32 $0xFFFFF800  }
0x6c: {  	[tilespmem:s16], [sflag:$0x2] =	stream.linear.gather [hbm4b:s29+s3], $0x80, $0x38;
	[tilespmem:$0x1A500] =	vst v63  }
0x6d: {  	_ =	swait.ge [sflag:s25], $0x800  }
0x6e: {  	[sflag:s25] =	ssyncset.done $0x0  }
0x6f: {  	[sflag:s25] =	ssyncadd.s32 $0xFFFFF800  }
0x70: {  	_ =	swait.ge [sflag:s17], $0x80  }
0x71: {  	[sflag:s17] =	ssyncset.done $0x0  }
0x72: {  	[sflag:s17] =	ssyncadd.s32 $0xFFFFFF80  }
0x73: {  	_ =	swait.ge [sflag:s21], $0x80  }
0x74: {  	s28 =	sshll.u32 s2, $0x6;
	s26 =	sadd.s32 $0x1, s26;
	[sflag:s21] =	ssyncset.done $0x0  }
0x75: {  	s31 =	sshrl.u32 s4, $0x3;
	p0 =	sne.s32 s26, s8;
	[sflag:s21] =	ssyncadd.s32 $0xFFFFFF80  }
.Ltmp3:
0x76: {  	s28 =	sor.u32 $0x1C07, s28;
	[bflag:$0x0] =	sbarrier.arrive $0xFFFF;
	(pc) =	sbr.rel @p0 .LBB2_1-.Ltmp3, $4  }
0x77: {  	[hbm:s7], [sflag:s28] =	dma.local [spmem:s31], $0x2780  }
0x78: {  	_ =	swait.ge [sflag:s14], $0x2780  }
0x79: {  	[sflag:s14] =	ssyncset.done $0x0  }
0x7a: {  	[sflag:s14] =	ssyncadd.s32 $0xFFFFD880  }
0x7b: {  	_ =	sfence.sel $0x180000  }
0x7c: {  	[bflag:$0x0] =	sbarrier.arrive $0xFFFF  }
0x7d: {  	p0 =	sne.s32 s2, $0x0;
	_ =	strace $0x90000047  }
0x7e: {  	s0 =	sadd.s32 @!p0 $0x100000, s0;
	[bflag:$0x2] =	sbarrier.arrive $0xFFFF  }
0x7f: {  	[sflag:s0] =	ssyncadd.tile.s32 @!p0 $0x1;
	_ =	shalt  }
.Lfunc_end2:
_tile_overlayer_lowered:
.L_overlay_start_2:
0x80: {  	(tag) =	ssettag $0x2  }
0x81: {  	s0 =	rddreg [dreg:$0x0];
	s2 =	stileid.u32  }
0x82: {  	s1 =	rddreg [dreg:$0x1];
	p0 =	sne.s32 s2, $0x0  }
0x83: {  	s3 =	rddreg [dreg:$0x2];
	[bflag:$0x3] =	sbarrier.arrive $0xFFFF;
	s2 =	simm.s32 @!p0 $0x1C07  }
0x84: {  	[timem:s3], [sflag:s2] =	dma.local @!p0 [hbm:s0], s1  }
0x85: {  	s0 =	simm.s32 @!p0 $0x7  }
0x86: {  	_ =	swait.ge @!p0 [sflag:s0], s1  }
0x87: {  	s1 =	ssub.s32 @!p0 $0x0, s1;
	[sflag:s0] =	ssyncset.done @!p0 $0x0  }
0x88: {  	[sflag:s0] =	ssyncadd.s32 @!p0 s1  }
0x89: {  	[bflag:$0x3] =	sbarrier.arrive $0xFFFF  }
0x8a: {  	_ =	shalt  }

// kernel: kernel.13.cloned.1.call-start
scs
__scs_entry_jumppad:
0x0: {  	(pc) =	sbr.rel $0x88, $3  }
0x1: {  	(tag) =	ssettag $0x0;
	lr =	simm.s32 $0x1  }
0x2: {  	[smem:$0x3F8C] =	sst lr;
	_ =	strace $0xD0000000  }
0x3: {  	_ = 	snop  }
0x4: {  	_ = 	snop  }
0x5: {  	_ = 	snop  }
0x6: {  	_ = 	snop  }
0x7: {  	_ = 	snop  }
__scs_overlays_trampoline_lowered:
0x8: {  	[smem:$0x3F9B] =	sst s0  }
0x9: {  	[smem:$0x3F9C] =	sst s1  }
0xa: {  	[smem:$0x3F9D] =	sst s2  }
0xb: {  	[smem:$0x3F9E] =	sst s3  }
0xc: {  	[smem:$0x3F9F] =	sst s4  }
0xd: {  	[smem:$0x3FA0] =	sst s5  }
0xe: {  	[smem:$0x3FA1] =	sst s6  }
0xf: {  	[smem:$0x3FA2] =	sst s7  }
0x10: {  	[smem:$0x3FA3] =	sst s8  }
0x11: {  	[smem:$0x3FA4] =	sst s9;
	s0 =	simm.s32 @!p0 $0x0  }
0x12: {  	s1 =	sld [smem:$0x3F8A];
	s0 =	simm.s32 @p0 $0x1  }
0x13: {  	[smem:$0x3FA5] =	sst s0;
	s0 =	simm.s32 @!p1 $0x0  }
0x14: {  	s2 =	sld [smem:$0x3F89];
	s0 =	simm.s32 @p1 $0x1  }
0x15: {  	[smem:$0x3FA6] =	sst s0;
	s0 =	simm.s32 @!p2 $0x0  }
0x16: {  	s3 =	sld [smem:$0x3FDB];
	s0 =	simm.s32 @p2 $0x1  }
0x17: {  	s4 =	simm.s32 $0x1BF5;
	[smem:$0x3FA8] =	sst s0  }
0x18: {  	s0 =	sld [smem:$0x3F8B];
	_ =	swait.ge [sflag:s4], $0x0  }
0x19: {  	s7 =	sld [smem:$0x3F8C]  }
0x1a: {  	s8 =	sadd.s32 $0xFFFFE003, lr  }
0x1b: {  	s9 =	sadd.s32 $0xFFFFFEF7, lr;
	s5 =	simm.s32 $0xFFFFFFFF;
	p2 =	slt.u32 s8, $0xFFFFF086  }
0x1c: {  	p1 =	slt.u32 s9, $0xF7A;
	s5 =	simm.s32 @!p2 $0x0  }
0x1d: {  	s5 =	simm.s32 @p1 $0x1;
	p0 =	seq.s32 s7, s2  }
0x1e: {  	s7 =	smul.u32 @!p0 $0xF7A, s2;
	p2 =	seq.s32 @!p0 s5, $0x0  }
0x1f: {  	s9 =	smul.u32 $0xF7A, s1;
	s8 =	simm.s32 @!p0 $0x1BF5;
	p2 =	por !p2, p0  }
0x20: {  	[sflag:s8] =	ssyncset.s32 @!p0 $0xFFFFF086;
	s6 =	sadd.s32 @!p0 s3, s7;
	s7 =	simm.s32 @!p0 $0x108  }
0x21: {  	s3 =	sadd.s32 s3, s9;
	s6 =	sadd.s32 @!p0 $0x88, s6;
	s7 =	simm.s32 @p2 $0x1082  }
0x22: {  	[simem:s7], [sflag:s8] =	dma.local @!p0 [hbm:s6], $0xF7A  }
0x23: {  	s9 =	sor.u32 $0xD0000000, s2;
	s6 =	simm.s32 $0x108;
	_ =	swait.ge @!p0 [sflag:s8], $0x0  }
0x24: {  	s3 =	sadd.s32 $0x88, s3;
	s6 =	simm.s32 @!p1 $0x1082;
	[sflag:s4] =	ssyncset.s32 $0xFFFFF086  }
0x25: {  	[simem:s6], [sflag:s4] =	dma.local [hbm:s3], $0xF7A  }
0x26: {  	[smem:$0x3F8C] =	sst s1;
	(tag) =	ssettag s2;
	_ =	strace s9  }
0x27: {  	s1 =	sld [smem:$0x3F9C]  }
0x28: {  	s2 =	sld [smem:$0x3F9D]  }
0x29: {  	s4 =	sld [smem:$0x3F9F]  }
0x2a: {  	p0 =	seq.s32 s5, $0x0;
	s5 =	sld [smem:$0x3FA0]  }
0x2b: {  	s6 =	sld [smem:$0x3FA1]  }
0x2c: {  	s7 =	sld [smem:$0x3FA2]  }
0x2d: {  	s3 =	simm.s32 $0x108;
	s8 =	sld [smem:$0x3FA3]  }
0x2e: {  	s3 =	simm.s32 @!p0 $0x1082;
	s9 =	sld [smem:$0x3FA4]  }
0x2f: {  	lr =	sadd.s32 s0, s3;
	s0 =	sld [smem:$0x3F9B]  }
0x30: {  	s3 =	sld [smem:$0x3F9E]  }
0x31: {  	[smem:$0x3FA7] =	sst s10  }
0x32: {  	s10 =	sld [smem:$0x3FA5];
	_ =	sdelay $0x3  }
0x33: {  	p0 =	seq.s32 s10, $0x1;
	s10 =	sld [smem:$0x3FA7];
	_ =	sdelay $0x3  }
0x34: {  	[smem:$0x3FA7] =	sst s10  }
0x35: {  	s10 =	sld [smem:$0x3FA6];
	_ =	sdelay $0x3  }
0x36: {  	p1 =	seq.s32 s10, $0x1;
	s10 =	sld [smem:$0x3FA7];
	_ =	sdelay $0x3  }
0x37: {  	[smem:$0x3FA7] =	sst s10  }
0x38: {  	s10 =	sld [smem:$0x3FA8]  }
0x39: {  	_ = 	snop;
	(pc) =	sbr.ind lr, $3  }
0x3a: {  	_ = 	snop  }
0x3b: {  	_ = 	snop  }
0x3c: {  	p2 =	seq.s32 s10, $0x1;
	s10 =	sld [smem:$0x3FA7]  }
0x3d: {  	_ =	shalt  }
0x3e: {  	_ =	shalt  }
0x3f: {  	_ =	shalt  }
0x40: {  	_ =	shalt  }
0x41: {  	_ =	shalt  }
0x42: {  	_ =	shalt  }
0x43: {  	_ =	shalt  }
0x44: {  	_ =	shalt  }
0x45: {  	_ =	shalt  }
0x46: {  	_ =	shalt  }
0x47: {  	_ =	shalt  }
0x48: {  	_ =	shalt  }
0x49: {  	_ =	shalt  }
0x4a: {  	_ =	shalt  }
0x4b: {  	_ =	shalt  }
0x4c: {  	_ =	shalt  }
0x4d: {  	_ =	shalt  }
0x4e: {  	_ =	shalt  }
0x4f: {  	_ =	shalt  }
0x50: {  	_ =	shalt  }
0x51: {  	_ =	shalt  }
0x52: {  	_ =	shalt  }
0x53: {  	_ =	shalt  }
0x54: {  	_ =	shalt  }
0x55: {  	_ =	shalt  }
0x56: {  	_ =	shalt  }
0x57: {  	_ =	shalt  }
0x58: {  	_ =	shalt  }
0x59: {  	_ =	shalt  }
0x5a: {  	_ =	shalt  }
0x5b: {  	_ =	shalt  }
0x5c: {  	_ =	shalt  }
0x5d: {  	_ =	shalt  }
0x5e: {  	_ =	shalt  }
0x5f: {  	_ =	shalt  }
0x60: {  	_ =	shalt  }
0x61: {  	_ =	shalt  }
0x62: {  	_ =	shalt  }
0x63: {  	_ =	shalt  }
0x64: {  	_ =	shalt  }
0x65: {  	_ =	shalt  }
0x66: {  	_ =	shalt  }
0x67: {  	_ =	shalt  }
0x68: {  	_ =	shalt  }
0x69: {  	_ =	shalt  }
0x6a: {  	_ =	shalt  }
0x6b: {  	_ =	shalt  }
0x6c: {  	_ =	shalt  }
0x6d: {  	_ =	shalt  }
0x6e: {  	_ =	shalt  }
0x6f: {  	_ =	shalt  }
0x70: {  	_ =	shalt  }
0x71: {  	_ =	shalt  }
0x72: {  	_ =	shalt  }
0x73: {  	_ =	shalt  }
0x74: {  	_ =	shalt  }
0x75: {  	_ =	shalt  }
0x76: {  	_ =	shalt  }
0x77: {  	_ =	shalt  }
0x78: {  	_ =	shalt  }
0x79: {  	_ =	shalt  }
0x7a: {  	_ =	shalt  }
0x7b: {  	_ =	shalt  }
0x7c: {  	_ =	shalt  }
0x7d: {  	_ =	shalt  }
0x7e: {  	_ =	shalt  }
0x7f: {  	_ =	shalt  }
0x80: {  	_ =	shalt  }
0x81: {  	_ =	shalt  }
0x82: {  	_ =	shalt  }
0x83: {  	_ =	shalt  }
0x84: {  	_ =	shalt  }
0x85: {  	_ =	shalt  }
0x86: {  	_ =	shalt  }
0x87: {  	_ =	shalt  }
.Lfunc_end0:
.L_simem_size_0:
called_computation.1_lowered:
.L_overlay_start_0:
0x88: {  	s2 =	sld [smem:$0x3FD9]  }
0x89: {  	s3 =	sld [smem:$0x3FFE];
	_ =	sdelay $0x1  }
0x8a: {  	s1 =	srdreg.scid  }
0x8b: {  	s0 =	sand.u32 $0x1, s1  }
0x8c: {  	s16 =	sshll.u32 s0, $0xA;
	s2 =	sadd.s32 s3, s2  }
0x8d: {  	s2 =	sadd.s32 s2, s16  }
0x8e: {  	[smem:$0x3FB3] =	sst s2  }
0x8f: {  	_ = 	snop  }
0x90: {  	(tm) =	ssettm $0x1  }
0x91: {  	s17 =	sld [smem:$0x3FFB];
	_ =	sdelay $0x3  }
0x92: {  	_ =	strace s17  }
0x93: {  	s2 =	sld [smem:$0x3FFC];
	_ =	sdelay $0x3  }
0x94: {  	_ =	strace s2  }
0x95: {  	s2 =	sld [smem:$0x3FFD];
	_ =	sdelay $0x3  }
0x96: {  	_ =	strace s2  }
0x97: {  	_ =	strace $0x8FFFFFFF  }
0x98: {  	s18 =	sld [smem:$0x3FDB];
	_ =	sdelay $0x1  }
0x99: {  	s19 =	simm.s32 $_scs_section_size  }
0x9a: {  	s4 =	simm.s32 $_size__tile_overlayer_lowered;
	s5 =	simm.s32 $_tile_overlayer_lowered  }
0x9b: {  	s22 =	simm.s32 $0x1BFF;
	s21 =	sshll.u32 s5, $0x1;
	s2 =	sadd.s32 s19, s18  }
0x9c: {  	s6 =	simm.s32 $0x0;
	s20 =	sshll.u32 s4, $0x1;
	s4 =	sadd.s32 s21, s2  }
0x9d: {  	[timem:s6], [sflag:s22] =	dma.local [hbm:s4], s20  }
0x9e: {  	_ =	swait.ge [sflag:s22], s20  }
0x9f: {  	s3 =	ssub.s32 $0x0, s20;
	[sflag:s22] =	ssyncset.done $0x0  }
0xa0: {  	[sflag:s22] =	ssyncadd.s32 s3;
	_ =	sdelay $0x1  }
0xa1: {  	s23 =	simm.s32 $0x1B8B  }
0xa2: {  	_ =	swait.ge [sflag:s23], $0x1  }
0xa3: {  	[sflag:s23] =	ssyncset.done $0x0  }
0xa4: {  	s25 =	simm.s32 $0x1B8E;
	s24 =	sld [smem:$0x3FFE];
	[sflag:s23] =	ssyncadd.s32 $0xFFFFFFFF  }
0xa5: {  	s26 =	simm.s32 $execute0_lowered;
	[smem:$0x3FD2] =	sst s25  }
0xa6: {  	s4 =	sshll.u32 s26, $0x1;
	_ =	strace $0x80000049;
	[dreg:$0x1] =	wrdreg $0xFFFFFFFF  }
0xa7: {  	s28 =	simm.s32 $_size_execute0_lowered;
	s2 =	sadd.s32 s2, s4;
	[dreg:$0x0] =	wrdreg $0x0  }
0xa8: {  	s4 =	sshll.u32 s28, $0x1;
	[dreg:$0x2] =	wrdreg s2  }
0xa9: {  	[dreg:$0x3] =	wrdreg s4  }
0xaa: {  	[dreg:$0x4] =	wrdreg $0xC0  }
0xab: {  	_ =	task [dreg:s6], $0x5FFFF  }
0xac: {  	[dreg:$0x1] =	wrdreg $0xFFFFFFFF  }
0xad: {  	[dreg:$0x0] =	wrdreg $0x60  }
0xae: {  	[dreg:$0x2] =	wrdreg s24  }
0xaf: {  	[dreg:$0x3] =	wrdreg $0x0  }
0xb0: {  	[dreg:$0x4] =	wrdreg $0x9  }
0xb1: {  	_ =	task.clear_ibuf [dreg:s6], $0x5FFFF;
	_ =	strace $0x90000049  }
0xb2: {  	s29 =	simm.s32 $0x9;
	_ =	strace $0x8000004B  }
0xb3: {  	_ =	swait.ge [sflag:s29], $0x1  }
0xb4: {  	[sflag:s29] =	ssyncadd.s32 $0xFFFFFFFF  }
0xb5: {  	_ =	strace $0x9000004B  }
0xb6: {  	_ =	sfence  }
0xb7: {  	s30 =	sld [smem:$0x0];
	_ =	sdelay $0x2  }
0xb8: {  	s31 =	sshll.u32 s1, $0xD;
	s1 =	sshrl.u32 s1, $0x2  }
0xb9: {  	s3 =	sand.u32 $0x4000, s31;
	s1 =	sadd.s32 s1, s30  }
0xba: {  	s0 =	sor.u32 s3, s0;
	s1 =	sshll.u32 s1, $0x11  }
0xbb: {  	s0 =	sor.u32 s1, s0  }
0xbc: {  	s0 =	sadd.s32 $0x8F2B, s0  }
0xbd: {  	[sflag:s0] =	ssyncadd.remote.s32 $0x1  }
0xbe: {  	_ =	sfence.sel $0xFFFF  }
0xbf: {  	[dreg:$0x0] =	wrdreg $0xFFFFFFFF;
	(pc) =	sbr.abs _section_cstart, $3  }
0xc0: {  	[dreg:$0x1] =	wrdreg $0xFFFFFFFF  }
0xc1: {  	_ =	task.clear_ibuf [dreg:s6], $0x2FFFF;
	_ =	strace $0x9FFFFFFF  }
0xc2: {  	(tm) =	ssettm $0x7FFFFFFF  }
0xc3: {  	_ =	shalt  }
tec
execute0_lowered:
.L_overlay_start_1:
0x0: {  	(tag) =	ssettag $0x1  }
0x1: {  	s0 =	rddreg [dreg:$0x0]  }
0x2: {  	s2 =	rddreg [dreg:$0x1];
	s3 =	simm.s32 $0x0;
	s12 =	stileid.u32  }
0x3: {  	s1 =	srdreg.scid;
	s28 =	simm.s32 $0xA;
	s29 =	simm.s32 $0x1FE80  }
0x4: {  	s30 =	simm.s32 $0x9;
	s31 =	simm.s32 $0x1BC00;
	s4 =	smul.u32 $0x13C00, s12  }
0x5: {  	[smem:$0x7FF] =	sst s3;
	s1 =	sand.u32 $0x1, s1;
	s14 =	smul.u32 $0x4F000, s12  }
0x6: {  	s6 =	sadd.s32 $0xF200, s0;
	s7 =	sadd.s32 $0x4800, s0;
	s10 =	smul.u32 $0x5100, s12  }
0x7: {  	s17 =	sshll.u32 s12, $0x6;
	s21 =	smul.u32 $0xA20, s12;
	_ =	strace $0x8000004A  }
0x8: {  	s5 =	smul.u32 $0x13C000, s1;
	s9 =	ssub.s32 $0x2, s1;
	p0 =	seq.s32 s1, $0x0  }
0x9: {  	s1 =	simm.s32 $0x40800;
	s8 =	sshrl.u32 s4, $0x3;
	s11 =	sshrl.u32 s9, $0x1  }
0xa: {  	s10 =	sshrl.u32 s10, $0x3;
	s25 =	sadd.s32 s21, s6;
	s1 =	simm.s32 @!p0 $0x19600  }
0xb: {  	s26 =	sadd.s32 s21, s7;
	s21 =	simm.s32 $0x7;
	s8 =	sadd.s32 s8, s0  }
0xc: {  	s4 =	sadd.s32 s4, s5;
	s5 =	sshrl.u32 s14, $0x2;
	s9 =	ssub.s32 s9, s11  }
0xd: {  	s18 =	sor.u32 $0x10, s10;
	s14 =	sor.u32 $0x1C0D, s17;
	[dreg:$0x3] =	wrdreg s25  }
0xe: {  	s19 =	sadd.s32 s6, s10;
	s20 =	sadd.s32 s7, s10;
	[dreg:$0x4] =	wrdreg s26  }
0xf: {  	s17 =	simm.s32 $0x1FC80;
	s25 =	simm.s32 $0x17C00;
	s26 =	simm.s32 $0x1  }
0x10: {  	s11 =	simm.s32 $0x0;
	s4 =	sshrl.u32 s4, $0x3;
	[dreg:$0x7] =	wrdreg s19  }
0x11: {  	s15 =	sadd.s32 s5, s2;
	s16 =	sadd.s32 $0x67A00, s8;
	[dreg:$0xa] =	wrdreg s20  }
0x12: {  	s13 =	sadd.s32 s6, s18;
	s5 =	sadd.s32 $0x20, s19;
	[dreg:$0x6] =	wrdreg s14  }
0x13: {  	s22 =	sadd.s32 s7, s18;
	s24 =	smax.u32 s9, $0x1;
	[dreg:$0x5] =	wrdreg s16  }
0x14: {  	s18 =	simm.s32 $0x1FD00;
	s19 =	simm.s32 $0x1FD80;
	[dreg:$0x8] =	wrdreg s13  }
0x15: {  	s20 =	simm.s32 $0x1FE00;
	s7 =	simm.s32 $0x3;
	[dreg:$0x9] =	wrdreg s5  }
0x16: {  	s8 =	simm.s32 $0xC;
	s9 =	simm.s32 $0x5;
	[dreg:$0xb] =	wrdreg s22  }
0x17: {  	s4 =	sadd.s32 s4, s0;
	[dreg:$0xd] =	wrdreg s24;
	s13 =	sadd.s32 s1, s0  }
0x18: {  	s6 =	sshrl.u32 s15, $0x3;
	s15 =	simm.s32 $0xD;
	s16 =	simm.s32 $0x1FC00  }
0x19: {  	s22 =	simm.s32 $0x80;
	s24 =	simm.s32 $0x8;
	s0 =	simm.s32 $0x2  }
0x1a: {  	s1 =	simm.s32 $0xB;
	s23 =	sadd.s32 $0x8F200, s4;
	[dreg:$0xe] =	wrdreg s6  }
0x1b: {  	s4 =	simm.s32 $0x4;
	[dreg:$0xc] =	wrdreg s23;
	s23 =	simm.s32 $0x13C00  }
.LBB2_1:
0x1c: {  	s5 =	rddreg [dreg:$0x5]  }
0x1d: {  	[spmem:s6], [sflag:s14] =	dma.local [hbm:s5], $0x2780  }
0x1e: {  	_ =	swait.ge [sflag:s15], $0x2780  }
0x1f: {  	[sflag:s15] =	ssyncset.done $0x0  }
0x20: {  	[sflag:s15] =	ssyncadd.s32 $0xFFFFD880  }
0x21: {  	[bflag:$0x0] =	sbarrier.arrive $0xFFFF  }
0x22: {  	s12 =	rddreg [dreg:$0x7]  }
0x23: {  	[tilespmem:s16], [sflag:$0x7] =	stream.linear.gather [hbm4b:s12+s3], $0x80, $0x38;
	[tilespmem:$0x1FF00] =	vst v63  }
0x24: {  	s14 =	rddreg [dreg:$0x8]  }
0x25: {  	[tilespmem:s17], [sflag:$0x8] =	stream.linear.gather [hbm4b:s14+s3], $0x80, $0x38;
	[tilespmem:$0x1FF00] =	vst v63  }
0x26: {  	s6 =	rddreg [dreg:$0x9]  }
0x27: {  	[tilespmem:s18], [sflag:$0x9] =	stream.linear.gather [hbm4b:s6+s3], $0x80, $0x38;
	[tilespmem:$0x1FF00] =	vst v63  }
0x28: {  	s10 =	rddreg [dreg:$0xa]  }
0x29: {  	[tilespmem:s19], [sflag:$0xA] =	stream.linear.gather [hbm4b:s10+s3], $0x80, $0x38;
	[tilespmem:$0x1FF00] =	vst v63  }
0x2a: {  	s12 =	rddreg [dreg:$0xb]  }
0x2b: {  	[tilespmem:s20], [sflag:$0xB] =	stream.linear.gather [hbm4b:s12+s3], $0x80, $0x38;
	[tilespmem:$0x1FF00] =	vst v63  }
0x2c: {  	_ =	swait.ge [sflag:s21], $0x80  }
0x2d: {  	[sflag:s21] =	ssyncset.done $0x0  }
0x2e: {  	[sflag:s21] =	ssyncadd.s32 $0xFFFFFF80  }
0x2f: {  	[tilespmem:s23], [sflag:$0x1] =	stream.indirect.gather [hbm4b:s13+s22], $0x80, s16, s22, $0xb8;
	[tilespmem:$0x1FF00] =	vst v63  }
0x30: {  	_ =	swait.ge [sflag:s24], $0x80  }
0x31: {  	[sflag:s24] =	ssyncset.done $0x0  }
0x32: {  	[sflag:s24] =	ssyncadd.s32 $0xFFFFFF80  }
0x33: {  	[tilespmem:s25], [sflag:$0x2] =	stream.indirect.gather [hbm4b:s13+s22], $0x80, s17, s22, $0xb8;
	[tilespmem:$0x1FF00] =	vst v63  }
0x34: {  	_ =	swait.ge [sflag:s26], $0x4000  }
0x35: {  	s14 =	rddreg [dreg:$0x3]  }
0x36: {  	[sflag:s26] =	ssyncset.done $0x0;
	s6 =	sadd.s32 $0x0, s14  }
0x37: {  	[sflag:s26] =	ssyncadd.s32 $0xFFFFC000;
	s10 =	sadd.s32 $0x30, s6  }
0x38: {  	[tilespmem:s16], [sflag:$0x7] =	stream.linear.gather [hbm4b:s10+s3], $0x80, $0x38;
	[tilespmem:$0x1FF00] =	vst v63  }
0x39: {  	_ =	swait.ge [sflag:s28], $0x80  }
0x3a: {  	p0 =	por $0x1, $0x1;
	[sflag:s28] =	ssyncset.done $0x0  }
0x3b: {  	s10 =	simm.s32 @!p0 $0x6;
	[sflag:s28] =	ssyncadd.s32 $0xFFFFFF80  }
0x3c: {  	[spmem:s2] =	stream.indirect.scatter.add.f32 [tilespmem:s23], [sflag:$0x4], $0x80, s19, s22, $0xb8;
	[tilespmem:$0x1FF00] =	vst v63  }
0x3d: {  	_ =	swait.ge @!p0 [sflag:s10], $0x4000  }
0x3e: {  	s12 =	rddreg [dreg:$0x4]  }
0x3f: {  	[sflag:s10] =	ssyncset.done @!p0 $0x0;
	s12 =	sadd.s32 $0x0, s12  }
0x40: {  	[sflag:s10] =	ssyncadd.s32 @!p0 $0xFFFFC000;
	s5 =	sadd.s32 $0x20, s12  }
0x41: {  	[tilespmem:s29], [sflag:$0xC] =	stream.linear.gather [hbm4b:s5+s3], $0x80, $0x38;
	[tilespmem:$0x1FF00] =	vst v63  }
0x42: {  	_ =	swait.ge [sflag:s30], $0x80  }
0x43: {  	[sflag:s30] =	ssyncset.done $0x0  }
0x44: {  	[sflag:s30] =	ssyncadd.s32 $0xFFFFFF80  }
0x45: {  	[tilespmem:s31], [sflag:$0x3] =	stream.indirect.gather [hbm4b:s13+s22], $0x80, s18, s22, $0xb8;
	[tilespmem:$0x1FF00] =	vst v63  }
0x46: {  	_ =	swait.ge [sflag:s0], $0x4000  }
0x47: {  	[sflag:s0] =	ssyncset.done $0x0  }
0x48: {  	s14 =	sadd.s32 $0x40, s6;
	[sflag:s0] =	ssyncadd.s32 $0xFFFFC000  }
0x49: {  	[tilespmem:s17], [sflag:$0x8] =	stream.linear.gather [hbm4b:s14+s3], $0x80, $0x38;
	[tilespmem:$0x1FF00] =	vst v63  }
0x4a: {  	_ =	swait.ge [sflag:s1], $0x80  }
0x4b: {  	[sflag:s1] =	ssyncset.done $0x0  }
0x4c: {  	[sflag:s1] =	ssyncadd.s32 $0xFFFFFF80  }
0x4d: {  	[spmem:s2] =	stream.indirect.scatter.add.f32 [tilespmem:s25], [sflag:$0x5], $0x80, s20, s22, $0xb8;
	[tilespmem:$0x1FF00] =	vst v63  }
0x4e: {  	_ =	swait.ge [sflag:s4], $0x4000  }
0x4f: {  	[sflag:s4] =	ssyncset.done $0x0  }
0x50: {  	s5 =	sadd.s32 $0x30, s12;
	[sflag:s4] =	ssyncadd.s32 $0xFFFFC000  }
0x51: {  	[tilespmem:s19], [sflag:$0xA] =	stream.linear.gather [hbm4b:s5+s3], $0x80, $0x38;
	[tilespmem:$0x1FF00] =	vst v63  }
0x52: {  	_ =	swait.ge [sflag:s21], $0x80  }
0x53: {  	[sflag:s21] =	ssyncset.done $0x0  }
0x54: {  	[sflag:s21] =	ssyncadd.s32 $0xFFFFFF80  }
0x55: {  	[tilespmem:s23], [sflag:$0x1] =	stream.indirect.gather [hbm4b:s13+s22], $0x80, s16, s22, $0xb8;
	[tilespmem:$0x1FF00] =	vst v63  }
0x56: {  	_ =	swait.ge [sflag:s7], $0x4000  }
0x57: {  	[sflag:s7] =	ssyncset.done $0x0  }
0x58: {  	s6 =	sadd.s32 $0x50, s6;
	[sflag:s7] =	ssyncadd.s32 $0xFFFFC000  }
0x59: {  	[tilespmem:s18], [sflag:$0x9] =	stream.linear.gather [hbm4b:s6+s3], $0x80, $0x38;
	[tilespmem:$0x1FF00] =	vst v63  }
0x5a: {  	_ =	swait.ge [sflag:s8], $0x80  }
0x5b: {  	[sflag:s8] =	ssyncset.done $0x0  }
0x5c: {  	[sflag:s8] =	ssyncadd.s32 $0xFFFFFF80  }
0x5d: {  	[spmem:s2] =	stream.indirect.scatter.add.f32 [tilespmem:s31], [sflag:$0x6], $0x80, s29, s22, $0xb8;
	[tilespmem:$0x1FF00] =	vst v63  }
0x5e: {  	_ =	swait.ge [sflag:s9], $0x4000  }
0x5f: {  	[sflag:s9] =	ssyncset.done $0x0  }
0x60: {  	s14 =	sadd.s32 $0x40, s12;
	[sflag:s9] =	ssyncadd.s32 $0xFFFFC000  }
0x61: {  	[tilespmem:s20], [sflag:$0xB] =	stream.linear.gather [hbm4b:s14+s3], $0x80, $0x38;
	[tilespmem:$0x1FF00] =	vst v63  }
0x62: {  	_ =	swait.ge [sflag:s24], $0x80  }
0x63: {  	s12 =	simm.s32 $0x30;
	[sflag:s24] =	ssyncset.done $0x0  }
.LBB2_2:
0x64: {  	[sflag:s24] =	ssyncadd.s32 $0xFFFFFF80  }
0x65: {  	[tilespmem:s25], [sflag:$0x2] =	stream.indirect.gather [hbm4b:s13+s22], $0x80, s17, s22, $0xb8;
	[tilespmem:$0x1FF00] =	vst v63  }
0x66: {  	_ =	swait.ge [sflag:s26], $0x4000  }
0x67: {  	s10 =	smov.u32 s12;
	s6 =	rddreg [dreg:$0x3]  }
0x68: {  	[sflag:s26] =	ssyncset.done $0x0;
	s6 =	sadd.s32 s10, s6  }
0x69: {  	[sflag:s26] =	ssyncadd.s32 $0xFFFFC000;
	s5 =	sadd.s32 $0x30, s6  }
0x6a: {  	[tilespmem:s16], [sflag:$0x7] =	stream.linear.gather [hbm4b:s5+s3], $0x80, $0x38;
	[tilespmem:$0x1FF00] =	vst v63  }
0x6b: {  	_ =	swait.ge [sflag:s28], $0x80  }
0x6c: {  	p1 =	seq.s32 s10, $0x0;
	[sflag:s28] =	ssyncset.done $0x0  }
0x6d: {  	s5 =	simm.s32 @!p1 $0x6;
	[sflag:s28] =	ssyncadd.s32 $0xFFFFFF80  }
0x6e: {  	[spmem:s2] =	stream.indirect.scatter.add.f32 [tilespmem:s23], [sflag:$0x4], $0x80, s19, s22, $0xb8;
	[tilespmem:$0x1FF00] =	vst v63  }
0x6f: {  	_ =	swait.ge @!p1 [sflag:s5], $0x4000  }
0x70: {  	s14 =	rddreg [dreg:$0x4]  }
0x71: {  	[sflag:s5] =	ssyncset.done @!p1 $0x0;
	s10 =	sadd.s32 s10, s14  }
0x72: {  	[sflag:s5] =	ssyncadd.s32 @!p1 $0xFFFFC000;
	s14 =	sadd.s32 $0x20, s10  }
0x73: {  	[tilespmem:s29], [sflag:$0xC] =	stream.linear.gather [hbm4b:s14+s3], $0x80, $0x38;
	[tilespmem:$0x1FF00] =	vst v63  }
0x74: {  	_ =	swait.ge [sflag:s30], $0x80  }
0x75: {  	[sflag:s30] =	ssyncset.done $0x0  }
0x76: {  	[sflag:s30] =	ssyncadd.s32 $0xFFFFFF80  }
0x77: {  	[tilespmem:s31], [sflag:$0x3] =	stream.indirect.gather [hbm4b:s13+s22], $0x80, s18, s22, $0xb8;
	[tilespmem:$0x1FF00] =	vst v63  }
0x78: {  	_ =	swait.ge [sflag:s0], $0x4000  }
0x79: {  	[sflag:s0] =	ssyncset.done $0x0  }
0x7a: {  	s14 =	sadd.s32 $0x40, s6;
	[sflag:s0] =	ssyncadd.s32 $0xFFFFC000  }
0x7b: {  	[tilespmem:s17], [sflag:$0x8] =	stream.linear.gather [hbm4b:s14+s3], $0x80, $0x38;
	[tilespmem:$0x1FF00] =	vst v63  }
0x7c: {  	_ =	swait.ge [sflag:s1], $0x80  }
0x7d: {  	[sflag:s1] =	ssyncset.done $0x0  }
0x7e: {  	[sflag:s1] =	ssyncadd.s32 $0xFFFFFF80  }
0x7f: {  	[spmem:s2] =	stream.indirect.scatter.add.f32 [tilespmem:s25], [sflag:$0x5], $0x80, s20, s22, $0xb8;
	[tilespmem:$0x1FF00] =	vst v63  }
0x80: {  	_ =	swait.ge [sflag:s4], $0x4000  }
0x81: {  	[sflag:s4] =	ssyncset.done $0x0  }
0x82: {  	s14 =	sadd.s32 $0x30, s10;
	[sflag:s4] =	ssyncadd.s32 $0xFFFFC000  }
0x83: {  	[tilespmem:s19], [sflag:$0xA] =	stream.linear.gather [hbm4b:s14+s3], $0x80, $0x38;
	[tilespmem:$0x1FF00] =	vst v63  }
0x84: {  	_ =	swait.ge [sflag:s21], $0x80  }
0x85: {  	[sflag:s21] =	ssyncset.done $0x0  }
0x86: {  	[sflag:s21] =	ssyncadd.s32 $0xFFFFFF80  }
0x87: {  	[tilespmem:s23], [sflag:$0x1] =	stream.indirect.gather [hbm4b:s13+s22], $0x80, s16, s22, $0xb8;
	[tilespmem:$0x1FF00] =	vst v63  }
0x88: {  	_ =	swait.ge [sflag:s7], $0x4000  }
0x89: {  	[sflag:s7] =	ssyncset.done $0x0  }
0x8a: {  	s6 =	sadd.s32 $0x50, s6;
	[sflag:s7] =	ssyncadd.s32 $0xFFFFC000  }
0x8b: {  	[tilespmem:s18], [sflag:$0x9] =	stream.linear.gather [hbm4b:s6+s3], $0x80, $0x38;
	[tilespmem:$0x1FF00] =	vst v63  }
0x8c: {  	_ =	swait.ge [sflag:s8], $0x80  }
0x8d: {  	[sflag:s8] =	ssyncset.done $0x0  }
0x8e: {  	s12 =	sadd.s32 $0x30, s12;
	[sflag:s8] =	ssyncadd.s32 $0xFFFFFF80  }
0x8f: {  	[spmem:s2] =	stream.indirect.scatter.add.f32 [tilespmem:s31], [sflag:$0x6], $0x80, s29, s22, $0xb8;
	[tilespmem:$0x1FF00] =	vst v63  }
0x90: {  	p0 =	sne.s32 s12, $0xA20;
	_ =	swait.ge [sflag:s9], $0x4000  }
.Ltmp0:
0x91: {  	[sflag:s9] =	ssyncset.done $0x0;
	(pc) =	sbr.rel @p0 .LBB2_2-.Ltmp0, $4  }
0x92: {  	s14 =	sadd.s32 $0x40, s10;
	[sflag:s9] =	ssyncadd.s32 $0xFFFFC000  }
0x93: {  	[tilespmem:s20], [sflag:$0xB] =	stream.linear.gather [hbm4b:s14+s3], $0x80, $0x38;
	[tilespmem:$0x1FF00] =	vst v63  }
0x94: {  	_ =	swait.ge [sflag:s24], $0x80  }
0x95: {  	[sflag:s24] =	ssyncset.done $0x0  }
0x96: {  	[sflag:s24] =	ssyncadd.s32 $0xFFFFFF80  }
0x97: {  	[tilespmem:s25], [sflag:$0x2] =	stream.indirect.gather [hbm4b:s13+s22], $0x80, s17, s22, $0xb8;
	[tilespmem:$0x1FF00] =	vst v63  }
0x98: {  	_ =	swait.ge [sflag:s26], $0x4000  }
0x99: {  	[sflag:s26] =	ssyncset.done $0x0  }
0x9a: {  	[sflag:s26] =	ssyncadd.s32 $0xFFFFC000  }
0x9b: {  	_ =	swait.ge [sflag:s0], $0x4000  }
0x9c: {  	[sflag:s0] =	ssyncset.done $0x0  }
0x9d: {  	s5 =	simm.s32 $0x6;
	[sflag:s0] =	ssyncadd.s32 $0xFFFFC000  }
0x9e: {  	_ =	swait.ge [sflag:s5], $0x4000  }
0x9f: {  	[sflag:s5] =	ssyncset.done $0x0  }
0xa0: {  	[sflag:s5] =	ssyncadd.s32 $0xFFFFC000  }
0xa1: {  	_ =	swait.ge [sflag:s30], $0x80  }
0xa2: {  	[sflag:s30] =	ssyncset.done $0x0  }
0xa3: {  	[sflag:s30] =	ssyncadd.s32 $0xFFFFFF80  }
0xa4: {  	_ =	swait.ge [sflag:s28], $0x80  }
0xa5: {  	[sflag:s28] =	ssyncset.done $0x0  }
0xa6: {  	[sflag:s28] =	ssyncadd.s32 $0xFFFFFF80  }
0xa7: {  	_ =	swait.ge [sflag:s1], $0x80  }
0xa8: {  	[sflag:s1] =	ssyncset.done $0x0  }
0xa9: {  	[sflag:s1] =	ssyncadd.s32 $0xFFFFFF80  }
0xaa: {  	[bflag:$0x0] =	sbarrier.arrive $0xFFFF  }
0xab: {  	s14 =	rddreg [dreg:$0x6]  }
0xac: {  	s10 =	rddreg [dreg:$0xc]  }
0xad: {  	s6 =	rddreg [dreg:$0xe]  }
0xae: {  	[hbm:s10], [sflag:s14] =	dma.local [spmem:s6], $0x2780  }
0xaf: {  	_ =	swait.ge [sflag:s15], $0x2780  }
0xb0: {  	s11 =	sadd.s32 $0x1, s11;
	s12 =	rddreg [dreg:$0xd]  }
0xb1: {  	p0 =	sne.s32 s11, s12  }
.Ltmp1:
0xb2: {  	_ = 	snop;
	(pc) =	sbr.rel @p0 .LBB2_1-.Ltmp1, $3  }
0xb3: {  	_ =	sdelay $0x1  }
0xb4: {  	[sflag:s15] =	ssyncset.done $0x0  }
0xb5: {  	[sflag:s15] =	ssyncadd.s32 $0xFFFFD880  }
0xb6: {  	_ =	sfence.sel $0x180000  }
0xb7: {  	[bflag:$0x0] =	sbarrier.arrive $0xFFFF  }
0xb8: {  	_ =	strace $0x9000004A  }
0xb9: {  	s0 =	stileid.u32;
	[bflag:$0x2] =	sbarrier.arrive $0xFFFF  }
0xba: {  	p0 =	sne.s32 s0, $0x0;
	s0 =	rddreg [dreg:$0x2]  }
0xbb: {  	s0 =	sadd.s32 @!p0 $0x100000, s0  }
0xbc: {  	[sflag:s0] =	ssyncadd.tile.s32 @!p0 $0x1;
	_ =	shalt  }
.Lfunc_end2:
_tile_overlayer_lowered:
.L_overlay_start_2:
0xbd: {  	(tag) =	ssettag $0x2  }
0xbe: {  	s0 =	rddreg [dreg:$0x0];
	s2 =	stileid.u32  }
0xbf: {  	s1 =	rddreg [dreg:$0x1];
	p0 =	sne.s32 s2, $0x0  }
0xc0: {  	s3 =	rddreg [dreg:$0x2];
	[bflag:$0x3] =	sbarrier.arrive $0xFFFF;
	s2 =	simm.s32 @!p0 $0x1C0D  }
0xc1: {  	[timem:s3], [sflag:s2] =	dma.local @!p0 [hbm:s0], s1  }
0xc2: {  	s0 =	simm.s32 @!p0 $0xD  }
0xc3: {  	_ =	swait.ge @!p0 [sflag:s0], s1  }
0xc4: {  	s1 =	ssub.s32 @!p0 $0x0, s1;
	[sflag:s0] =	ssyncset.done @!p0 $0x0  }
0xc5: {  	[sflag:s0] =	ssyncadd.s32 @!p0 s1  }
0xc6: {  	[bflag:$0x3] =	sbarrier.arrive $0xFFFF  }
0xc7: {  	_ =	shalt  }

// kernel: kernel.16.cloned.1.call-start
scs
__scs_entry_jumppad:
0x0: {  	(pc) =	sbr.rel $0x88, $3  }
0x1: {  	(tag) =	ssettag $0x0;
	lr =	simm.s32 $0x1  }
0x2: {  	[smem:$0x3F8C] =	sst lr;
	_ =	strace $0xD0000000  }
0x3: {  	_ = 	snop  }
0x4: {  	_ = 	snop  }
0x5: {  	_ = 	snop  }
0x6: {  	_ = 	snop  }
0x7: {  	_ = 	snop  }
__scs_overlays_trampoline_lowered:
0x8: {  	[smem:$0x3F9B] =	sst s0  }
0x9: {  	[smem:$0x3F9C] =	sst s1  }
0xa: {  	[smem:$0x3F9D] =	sst s2  }
0xb: {  	[smem:$0x3F9E] =	sst s3  }
0xc: {  	[smem:$0x3F9F] =	sst s4  }
0xd: {  	[smem:$0x3FA0] =	sst s5  }
0xe: {  	[smem:$0x3FA1] =	sst s6  }
0xf: {  	[smem:$0x3FA2] =	sst s7  }
0x10: {  	[smem:$0x3FA3] =	sst s8  }
0x11: {  	[smem:$0x3FA4] =	sst s9;
	s0 =	simm.s32 @!p0 $0x0  }
0x12: {  	s1 =	sld [smem:$0x3F8A];
	s0 =	simm.s32 @p0 $0x1  }
0x13: {  	[smem:$0x3FA5] =	sst s0;
	s0 =	simm.s32 @!p1 $0x0  }
0x14: {  	s2 =	sld [smem:$0x3F89];
	s0 =	simm.s32 @p1 $0x1  }
0x15: {  	[smem:$0x3FA6] =	sst s0;
	s0 =	simm.s32 @!p2 $0x0  }
0x16: {  	s3 =	sld [smem:$0x3FDB];
	s0 =	simm.s32 @p2 $0x1  }
0x17: {  	s4 =	simm.s32 $0x1BF5;
	[smem:$0x3FA8] =	sst s0  }
0x18: {  	s0 =	sld [smem:$0x3F8B];
	_ =	swait.ge [sflag:s4], $0x0  }
0x19: {  	s7 =	sld [smem:$0x3F8C]  }
0x1a: {  	s8 =	sadd.s32 $0xFFFFE003, lr  }
0x1b: {  	s9 =	sadd.s32 $0xFFFFFEF7, lr;
	s5 =	simm.s32 $0xFFFFFFFF;
	p2 =	slt.u32 s8, $0xFFFFF086  }
0x1c: {  	p1 =	slt.u32 s9, $0xF7A;
	s5 =	simm.s32 @!p2 $0x0  }
0x1d: {  	s5 =	simm.s32 @p1 $0x1;
	p0 =	seq.s32 s7, s2  }
0x1e: {  	s7 =	smul.u32 @!p0 $0xF7A, s2;
	p2 =	seq.s32 @!p0 s5, $0x0  }
0x1f: {  	s9 =	smul.u32 $0xF7A, s1;
	s8 =	simm.s32 @!p0 $0x1BF5;
	p2 =	por !p2, p0  }
0x20: {  	[sflag:s8] =	ssyncset.s32 @!p0 $0xFFFFF086;
	s6 =	sadd.s32 @!p0 s3, s7;
	s7 =	simm.s32 @!p0 $0x108  }
0x21: {  	s3 =	sadd.s32 s3, s9;
	s6 =	sadd.s32 @!p0 $0x88, s6;
	s7 =	simm.s32 @p2 $0x1082  }
0x22: {  	[simem:s7], [sflag:s8] =	dma.local @!p0 [hbm:s6], $0xF7A  }
0x23: {  	s9 =	sor.u32 $0xD0000000, s2;
	s6 =	simm.s32 $0x108;
	_ =	swait.ge @!p0 [sflag:s8], $0x0  }
0x24: {  	s3 =	sadd.s32 $0x88, s3;
	s6 =	simm.s32 @!p1 $0x1082;
	[sflag:s4] =	ssyncset.s32 $0xFFFFF086  }
0x25: {  	[simem:s6], [sflag:s4] =	dma.local [hbm:s3], $0xF7A  }
0x26: {  	[smem:$0x3F8C] =	sst s1;
	(tag) =	ssettag s2;
	_ =	strace s9  }
0x27: {  	s1 =	sld [smem:$0x3F9C]  }
0x28: {  	s2 =	sld [smem:$0x3F9D]  }
0x29: {  	s4 =	sld [smem:$0x3F9F]  }
0x2a: {  	p0 =	seq.s32 s5, $0x0;
	s5 =	sld [smem:$0x3FA0]  }
0x2b: {  	s6 =	sld [smem:$0x3FA1]  }
0x2c: {  	s7 =	sld [smem:$0x3FA2]  }
0x2d: {  	s3 =	simm.s32 $0x108;
	s8 =	sld [smem:$0x3FA3]  }
0x2e: {  	s3 =	simm.s32 @!p0 $0x1082;
	s9 =	sld [smem:$0x3FA4]  }
0x2f: {  	lr =	sadd.s32 s0, s3;
	s0 =	sld [smem:$0x3F9B]  }
0x30: {  	s3 =	sld [smem:$0x3F9E]  }
0x31: {  	[smem:$0x3FA7] =	sst s10  }
0x32: {  	s10 =	sld [smem:$0x3FA5];
	_ =	sdelay $0x3  }
0x33: {  	p0 =	seq.s32 s10, $0x1;
	s10 =	sld [smem:$0x3FA7];
	_ =	sdelay $0x3  }
0x34: {  	[smem:$0x3FA7] =	sst s10  }
0x35: {  	s10 =	sld [smem:$0x3FA6];
	_ =	sdelay $0x3  }
0x36: {  	p1 =	seq.s32 s10, $0x1;
	s10 =	sld [smem:$0x3FA7];
	_ =	sdelay $0x3  }
0x37: {  	[smem:$0x3FA7] =	sst s10  }
0x38: {  	s10 =	sld [smem:$0x3FA8]  }
0x39: {  	_ = 	snop;
	(pc) =	sbr.ind lr, $3  }
0x3a: {  	_ = 	snop  }
0x3b: {  	_ = 	snop  }
0x3c: {  	p2 =	seq.s32 s10, $0x1;
	s10 =	sld [smem:$0x3FA7]  }
0x3d: {  	_ =	shalt  }
0x3e: {  	_ =	shalt  }
0x3f: {  	_ =	shalt  }
0x40: {  	_ =	shalt  }
0x41: {  	_ =	shalt  }
0x42: {  	_ =	shalt  }
0x43: {  	_ =	shalt  }
0x44: {  	_ =	shalt  }
0x45: {  	_ =	shalt  }
0x46: {  	_ =	shalt  }
0x47: {  	_ =	shalt  }
0x48: {  	_ =	shalt  }
0x49: {  	_ =	shalt  }
0x4a: {  	_ =	shalt  }
0x4b: {  	_ =	shalt  }
0x4c: {  	_ =	shalt  }
0x4d: {  	_ =	shalt  }
0x4e: {  	_ =	shalt  }
0x4f: {  	_ =	shalt  }
0x50: {  	_ =	shalt  }
0x51: {  	_ =	shalt  }
0x52: {  	_ =	shalt  }
0x53: {  	_ =	shalt  }
0x54: {  	_ =	shalt  }
0x55: {  	_ =	shalt  }
0x56: {  	_ =	shalt  }
0x57: {  	_ =	shalt  }
0x58: {  	_ =	shalt  }
0x59: {  	_ =	shalt  }
0x5a: {  	_ =	shalt  }
0x5b: {  	_ =	shalt  }
0x5c: {  	_ =	shalt  }
0x5d: {  	_ =	shalt  }
0x5e: {  	_ =	shalt  }
0x5f: {  	_ =	shalt  }
0x60: {  	_ =	shalt  }
0x61: {  	_ =	shalt  }
0x62: {  	_ =	shalt  }
0x63: {  	_ =	shalt  }
0x64: {  	_ =	shalt  }
0x65: {  	_ =	shalt  }
0x66: {  	_ =	shalt  }
0x67: {  	_ =	shalt  }
0x68: {  	_ =	shalt  }
0x69: {  	_ =	shalt  }
0x6a: {  	_ =	shalt  }
0x6b: {  	_ =	shalt  }
0x6c: {  	_ =	shalt  }
0x6d: {  	_ =	shalt  }
0x6e: {  	_ =	shalt  }
0x6f: {  	_ =	shalt  }
0x70: {  	_ =	shalt  }
0x71: {  	_ =	shalt  }
0x72: {  	_ =	shalt  }
0x73: {  	_ =	shalt  }
0x74: {  	_ =	shalt  }
0x75: {  	_ =	shalt  }
0x76: {  	_ =	shalt  }
0x77: {  	_ =	shalt  }
0x78: {  	_ =	shalt  }
0x79: {  	_ =	shalt  }
0x7a: {  	_ =	shalt  }
0x7b: {  	_ =	shalt  }
0x7c: {  	_ =	shalt  }
0x7d: {  	_ =	shalt  }
0x7e: {  	_ =	shalt  }
0x7f: {  	_ =	shalt  }
0x80: {  	_ =	shalt  }
0x81: {  	_ =	shalt  }
0x82: {  	_ =	shalt  }
0x83: {  	_ =	shalt  }
0x84: {  	_ =	shalt  }
0x85: {  	_ =	shalt  }
0x86: {  	_ =	shalt  }
0x87: {  	_ =	shalt  }
.Lfunc_end0:
.L_simem_size_0:
called_computation.2_lowered:
.L_overlay_start_0:
0x88: {  	s2 =	sld [smem:$0x3FD9]  }
0x89: {  	s3 =	sld [smem:$0x3FFE];
	_ =	sdelay $0x1  }
0x8a: {  	s1 =	srdreg.scid  }
0x8b: {  	s0 =	sand.u32 $0x1, s1  }
0x8c: {  	s16 =	sshll.u32 s0, $0xA;
	s2 =	sadd.s32 s3, s2  }
0x8d: {  	s2 =	sadd.s32 s2, s16  }
0x8e: {  	[smem:$0x3FB3] =	sst s2  }
0x8f: {  	_ = 	snop  }
0x90: {  	(tm) =	ssettm $0x1  }
0x91: {  	s17 =	sld [smem:$0x3FFB];
	_ =	sdelay $0x3  }
0x92: {  	_ =	strace s17  }
0x93: {  	s2 =	sld [smem:$0x3FFC];
	_ =	sdelay $0x3  }
0x94: {  	_ =	strace s2  }
0x95: {  	s2 =	sld [smem:$0x3FFD];
	_ =	sdelay $0x3  }
0x96: {  	_ =	strace s2  }
0x97: {  	_ =	strace $0x8FFFFFFF  }
0x98: {  	s18 =	sld [smem:$0x3FDB];
	_ =	sdelay $0x1  }
0x99: {  	s19 =	simm.s32 $_scs_section_size  }
0x9a: {  	s4 =	simm.s32 $_size__tile_overlayer_lowered;
	s5 =	simm.s32 $_tile_overlayer_lowered  }
0x9b: {  	s22 =	simm.s32 $0x1BFF;
	s21 =	sshll.u32 s5, $0x1;
	s2 =	sadd.s32 s19, s18  }
0x9c: {  	s6 =	simm.s32 $0x0;
	s20 =	sshll.u32 s4, $0x1;
	s4 =	sadd.s32 s21, s2  }
0x9d: {  	[timem:s6], [sflag:s22] =	dma.local [hbm:s4], s20  }
0x9e: {  	_ =	swait.ge [sflag:s22], s20  }
0x9f: {  	s3 =	ssub.s32 $0x0, s20;
	[sflag:s22] =	ssyncset.done $0x0  }
0xa0: {  	[sflag:s22] =	ssyncadd.s32 s3;
	_ =	sdelay $0x1  }
0xa1: {  	s23 =	simm.s32 $0x1B8B  }
0xa2: {  	_ =	swait.ge [sflag:s23], $0x1  }
0xa3: {  	[sflag:s23] =	ssyncset.done $0x0  }
0xa4: {  	s25 =	simm.s32 $0x1B8E;
	s24 =	sld [smem:$0x3FFE];
	[sflag:s23] =	ssyncadd.s32 $0xFFFFFFFF  }
0xa5: {  	s26 =	simm.s32 $execute0_lowered;
	[smem:$0x3FD2] =	sst s25  }
0xa6: {  	s4 =	sshll.u32 s26, $0x1;
	_ =	strace $0x8000004C;
	[dreg:$0x1] =	wrdreg $0xFFFFFFFF  }
0xa7: {  	s28 =	simm.s32 $_size_execute0_lowered;
	s2 =	sadd.s32 s2, s4;
	[dreg:$0x0] =	wrdreg $0x0  }
0xa8: {  	s4 =	sshll.u32 s28, $0x1;
	[dreg:$0x2] =	wrdreg s2  }
0xa9: {  	[dreg:$0x3] =	wrdreg s4  }
0xaa: {  	[dreg:$0x4] =	wrdreg $0xC0  }
0xab: {  	_ =	task [dreg:s6], $0x5FFFF  }
0xac: {  	[dreg:$0x1] =	wrdreg $0xFFFFFFFF  }
0xad: {  	[dreg:$0x0] =	wrdreg $0x60  }
0xae: {  	[dreg:$0x2] =	wrdreg s24  }
0xaf: {  	[dreg:$0x3] =	wrdreg $0x0  }
0xb0: {  	[dreg:$0x4] =	wrdreg $0x9  }
0xb1: {  	_ =	task.clear_ibuf [dreg:s6], $0x5FFFF;
	_ =	strace $0x9000004C  }
0xb2: {  	s29 =	simm.s32 $0x9;
	_ =	strace $0x8000004E  }
0xb3: {  	_ =	swait.ge [sflag:s29], $0x1  }
0xb4: {  	[sflag:s29] =	ssyncadd.s32 $0xFFFFFFFF  }
0xb5: {  	_ =	strace $0x9000004E  }
0xb6: {  	_ =	sfence  }
0xb7: {  	s30 =	sld [smem:$0x0];
	_ =	sdelay $0x2  }
0xb8: {  	s31 =	sshll.u32 s1, $0xD;
	s1 =	sshrl.u32 s1, $0x2  }
0xb9: {  	s3 =	sand.u32 $0x4000, s31;
	s1 =	sadd.s32 s1, s30  }
0xba: {  	s0 =	sor.u32 s3, s0;
	s1 =	sshll.u32 s1, $0x11  }
0xbb: {  	s0 =	sor.u32 s1, s0  }
0xbc: {  	s0 =	sadd.s32 $0x8F2B, s0  }
0xbd: {  	[sflag:s0] =	ssyncadd.remote.s32 $0x1  }
0xbe: {  	_ =	sfence.sel $0xFFFF  }
0xbf: {  	[dreg:$0x0] =	wrdreg $0xFFFFFFFF;
	(pc) =	sbr.abs _section_cstart, $3  }
0xc0: {  	[dreg:$0x1] =	wrdreg $0xFFFFFFFF  }
0xc1: {  	_ =	task.clear_ibuf [dreg:s6], $0x2FFFF;
	_ =	strace $0x9FFFFFFF  }
0xc2: {  	(tm) =	ssettm $0x7FFFFFFF  }
0xc3: {  	_ =	shalt  }
tec
execute0_lowered:
.L_overlay_start_1:
0x0: {  	(tag) =	ssettag $0x1  }
0x1: {  	s0 =	rddreg [dreg:$0x0]  }
0x2: {  	s2 =	rddreg [dreg:$0x1];
	s3 =	simm.s32 $0x0;
	s12 =	stileid.u32  }
0x3: {  	s1 =	srdreg.scid;
	s28 =	simm.s32 $0xA;
	s29 =	simm.s32 $0x1FE80  }
0x4: {  	s30 =	simm.s32 $0x9;
	s31 =	simm.s32 $0x1BC00;
	s4 =	smul.u32 $0x13C00, s12  }
0x5: {  	[smem:$0x7FF] =	sst s3;
	s1 =	sand.u32 $0x1, s1;
	s14 =	smul.u32 $0x4F000, s12  }
0x6: {  	s6 =	sadd.s32 $0xF200, s0;
	s7 =	sadd.s32 $0x4800, s0;
	s10 =	smul.u32 $0x5100, s12  }
0x7: {  	s17 =	sshll.u32 s12, $0x6;
	s21 =	smul.u32 $0xA20, s12;
	_ =	strace $0x8000004D  }
0x8: {  	s5 =	smul.u32 $0x13C000, s1;
	s9 =	ssub.s32 $0x2, s1;
	p0 =	seq.s32 s1, $0x0  }
0x9: {  	s1 =	simm.s32 $0x19600;
	s8 =	sshrl.u32 s4, $0x3;
	s11 =	sshrl.u32 s9, $0x1  }
0xa: {  	s10 =	sshrl.u32 s10, $0x3;
	s25 =	sadd.s32 s21, s6;
	s1 =	simm.s32 @!p0 $0x40800  }
0xb: {  	s26 =	sadd.s32 s21, s7;
	s21 =	simm.s32 $0x7;
	s8 =	sadd.s32 s8, s0  }
0xc: {  	s4 =	sadd.s32 s4, s5;
	s5 =	sshrl.u32 s14, $0x2;
	s9 =	ssub.s32 s9, s11  }
0xd: {  	s18 =	sor.u32 $0x10, s10;
	s14 =	sor.u32 $0x1C0D, s17;
	[dreg:$0x3] =	wrdreg s25  }
0xe: {  	s19 =	sadd.s32 s6, s10;
	s20 =	sadd.s32 s7, s10;
	[dreg:$0x4] =	wrdreg s26  }
0xf: {  	s17 =	simm.s32 $0x1FC80;
	s25 =	simm.s32 $0x17C00;
	s26 =	simm.s32 $0x1  }
0x10: {  	s11 =	simm.s32 $0x0;
	s4 =	sshrl.u32 s4, $0x3;
	[dreg:$0x7] =	wrdreg s19  }
0x11: {  	s15 =	sadd.s32 s5, s2;
	s16 =	sadd.s32 $0x67A00, s8;
	[dreg:$0xa] =	wrdreg s20  }
0x12: {  	s13 =	sadd.s32 s6, s18;
	s5 =	sadd.s32 $0x20, s19;
	[dreg:$0x6] =	wrdreg s14  }
0x13: {  	s22 =	sadd.s32 s7, s18;
	s24 =	smax.u32 s9, $0x1;
	[dreg:$0x5] =	wrdreg s16  }
0x14: {  	s18 =	simm.s32 $0x1FD00;
	s19 =	simm.s32 $0x1FD80;
	[dreg:$0x8] =	wrdreg s13  }
0x15: {  	s20 =	simm.s32 $0x1FE00;
	s7 =	simm.s32 $0x3;
	[dreg:$0x9] =	wrdreg s5  }
0x16: {  	s8 =	simm.s32 $0xC;
	s9 =	simm.s32 $0x5;
	[dreg:$0xb] =	wrdreg s22  }
0x17: {  	s4 =	sadd.s32 s4, s0;
	[dreg:$0xd] =	wrdreg s24;
	s13 =	sadd.s32 s1, s0  }
0x18: {  	s6 =	sshrl.u32 s15, $0x3;
	s15 =	simm.s32 $0xD;
	s16 =	simm.s32 $0x1FC00  }
0x19: {  	s22 =	simm.s32 $0x80;
	s24 =	simm.s32 $0x8;
	s0 =	simm.s32 $0x2  }
0x1a: {  	s1 =	simm.s32 $0xB;
	s23 =	sadd.s32 $0x8F200, s4;
	[dreg:$0xe] =	wrdreg s6  }
0x1b: {  	s4 =	simm.s32 $0x4;
	[dreg:$0xc] =	wrdreg s23;
	s23 =	simm.s32 $0x13C00  }
.LBB2_1:
0x1c: {  	s5 =	rddreg [dreg:$0x5]  }
0x1d: {  	[spmem:s6], [sflag:s14] =	dma.local [hbm:s5], $0x2780  }
0x1e: {  	_ =	swait.ge [sflag:s15], $0x2780  }
0x1f: {  	[sflag:s15] =	ssyncset.done $0x0  }
0x20: {  	[sflag:s15] =	ssyncadd.s32 $0xFFFFD880  }
0x21: {  	[bflag:$0x0] =	sbarrier.arrive $0xFFFF  }
0x22: {  	s12 =	rddreg [dreg:$0x7]  }
0x23: {  	[tilespmem:s16], [sflag:$0x7] =	stream.linear.gather [hbm4b:s12+s3], $0x80, $0x38;
	[tilespmem:$0x1FF00] =	vst v63  }
0x24: {  	s14 =	rddreg [dreg:$0x8]  }
0x25: {  	[tilespmem:s17], [sflag:$0x8] =	stream.linear.gather [hbm4b:s14+s3], $0x80, $0x38;
	[tilespmem:$0x1FF00] =	vst v63  }
0x26: {  	s6 =	rddreg [dreg:$0x9]  }
0x27: {  	[tilespmem:s18], [sflag:$0x9] =	stream.linear.gather [hbm4b:s6+s3], $0x80, $0x38;
	[tilespmem:$0x1FF00] =	vst v63  }
0x28: {  	s10 =	rddreg [dreg:$0xa]  }
0x29: {  	[tilespmem:s19], [sflag:$0xA] =	stream.linear.gather [hbm4b:s10+s3], $0x80, $0x38;
	[tilespmem:$0x1FF00] =	vst v63  }
0x2a: {  	s12 =	rddreg [dreg:$0xb]  }
0x2b: {  	[tilespmem:s20], [sflag:$0xB] =	stream.linear.gather [hbm4b:s12+s3], $0x80, $0x38;
	[tilespmem:$0x1FF00] =	vst v63  }
0x2c: {  	_ =	swait.ge [sflag:s21], $0x80  }
0x2d: {  	[sflag:s21] =	ssyncset.done $0x0  }
0x2e: {  	[sflag:s21] =	ssyncadd.s32 $0xFFFFFF80  }
0x2f: {  	[tilespmem:s23], [sflag:$0x1] =	stream.indirect.gather [hbm4b:s13+s22], $0x80, s16, s22, $0xb8;
	[tilespmem:$0x1FF00] =	vst v63  }
0x30: {  	_ =	swait.ge [sflag:s24], $0x80  }
0x31: {  	[sflag:s24] =	ssyncset.done $0x0  }
0x32: {  	[sflag:s24] =	ssyncadd.s32 $0xFFFFFF80  }
0x33: {  	[tilespmem:s25], [sflag:$0x2] =	stream.indirect.gather [hbm4b:s13+s22], $0x80, s17, s22, $0xb8;
	[tilespmem:$0x1FF00] =	vst v63  }
0x34: {  	_ =	swait.ge [sflag:s26], $0x4000  }
0x35: {  	s14 =	rddreg [dreg:$0x3]  }
0x36: {  	[sflag:s26] =	ssyncset.done $0x0;
	s6 =	sadd.s32 $0x0, s14  }
0x37: {  	[sflag:s26] =	ssyncadd.s32 $0xFFFFC000;
	s10 =	sadd.s32 $0x30, s6  }
0x38: {  	[tilespmem:s16], [sflag:$0x7] =	stream.linear.gather [hbm4b:s10+s3], $0x80, $0x38;
	[tilespmem:$0x1FF00] =	vst v63  }
0x39: {  	_ =	swait.ge [sflag:s28], $0x80  }
0x3a: {  	p0 =	por $0x1, $0x1;
	[sflag:s28] =	ssyncset.done $0x0  }
0x3b: {  	s10 =	simm.s32 @!p0 $0x6;
	[sflag:s28] =	ssyncadd.s32 $0xFFFFFF80  }
0x3c: {  	[spmem:s2] =	stream.indirect.scatter.add.f32 [tilespmem:s23], [sflag:$0x4], $0x80, s19, s22, $0xb8;
	[tilespmem:$0x1FF00] =	vst v63  }
0x3d: {  	_ =	swait.ge @!p0 [sflag:s10], $0x4000  }
0x3e: {  	s12 =	rddreg [dreg:$0x4]  }
0x3f: {  	[sflag:s10] =	ssyncset.done @!p0 $0x0;
	s12 =	sadd.s32 $0x0, s12  }
0x40: {  	[sflag:s10] =	ssyncadd.s32 @!p0 $0xFFFFC000;
	s5 =	sadd.s32 $0x20, s12  }
0x41: {  	[tilespmem:s29], [sflag:$0xC] =	stream.linear.gather [hbm4b:s5+s3], $0x80, $0x38;
	[tilespmem:$0x1FF00] =	vst v63  }
0x42: {  	_ =	swait.ge [sflag:s30], $0x80  }
0x43: {  	[sflag:s30] =	ssyncset.done $0x0  }
0x44: {  	[sflag:s30] =	ssyncadd.s32 $0xFFFFFF80  }
0x45: {  	[tilespmem:s31], [sflag:$0x3] =	stream.indirect.gather [hbm4b:s13+s22], $0x80, s18, s22, $0xb8;
	[tilespmem:$0x1FF00] =	vst v63  }
0x46: {  	_ =	swait.ge [sflag:s0], $0x4000  }
0x47: {  	[sflag:s0] =	ssyncset.done $0x0  }
0x48: {  	s14 =	sadd.s32 $0x40, s6;
	[sflag:s0] =	ssyncadd.s32 $0xFFFFC000  }
0x49: {  	[tilespmem:s17], [sflag:$0x8] =	stream.linear.gather [hbm4b:s14+s3], $0x80, $0x38;
	[tilespmem:$0x1FF00] =	vst v63  }
0x4a: {  	_ =	swait.ge [sflag:s1], $0x80  }
0x4b: {  	[sflag:s1] =	ssyncset.done $0x0  }
0x4c: {  	[sflag:s1] =	ssyncadd.s32 $0xFFFFFF80  }
0x4d: {  	[spmem:s2] =	stream.indirect.scatter.add.f32 [tilespmem:s25], [sflag:$0x5], $0x80, s20, s22, $0xb8;
	[tilespmem:$0x1FF00] =	vst v63  }
0x4e: {  	_ =	swait.ge [sflag:s4], $0x4000  }
0x4f: {  	[sflag:s4] =	ssyncset.done $0x0  }
0x50: {  	s5 =	sadd.s32 $0x30, s12;
	[sflag:s4] =	ssyncadd.s32 $0xFFFFC000  }
0x51: {  	[tilespmem:s19], [sflag:$0xA] =	stream.linear.gather [hbm4b:s5+s3], $0x80, $0x38;
	[tilespmem:$0x1FF00] =	vst v63  }
0x52: {  	_ =	swait.ge [sflag:s21], $0x80  }
0x53: {  	[sflag:s21] =	ssyncset.done $0x0  }
0x54: {  	[sflag:s21] =	ssyncadd.s32 $0xFFFFFF80  }
0x55: {  	[tilespmem:s23], [sflag:$0x1] =	stream.indirect.gather [hbm4b:s13+s22], $0x80, s16, s22, $0xb8;
	[tilespmem:$0x1FF00] =	vst v63  }
0x56: {  	_ =	swait.ge [sflag:s7], $0x4000  }
0x57: {  	[sflag:s7] =	ssyncset.done $0x0  }
0x58: {  	s6 =	sadd.s32 $0x50, s6;
	[sflag:s7] =	ssyncadd.s32 $0xFFFFC000  }
0x59: {  	[tilespmem:s18], [sflag:$0x9] =	stream.linear.gather [hbm4b:s6+s3], $0x80, $0x38;
	[tilespmem:$0x1FF00] =	vst v63  }
0x5a: {  	_ =	swait.ge [sflag:s8], $0x80  }
0x5b: {  	[sflag:s8] =	ssyncset.done $0x0  }
0x5c: {  	[sflag:s8] =	ssyncadd.s32 $0xFFFFFF80  }
0x5d: {  	[spmem:s2] =	stream.indirect.scatter.add.f32 [tilespmem:s31], [sflag:$0x6], $0x80, s29, s22, $0xb8;
	[tilespmem:$0x1FF00] =	vst v63  }
0x5e: {  	_ =	swait.ge [sflag:s9], $0x4000  }
0x5f: {  	[sflag:s9] =	ssyncset.done $0x0  }
0x60: {  	s14 =	sadd.s32 $0x40, s12;
	[sflag:s9] =	ssyncadd.s32 $0xFFFFC000  }
0x61: {  	[tilespmem:s20], [sflag:$0xB] =	stream.linear.gather [hbm4b:s14+s3], $0x80, $0x38;
	[tilespmem:$0x1FF00] =	vst v63  }
0x62: {  	_ =	swait.ge [sflag:s24], $0x80  }
0x63: {  	s12 =	simm.s32 $0x30;
	[sflag:s24] =	ssyncset.done $0x0  }
.LBB2_2:
0x64: {  	[sflag:s24] =	ssyncadd.s32 $0xFFFFFF80  }
0x65: {  	[tilespmem:s25], [sflag:$0x2] =	stream.indirect.gather [hbm4b:s13+s22], $0x80, s17, s22, $0xb8;
	[tilespmem:$0x1FF00] =	vst v63  }
0x66: {  	_ =	swait.ge [sflag:s26], $0x4000  }
0x67: {  	s10 =	smov.u32 s12;
	s6 =	rddreg [dreg:$0x3]  }
0x68: {  	[sflag:s26] =	ssyncset.done $0x0;
	s6 =	sadd.s32 s10, s6  }
0x69: {  	[sflag:s26] =	ssyncadd.s32 $0xFFFFC000;
	s5 =	sadd.s32 $0x30, s6  }
0x6a: {  	[tilespmem:s16], [sflag:$0x7] =	stream.linear.gather [hbm4b:s5+s3], $0x80, $0x38;
	[tilespmem:$0x1FF00] =	vst v63  }
0x6b: {  	_ =	swait.ge [sflag:s28], $0x80  }
0x6c: {  	p1 =	seq.s32 s10, $0x0;
	[sflag:s28] =	ssyncset.done $0x0  }
0x6d: {  	s5 =	simm.s32 @!p1 $0x6;
	[sflag:s28] =	ssyncadd.s32 $0xFFFFFF80  }
0x6e: {  	[spmem:s2] =	stream.indirect.scatter.add.f32 [tilespmem:s23], [sflag:$0x4], $0x80, s19, s22, $0xb8;
	[tilespmem:$0x1FF00] =	vst v63  }
0x6f: {  	_ =	swait.ge @!p1 [sflag:s5], $0x4000  }
0x70: {  	s14 =	rddreg [dreg:$0x4]  }
0x71: {  	[sflag:s5] =	ssyncset.done @!p1 $0x0;
	s10 =	sadd.s32 s10, s14  }
0x72: {  	[sflag:s5] =	ssyncadd.s32 @!p1 $0xFFFFC000;
	s14 =	sadd.s32 $0x20, s10  }
0x73: {  	[tilespmem:s29], [sflag:$0xC] =	stream.linear.gather [hbm4b:s14+s3], $0x80, $0x38;
	[tilespmem:$0x1FF00] =	vst v63  }
0x74: {  	_ =	swait.ge [sflag:s30], $0x80  }
0x75: {  	[sflag:s30] =	ssyncset.done $0x0  }
0x76: {  	[sflag:s30] =	ssyncadd.s32 $0xFFFFFF80  }
0x77: {  	[tilespmem:s31], [sflag:$0x3] =	stream.indirect.gather [hbm4b:s13+s22], $0x80, s18, s22, $0xb8;
	[tilespmem:$0x1FF00] =	vst v63  }
0x78: {  	_ =	swait.ge [sflag:s0], $0x4000  }
0x79: {  	[sflag:s0] =	ssyncset.done $0x0  }
0x7a: {  	s14 =	sadd.s32 $0x40, s6;
	[sflag:s0] =	ssyncadd.s32 $0xFFFFC000  }
0x7b: {  	[tilespmem:s17], [sflag:$0x8] =	stream.linear.gather [hbm4b:s14+s3], $0x80, $0x38;
	[tilespmem:$0x1FF00] =	vst v63  }
0x7c: {  	_ =	swait.ge [sflag:s1], $0x80  }
0x7d: {  	[sflag:s1] =	ssyncset.done $0x0  }
0x7e: {  	[sflag:s1] =	ssyncadd.s32 $0xFFFFFF80  }
0x7f: {  	[spmem:s2] =	stream.indirect.scatter.add.f32 [tilespmem:s25], [sflag:$0x5], $0x80, s20, s22, $0xb8;
	[tilespmem:$0x1FF00] =	vst v63  }
0x80: {  	_ =	swait.ge [sflag:s4], $0x4000  }
0x81: {  	[sflag:s4] =	ssyncset.done $0x0  }
0x82: {  	s14 =	sadd.s32 $0x30, s10;
	[sflag:s4] =	ssyncadd.s32 $0xFFFFC000  }
0x83: {  	[tilespmem:s19], [sflag:$0xA] =	stream.linear.gather [hbm4b:s14+s3], $0x80, $0x38;
	[tilespmem:$0x1FF00] =	vst v63  }
0x84: {  	_ =	swait.ge [sflag:s21], $0x80  }
0x85: {  	[sflag:s21] =	ssyncset.done $0x0  }
0x86: {  	[sflag:s21] =	ssyncadd.s32 $0xFFFFFF80  }
0x87: {  	[tilespmem:s23], [sflag:$0x1] =	stream.indirect.gather [hbm4b:s13+s22], $0x80, s16, s22, $0xb8;
	[tilespmem:$0x1FF00] =	vst v63  }
0x88: {  	_ =	swait.ge [sflag:s7], $0x4000  }
0x89: {  	[sflag:s7] =	ssyncset.done $0x0  }
0x8a: {  	s6 =	sadd.s32 $0x50, s6;
	[sflag:s7] =	ssyncadd.s32 $0xFFFFC000  }
0x8b: {  	[tilespmem:s18], [sflag:$0x9] =	stream.linear.gather [hbm4b:s6+s3], $0x80, $0x38;
	[tilespmem:$0x1FF00] =	vst v63  }
0x8c: {  	_ =	swait.ge [sflag:s8], $0x80  }
0x8d: {  	[sflag:s8] =	ssyncset.done $0x0  }
0x8e: {  	s12 =	sadd.s32 $0x30, s12;
	[sflag:s8] =	ssyncadd.s32 $0xFFFFFF80  }
0x8f: {  	[spmem:s2] =	stream.indirect.scatter.add.f32 [tilespmem:s31], [sflag:$0x6], $0x80, s29, s22, $0xb8;
	[tilespmem:$0x1FF00] =	vst v63  }
0x90: {  	p0 =	sne.s32 s12, $0xA20;
	_ =	swait.ge [sflag:s9], $0x4000  }
.Ltmp0:
0x91: {  	[sflag:s9] =	ssyncset.done $0x0;
	(pc) =	sbr.rel @p0 .LBB2_2-.Ltmp0, $4  }
0x92: {  	s14 =	sadd.s32 $0x40, s10;
	[sflag:s9] =	ssyncadd.s32 $0xFFFFC000  }
0x93: {  	[tilespmem:s20], [sflag:$0xB] =	stream.linear.gather [hbm4b:s14+s3], $0x80, $0x38;
	[tilespmem:$0x1FF00] =	vst v63  }
0x94: {  	_ =	swait.ge [sflag:s24], $0x80  }
0x95: {  	[sflag:s24] =	ssyncset.done $0x0  }
0x96: {  	[sflag:s24] =	ssyncadd.s32 $0xFFFFFF80  }
0x97: {  	[tilespmem:s25], [sflag:$0x2] =	stream.indirect.gather [hbm4b:s13+s22], $0x80, s17, s22, $0xb8;
	[tilespmem:$0x1FF00] =	vst v63  }
0x98: {  	_ =	swait.ge [sflag:s26], $0x4000  }
0x99: {  	[sflag:s26] =	ssyncset.done $0x0  }
0x9a: {  	[sflag:s26] =	ssyncadd.s32 $0xFFFFC000  }
0x9b: {  	_ =	swait.ge [sflag:s0], $0x4000  }
0x9c: {  	[sflag:s0] =	ssyncset.done $0x0  }
0x9d: {  	s5 =	simm.s32 $0x6;
	[sflag:s0] =	ssyncadd.s32 $0xFFFFC000  }
0x9e: {  	_ =	swait.ge [sflag:s5], $0x4000  }
0x9f: {  	[sflag:s5] =	ssyncset.done $0x0  }
0xa0: {  	[sflag:s5] =	ssyncadd.s32 $0xFFFFC000  }
0xa1: {  	_ =	swait.ge [sflag:s30], $0x80  }
0xa2: {  	[sflag:s30] =	ssyncset.done $0x0  }
0xa3: {  	[sflag:s30] =	ssyncadd.s32 $0xFFFFFF80  }
0xa4: {  	_ =	swait.ge [sflag:s28], $0x80  }
0xa5: {  	[sflag:s28] =	ssyncset.done $0x0  }
0xa6: {  	[sflag:s28] =	ssyncadd.s32 $0xFFFFFF80  }
0xa7: {  	_ =	swait.ge [sflag:s1], $0x80  }
0xa8: {  	[sflag:s1] =	ssyncset.done $0x0  }
0xa9: {  	[sflag:s1] =	ssyncadd.s32 $0xFFFFFF80  }
0xaa: {  	[bflag:$0x0] =	sbarrier.arrive $0xFFFF  }
0xab: {  	s14 =	rddreg [dreg:$0x6]  }
0xac: {  	s10 =	rddreg [dreg:$0xc]  }
0xad: {  	s6 =	rddreg [dreg:$0xe]  }
0xae: {  	[hbm:s10], [sflag:s14] =	dma.local [spmem:s6], $0x2780  }
0xaf: {  	_ =	swait.ge [sflag:s15], $0x2780  }
0xb0: {  	s11 =	sadd.s32 $0x1, s11;
	s12 =	rddreg [dreg:$0xd]  }
0xb1: {  	p0 =	sne.s32 s11, s12  }
.Ltmp1:
0xb2: {  	_ = 	snop;
	(pc) =	sbr.rel @p0 .LBB2_1-.Ltmp1, $3  }
0xb3: {  	_ =	sdelay $0x1  }
0xb4: {  	[sflag:s15] =	ssyncset.done $0x0  }
0xb5: {  	[sflag:s15] =	ssyncadd.s32 $0xFFFFD880  }
0xb6: {  	_ =	sfence.sel $0x180000  }
0xb7: {  	[bflag:$0x0] =	sbarrier.arrive $0xFFFF  }
0xb8: {  	_ =	strace $0x9000004D  }
0xb9: {  	s0 =	stileid.u32;
	[bflag:$0x2] =	sbarrier.arrive $0xFFFF  }
0xba: {  	p0 =	sne.s32 s0, $0x0;
	s0 =	rddreg [dreg:$0x2]  }
0xbb: {  	s0 =	sadd.s32 @!p0 $0x100000, s0  }
0xbc: {  	[sflag:s0] =	ssyncadd.tile.s32 @!p0 $0x1;
	_ =	shalt  }
.Lfunc_end2:
_tile_overlayer_lowered:
.L_overlay_start_2:
0xbd: {  	(tag) =	ssettag $0x2  }
0xbe: {  	s0 =	rddreg [dreg:$0x0];
	s2 =	stileid.u32  }
0xbf: {  	s1 =	rddreg [dreg:$0x1];
	p0 =	sne.s32 s2, $0x0  }
0xc0: {  	s3 =	rddreg [dreg:$0x2];
	[bflag:$0x3] =	sbarrier.arrive $0xFFFF;
	s2 =	simm.s32 @!p0 $0x1C0D  }
0xc1: {  	[timem:s3], [sflag:s2] =	dma.local @!p0 [hbm:s0], s1  }
0xc2: {  	s0 =	simm.s32 @!p0 $0xD  }
0xc3: {  	_ =	swait.ge @!p0 [sflag:s0], s1  }
0xc4: {  	s1 =	ssub.s32 @!p0 $0x0, s1;
	[sflag:s0] =	ssyncset.done @!p0 $0x0  }
0xc5: {  	[sflag:s0] =	ssyncadd.s32 @!p0 s1  }
0xc6: {  	[bflag:$0x3] =	sbarrier.arrive $0xFFFF  }
0xc7: {  	_ =	shalt  }

// kernel: kernel.19.cloned.1.call-start
scs
__scs_entry_jumppad:
0x0: {  	(pc) =	sbr.rel $0x88, $3  }
0x1: {  	(tag) =	ssettag $0x0;
	lr =	simm.s32 $0x1  }
0x2: {  	[smem:$0x3F8C] =	sst lr;
	_ =	strace $0xD0000000  }
0x3: {  	_ = 	snop  }
0x4: {  	_ = 	snop  }
0x5: {  	_ = 	snop  }
0x6: {  	_ = 	snop  }
0x7: {  	_ = 	snop  }
__scs_overlays_trampoline_lowered:
0x8: {  	[smem:$0x3F9B] =	sst s0  }
0x9: {  	[smem:$0x3F9C] =	sst s1  }
0xa: {  	[smem:$0x3F9D] =	sst s2  }
0xb: {  	[smem:$0x3F9E] =	sst s3  }
0xc: {  	[smem:$0x3F9F] =	sst s4  }
0xd: {  	[smem:$0x3FA0] =	sst s5  }
0xe: {  	[smem:$0x3FA1] =	sst s6  }
0xf: {  	[smem:$0x3FA2] =	sst s7  }
0x10: {  	[smem:$0x3FA3] =	sst s8  }
0x11: {  	[smem:$0x3FA4] =	sst s9;
	s0 =	simm.s32 @!p0 $0x0  }
0x12: {  	s1 =	sld [smem:$0x3F8A];
	s0 =	simm.s32 @p0 $0x1  }
0x13: {  	[smem:$0x3FA5] =	sst s0;
	s0 =	simm.s32 @!p1 $0x0  }
0x14: {  	s2 =	sld [smem:$0x3F89];
	s0 =	simm.s32 @p1 $0x1  }
0x15: {  	[smem:$0x3FA6] =	sst s0;
	s0 =	simm.s32 @!p2 $0x0  }
0x16: {  	s3 =	sld [smem:$0x3FDB];
	s0 =	simm.s32 @p2 $0x1  }
0x17: {  	s4 =	simm.s32 $0x1BF5;
	[smem:$0x3FA8] =	sst s0  }
0x18: {  	s0 =	sld [smem:$0x3F8B];
	_ =	swait.ge [sflag:s4], $0x0  }
0x19: {  	s7 =	sld [smem:$0x3F8C]  }
0x1a: {  	s8 =	sadd.s32 $0xFFFFE003, lr  }
0x1b: {  	s9 =	sadd.s32 $0xFFFFFEF7, lr;
	s5 =	simm.s32 $0xFFFFFFFF;
	p2 =	slt.u32 s8, $0xFFFFF086  }
0x1c: {  	p1 =	slt.u32 s9, $0xF7A;
	s5 =	simm.s32 @!p2 $0x0  }
0x1d: {  	s5 =	simm.s32 @p1 $0x1;
	p0 =	seq.s32 s7, s2  }
0x1e: {  	s7 =	smul.u32 @!p0 $0xF7A, s2;
	p2 =	seq.s32 @!p0 s5, $0x0  }
0x1f: {  	s9 =	smul.u32 $0xF7A, s1;
	s8 =	simm.s32 @!p0 $0x1BF5;
	p2 =	por !p2, p0  }
0x20: {  	[sflag:s8] =	ssyncset.s32 @!p0 $0xFFFFF086;
	s6 =	sadd.s32 @!p0 s3, s7;
	s7 =	simm.s32 @!p0 $0x108  }
0x21: {  	s3 =	sadd.s32 s3, s9;
	s6 =	sadd.s32 @!p0 $0x88, s6;
	s7 =	simm.s32 @p2 $0x1082  }
0x22: {  	[simem:s7], [sflag:s8] =	dma.local @!p0 [hbm:s6], $0xF7A  }
0x23: {  	s9 =	sor.u32 $0xD0000000, s2;
	s6 =	simm.s32 $0x108;
	_ =	swait.ge @!p0 [sflag:s8], $0x0  }
0x24: {  	s3 =	sadd.s32 $0x88, s3;
	s6 =	simm.s32 @!p1 $0x1082;
	[sflag:s4] =	ssyncset.s32 $0xFFFFF086  }
0x25: {  	[simem:s6], [sflag:s4] =	dma.local [hbm:s3], $0xF7A  }
0x26: {  	[smem:$0x3F8C] =	sst s1;
	(tag) =	ssettag s2;
	_ =	strace s9  }
0x27: {  	s1 =	sld [smem:$0x3F9C]  }
0x28: {  	s2 =	sld [smem:$0x3F9D]  }
0x29: {  	s4 =	sld [smem:$0x3F9F]  }
0x2a: {  	p0 =	seq.s32 s5, $0x0;
	s5 =	sld [smem:$0x3FA0]  }
0x2b: {  	s6 =	sld [smem:$0x3FA1]  }
0x2c: {  	s7 =	sld [smem:$0x3FA2]  }
0x2d: {  	s3 =	simm.s32 $0x108;
	s8 =	sld [smem:$0x3FA3]  }
0x2e: {  	s3 =	simm.s32 @!p0 $0x1082;
	s9 =	sld [smem:$0x3FA4]  }
0x2f: {  	lr =	sadd.s32 s0, s3;
	s0 =	sld [smem:$0x3F9B]  }
0x30: {  	s3 =	sld [smem:$0x3F9E]  }
0x31: {  	[smem:$0x3FA7] =	sst s10  }
0x32: {  	s10 =	sld [smem:$0x3FA5];
	_ =	sdelay $0x3  }
0x33: {  	p0 =	seq.s32 s10, $0x1;
	s10 =	sld [smem:$0x3FA7];
	_ =	sdelay $0x3  }
0x34: {  	[smem:$0x3FA7] =	sst s10  }
0x35: {  	s10 =	sld [smem:$0x3FA6];
	_ =	sdelay $0x3  }
0x36: {  	p1 =	seq.s32 s10, $0x1;
	s10 =	sld [smem:$0x3FA7];
	_ =	sdelay $0x3  }
0x37: {  	[smem:$0x3FA7] =	sst s10  }
0x38: {  	s10 =	sld [smem:$0x3FA8]  }
0x39: {  	_ = 	snop;
	(pc) =	sbr.ind lr, $3  }
0x3a: {  	_ = 	snop  }
0x3b: {  	_ = 	snop  }
0x3c: {  	p2 =	seq.s32 s10, $0x1;
	s10 =	sld [smem:$0x3FA7]  }
0x3d: {  	_ =	shalt  }
0x3e: {  	_ =	shalt  }
0x3f: {  	_ =	shalt  }
0x40: {  	_ =	shalt  }
0x41: {  	_ =	shalt  }
0x42: {  	_ =	shalt  }
0x43: {  	_ =	shalt  }
0x44: {  	_ =	shalt  }
0x45: {  	_ =	shalt  }
0x46: {  	_ =	shalt  }
0x47: {  	_ =	shalt  }
0x48: {  	_ =	shalt  }
0x49: {  	_ =	shalt  }
0x4a: {  	_ =	shalt  }
0x4b: {  	_ =	shalt  }
0x4c: {  	_ =	shalt  }
0x4d: {  	_ =	shalt  }
0x4e: {  	_ =	shalt  }
0x4f: {  	_ =	shalt  }
0x50: {  	_ =	shalt  }
0x51: {  	_ =	shalt  }
0x52: {  	_ =	shalt  }
0x53: {  	_ =	shalt  }
0x54: {  	_ =	shalt  }
0x55: {  	_ =	shalt  }
0x56: {  	_ =	shalt  }
0x57: {  	_ =	shalt  }
0x58: {  	_ =	shalt  }
0x59: {  	_ =	shalt  }
0x5a: {  	_ =	shalt  }
0x5b: {  	_ =	shalt  }
0x5c: {  	_ =	shalt  }
0x5d: {  	_ =	shalt  }
0x5e: {  	_ =	shalt  }
0x5f: {  	_ =	shalt  }
0x60: {  	_ =	shalt  }
0x61: {  	_ =	shalt  }
0x62: {  	_ =	shalt  }
0x63: {  	_ =	shalt  }
0x64: {  	_ =	shalt  }
0x65: {  	_ =	shalt  }
0x66: {  	_ =	shalt  }
0x67: {  	_ =	shalt  }
0x68: {  	_ =	shalt  }
0x69: {  	_ =	shalt  }
0x6a: {  	_ =	shalt  }
0x6b: {  	_ =	shalt  }
0x6c: {  	_ =	shalt  }
0x6d: {  	_ =	shalt  }
0x6e: {  	_ =	shalt  }
0x6f: {  	_ =	shalt  }
0x70: {  	_ =	shalt  }
0x71: {  	_ =	shalt  }
0x72: {  	_ =	shalt  }
0x73: {  	_ =	shalt  }
0x74: {  	_ =	shalt  }
0x75: {  	_ =	shalt  }
0x76: {  	_ =	shalt  }
0x77: {  	_ =	shalt  }
0x78: {  	_ =	shalt  }
0x79: {  	_ =	shalt  }
0x7a: {  	_ =	shalt  }
0x7b: {  	_ =	shalt  }
0x7c: {  	_ =	shalt  }
0x7d: {  	_ =	shalt  }
0x7e: {  	_ =	shalt  }
0x7f: {  	_ =	shalt  }
0x80: {  	_ =	shalt  }
0x81: {  	_ =	shalt  }
0x82: {  	_ =	shalt  }
0x83: {  	_ =	shalt  }
0x84: {  	_ =	shalt  }
0x85: {  	_ =	shalt  }
0x86: {  	_ =	shalt  }
0x87: {  	_ =	shalt  }
.Lfunc_end0:
.L_simem_size_0:
called_computation.3_lowered:
.L_overlay_start_0:
0x88: {  	s2 =	sld [smem:$0x3FD9]  }
0x89: {  	s3 =	sld [smem:$0x3FFE];
	_ =	sdelay $0x1  }
0x8a: {  	s1 =	srdreg.scid  }
0x8b: {  	s0 =	sand.u32 $0x1, s1  }
0x8c: {  	s16 =	sshll.u32 s0, $0xA;
	s2 =	sadd.s32 s3, s2  }
0x8d: {  	s2 =	sadd.s32 s2, s16  }
0x8e: {  	[smem:$0x3FB3] =	sst s2  }
0x8f: {  	_ = 	snop  }
0x90: {  	(tm) =	ssettm $0x1  }
0x91: {  	s17 =	sld [smem:$0x3FFB];
	_ =	sdelay $0x3  }
0x92: {  	_ =	strace s17  }
0x93: {  	s2 =	sld [smem:$0x3FFC];
	_ =	sdelay $0x3  }
0x94: {  	_ =	strace s2  }
0x95: {  	s2 =	sld [smem:$0x3FFD];
	_ =	sdelay $0x3  }
0x96: {  	_ =	strace s2  }
0x97: {  	_ =	strace $0x8FFFFFFF  }
0x98: {  	s18 =	sld [smem:$0x3FDB];
	_ =	sdelay $0x1  }
0x99: {  	s19 =	simm.s32 $_scs_section_size  }
0x9a: {  	s4 =	simm.s32 $_size__tile_overlayer_lowered;
	s5 =	simm.s32 $_tile_overlayer_lowered  }
0x9b: {  	s22 =	simm.s32 $0x1BFF;
	s21 =	sshll.u32 s5, $0x1;
	s2 =	sadd.s32 s19, s18  }
0x9c: {  	s6 =	simm.s32 $0x0;
	s20 =	sshll.u32 s4, $0x1;
	s4 =	sadd.s32 s21, s2  }
0x9d: {  	[timem:s6], [sflag:s22] =	dma.local [hbm:s4], s20  }
0x9e: {  	_ =	swait.ge [sflag:s22], s20  }
0x9f: {  	s3 =	ssub.s32 $0x0, s20;
	[sflag:s22] =	ssyncset.done $0x0  }
0xa0: {  	[sflag:s22] =	ssyncadd.s32 s3;
	_ =	sdelay $0x1  }
0xa1: {  	s23 =	simm.s32 $0x1B8B  }
0xa2: {  	_ =	swait.ge [sflag:s23], $0x1  }
0xa3: {  	[sflag:s23] =	ssyncset.done $0x0  }
0xa4: {  	s25 =	simm.s32 $0x1B8E;
	s24 =	sld [smem:$0x3FFE];
	[sflag:s23] =	ssyncadd.s32 $0xFFFFFFFF  }
0xa5: {  	s26 =	simm.s32 $execute0_lowered;
	[smem:$0x3FD2] =	sst s25  }
0xa6: {  	s4 =	sshll.u32 s26, $0x1;
	_ =	strace $0x8000004F;
	[dreg:$0x1] =	wrdreg $0xFFFFFFFF  }
0xa7: {  	s28 =	simm.s32 $_size_execute0_lowered;
	s2 =	sadd.s32 s2, s4;
	[dreg:$0x0] =	wrdreg $0x0  }
0xa8: {  	s4 =	sshll.u32 s28, $0x1;
	[dreg:$0x2] =	wrdreg s2  }
0xa9: {  	[dreg:$0x3] =	wrdreg s4  }
0xaa: {  	[dreg:$0x4] =	wrdreg $0xC0  }
0xab: {  	_ =	task [dreg:s6], $0x5FFFF  }
0xac: {  	[dreg:$0x1] =	wrdreg $0xFFFFFFFF  }
0xad: {  	[dreg:$0x0] =	wrdreg $0x60  }
0xae: {  	[dreg:$0x2] =	wrdreg s24  }
0xaf: {  	[dreg:$0x3] =	wrdreg $0x0  }
0xb0: {  	[dreg:$0x4] =	wrdreg $0x9  }
0xb1: {  	_ =	task.clear_ibuf [dreg:s6], $0x5FFFF;
	_ =	strace $0x9000004F  }
0xb2: {  	s29 =	simm.s32 $0x9;
	_ =	strace $0x80000051  }
0xb3: {  	_ =	swait.ge [sflag:s29], $0x1  }
0xb4: {  	[sflag:s29] =	ssyncadd.s32 $0xFFFFFFFF  }
0xb5: {  	_ =	strace $0x90000051  }
0xb6: {  	_ =	sfence  }
0xb7: {  	s30 =	sld [smem:$0x0];
	_ =	sdelay $0x2  }
0xb8: {  	s31 =	sshll.u32 s1, $0xD;
	s1 =	sshrl.u32 s1, $0x2  }
0xb9: {  	s3 =	sand.u32 $0x4000, s31;
	s1 =	sadd.s32 s1, s30  }
0xba: {  	s0 =	sor.u32 s3, s0;
	s1 =	sshll.u32 s1, $0x11  }
0xbb: {  	s0 =	sor.u32 s1, s0  }
0xbc: {  	s0 =	sadd.s32 $0x8F2B, s0  }
0xbd: {  	[sflag:s0] =	ssyncadd.remote.s32 $0x1  }
0xbe: {  	_ =	sfence.sel $0xFFFF  }
0xbf: {  	[dreg:$0x0] =	wrdreg $0xFFFFFFFF;
	(pc) =	sbr.abs _section_cstart, $3  }
0xc0: {  	[dreg:$0x1] =	wrdreg $0xFFFFFFFF  }
0xc1: {  	_ =	task.clear_ibuf [dreg:s6], $0x2FFFF;
	_ =	strace $0x9FFFFFFF  }
0xc2: {  	(tm) =	ssettm $0x7FFFFFFF  }
0xc3: {  	_ =	shalt  }
tec
execute0_lowered:
.L_overlay_start_1:
0x0: {  	(tag) =	ssettag $0x1  }
0x1: {  	s0 =	rddreg [dreg:$0x0]  }
0x2: {  	s2 =	rddreg [dreg:$0x1];
	s3 =	simm.s32 $0x0;
	s12 =	stileid.u32  }
0x3: {  	s1 =	srdreg.scid;
	s28 =	simm.s32 $0xA;
	s29 =	simm.s32 $0x1FE80  }
0x4: {  	s30 =	simm.s32 $0x9;
	s31 =	simm.s32 $0x1BC00;
	s4 =	smul.u32 $0x13C00, s12  }
0x5: {  	[smem:$0x7FF] =	sst s3;
	s1 =	sand.u32 $0x1, s1;
	s14 =	smul.u32 $0x4F000, s12  }
0x6: {  	s6 =	sadd.s32 $0xF200, s0;
	s7 =	sadd.s32 $0x4800, s0;
	s10 =	smul.u32 $0x5100, s12  }
0x7: {  	s17 =	sshll.u32 s12, $0x6;
	s21 =	smul.u32 $0xA20, s12;
	_ =	strace $0x80000050  }
0x8: {  	s5 =	smul.u32 $0x13C000, s1;
	s9 =	ssub.s32 $0x2, s1;
	p0 =	seq.s32 s1, $0x0  }
0x9: {  	s1 =	simm.s32 $0x19600;
	s8 =	sshrl.u32 s4, $0x3;
	s11 =	sshrl.u32 s9, $0x1  }
0xa: {  	s10 =	sshrl.u32 s10, $0x3;
	s25 =	sadd.s32 s21, s6;
	s1 =	simm.s32 @!p0 $0x40800  }
0xb: {  	s26 =	sadd.s32 s21, s7;
	s21 =	simm.s32 $0x7;
	s8 =	sadd.s32 s8, s0  }
0xc: {  	s4 =	sadd.s32 s4, s5;
	s5 =	sshrl.u32 s14, $0x2;
	s9 =	ssub.s32 s9, s11  }
0xd: {  	s18 =	sor.u32 $0x10, s10;
	s14 =	sor.u32 $0x1C0D, s17;
	[dreg:$0x3] =	wrdreg s25  }
0xe: {  	s19 =	sadd.s32 s6, s10;
	s20 =	sadd.s32 s7, s10;
	[dreg:$0x4] =	wrdreg s26  }
0xf: {  	s17 =	simm.s32 $0x1FC80;
	s25 =	simm.s32 $0x17C00;
	s26 =	simm.s32 $0x1  }
0x10: {  	s11 =	simm.s32 $0x0;
	s4 =	sshrl.u32 s4, $0x3;
	[dreg:$0x7] =	wrdreg s19  }
0x11: {  	s15 =	sadd.s32 s5, s2;
	s16 =	sadd.s32 $0x67A00, s8;
	[dreg:$0xa] =	wrdreg s20  }
0x12: {  	s13 =	sadd.s32 s6, s18;
	s5 =	sadd.s32 $0x20, s19;
	[dreg:$0x6] =	wrdreg s14  }
0x13: {  	s22 =	sadd.s32 s7, s18;
	s24 =	smax.u32 s9, $0x1;
	[dreg:$0x5] =	wrdreg s16  }
0x14: {  	s18 =	simm.s32 $0x1FD00;
	s19 =	simm.s32 $0x1FD80;
	[dreg:$0x8] =	wrdreg s13  }
0x15: {  	s20 =	simm.s32 $0x1FE00;
	s7 =	simm.s32 $0x3;
	[dreg:$0x9] =	wrdreg s5  }
0x16: {  	s8 =	simm.s32 $0xC;
	s9 =	simm.s32 $0x5;
	[dreg:$0xb] =	wrdreg s22  }
0x17: {  	s4 =	sadd.s32 s4, s0;
	[dreg:$0xd] =	wrdreg s24;
	s13 =	sadd.s32 s1, s0  }
0x18: {  	s6 =	sshrl.u32 s15, $0x3;
	s15 =	simm.s32 $0xD;
	s16 =	simm.s32 $0x1FC00  }
0x19: {  	s22 =	simm.s32 $0x80;
	s24 =	simm.s32 $0x8;
	s0 =	simm.s32 $0x2  }
0x1a: {  	s1 =	simm.s32 $0xB;
	s23 =	sadd.s32 $0x8F200, s4;
	[dreg:$0xe] =	wrdreg s6  }
0x1b: {  	s4 =	simm.s32 $0x4;
	[dreg:$0xc] =	wrdreg s23;
	s23 =	simm.s32 $0x13C00  }
.LBB2_1:
0x1c: {  	s5 =	rddreg [dreg:$0x5]  }
0x1d: {  	[spmem:s6], [sflag:s14] =	dma.local [hbm:s5], $0x2780  }
0x1e: {  	_ =	swait.ge [sflag:s15], $0x2780  }
0x1f: {  	[sflag:s15] =	ssyncset.done $0x0  }
0x20: {  	[sflag:s15] =	ssyncadd.s32 $0xFFFFD880  }
0x21: {  	[bflag:$0x0] =	sbarrier.arrive $0xFFFF  }
0x22: {  	s12 =	rddreg [dreg:$0x7]  }
0x23: {  	[tilespmem:s16], [sflag:$0x7] =	stream.linear.gather [hbm4b:s12+s3], $0x80, $0x38;
	[tilespmem:$0x1FF00] =	vst v63  }
0x24: {  	s14 =	rddreg [dreg:$0x8]  }
0x25: {  	[tilespmem:s17], [sflag:$0x8] =	stream.linear.gather [hbm4b:s14+s3], $0x80, $0x38;
	[tilespmem:$0x1FF00] =	vst v63  }
0x26: {  	s6 =	rddreg [dreg:$0x9]  }
0x27: {  	[tilespmem:s18], [sflag:$0x9] =	stream.linear.gather [hbm4b:s6+s3], $0x80, $0x38;
	[tilespmem:$0x1FF00] =	vst v63  }
0x28: {  	s10 =	rddreg [dreg:$0xa]  }
0x29: {  	[tilespmem:s19], [sflag:$0xA] =	stream.linear.gather [hbm4b:s10+s3], $0x80, $0x38;
	[tilespmem:$0x1FF00] =	vst v63  }
0x2a: {  	s12 =	rddreg [dreg:$0xb]  }
0x2b: {  	[tilespmem:s20], [sflag:$0xB] =	stream.linear.gather [hbm4b:s12+s3], $0x80, $0x38;
	[tilespmem:$0x1FF00] =	vst v63  }
0x2c: {  	_ =	swait.ge [sflag:s21], $0x80  }
0x2d: {  	[sflag:s21] =	ssyncset.done $0x0  }
0x2e: {  	[sflag:s21] =	ssyncadd.s32 $0xFFFFFF80  }
0x2f: {  	[tilespmem:s23], [sflag:$0x1] =	stream.indirect.gather [hbm4b:s13+s22], $0x80, s16, s22, $0xb8;
	[tilespmem:$0x1FF00] =	vst v63  }
0x30: {  	_ =	swait.ge [sflag:s24], $0x80  }
0x31: {  	[sflag:s24] =	ssyncset.done $0x0  }
0x32: {  	[sflag:s24] =	ssyncadd.s32 $0xFFFFFF80  }
0x33: {  	[tilespmem:s25], [sflag:$0x2] =	stream.indirect.gather [hbm4b:s13+s22], $0x80, s17, s22, $0xb8;
	[tilespmem:$0x1FF00] =	vst v63  }
0x34: {  	_ =	swait.ge [sflag:s26], $0x4000  }
0x35: {  	s14 =	rddreg [dreg:$0x3]  }
0x36: {  	[sflag:s26] =	ssyncset.done $0x0;
	s6 =	sadd.s32 $0x0, s14  }
0x37: {  	[sflag:s26] =	ssyncadd.s32 $0xFFFFC000;
	s10 =	sadd.s32 $0x30, s6  }
0x38: {  	[tilespmem:s16], [sflag:$0x7] =	stream.linear.gather [hbm4b:s10+s3], $0x80, $0x38;
	[tilespmem:$0x1FF00] =	vst v63  }
0x39: {  	_ =	swait.ge [sflag:s28], $0x80  }
0x3a: {  	p0 =	por $0x1, $0x1;
	[sflag:s28] =	ssyncset.done $0x0  }
0x3b: {  	s10 =	simm.s32 @!p0 $0x6;
	[sflag:s28] =	ssyncadd.s32 $0xFFFFFF80  }
0x3c: {  	[spmem:s2] =	stream.indirect.scatter.add.f32 [tilespmem:s23], [sflag:$0x4], $0x80, s19, s22, $0xb8;
	[tilespmem:$0x1FF00] =	vst v63  }
0x3d: {  	_ =	swait.ge @!p0 [sflag:s10], $0x4000  }
0x3e: {  	s12 =	rddreg [dreg:$0x4]  }
0x3f: {  	[sflag:s10] =	ssyncset.done @!p0 $0x0;
	s12 =	sadd.s32 $0x0, s12  }
0x40: {  	[sflag:s10] =	ssyncadd.s32 @!p0 $0xFFFFC000;
	s5 =	sadd.s32 $0x20, s12  }
0x41: {  	[tilespmem:s29], [sflag:$0xC] =	stream.linear.gather [hbm4b:s5+s3], $0x80, $0x38;
	[tilespmem:$0x1FF00] =	vst v63  }
0x42: {  	_ =	swait.ge [sflag:s30], $0x80  }
0x43: {  	[sflag:s30] =	ssyncset.done $0x0  }
0x44: {  	[sflag:s30] =	ssyncadd.s32 $0xFFFFFF80  }
0x45: {  	[tilespmem:s31], [sflag:$0x3] =	stream.indirect.gather [hbm4b:s13+s22], $0x80, s18, s22, $0xb8;
	[tilespmem:$0x1FF00] =	vst v63  }
0x46: {  	_ =	swait.ge [sflag:s0], $0x4000  }
0x47: {  	[sflag:s0] =	ssyncset.done $0x0  }
0x48: {  	s14 =	sadd.s32 $0x40, s6;
	[sflag:s0] =	ssyncadd.s32 $0xFFFFC000  }
0x49: {  	[tilespmem:s17], [sflag:$0x8] =	stream.linear.gather [hbm4b:s14+s3], $0x80, $0x38;
	[tilespmem:$0x1FF00] =	vst v63  }
0x4a: {  	_ =	swait.ge [sflag:s1], $0x80  }
0x4b: {  	[sflag:s1] =	ssyncset.done $0x0  }
0x4c: {  	[sflag:s1] =	ssyncadd.s32 $0xFFFFFF80  }
0x4d: {  	[spmem:s2] =	stream.indirect.scatter.add.f32 [tilespmem:s25], [sflag:$0x5], $0x80, s20, s22, $0xb8;
	[tilespmem:$0x1FF00] =	vst v63  }
0x4e: {  	_ =	swait.ge [sflag:s4], $0x4000  }
0x4f: {  	[sflag:s4] =	ssyncset.done $0x0  }
0x50: {  	s5 =	sadd.s32 $0x30, s12;
	[sflag:s4] =	ssyncadd.s32 $0xFFFFC000  }
0x51: {  	[tilespmem:s19], [sflag:$0xA] =	stream.linear.gather [hbm4b:s5+s3], $0x80, $0x38;
	[tilespmem:$0x1FF00] =	vst v63  }
0x52: {  	_ =	swait.ge [sflag:s21], $0x80  }
0x53: {  	[sflag:s21] =	ssyncset.done $0x0  }
0x54: {  	[sflag:s21] =	ssyncadd.s32 $0xFFFFFF80  }
0x55: {  	[tilespmem:s23], [sflag:$0x1] =	stream.indirect.gather [hbm4b:s13+s22], $0x80, s16, s22, $0xb8;
	[tilespmem:$0x1FF00] =	vst v63  }
0x56: {  	_ =	swait.ge [sflag:s7], $0x4000  }
0x57: {  	[sflag:s7] =	ssyncset.done $0x0  }
0x58: {  	s6 =	sadd.s32 $0x50, s6;
	[sflag:s7] =	ssyncadd.s32 $0xFFFFC000  }
0x59: {  	[tilespmem:s18], [sflag:$0x9] =	stream.linear.gather [hbm4b:s6+s3], $0x80, $0x38;
	[tilespmem:$0x1FF00] =	vst v63  }
0x5a: {  	_ =	swait.ge [sflag:s8], $0x80  }
0x5b: {  	[sflag:s8] =	ssyncset.done $0x0  }
0x5c: {  	[sflag:s8] =	ssyncadd.s32 $0xFFFFFF80  }
0x5d: {  	[spmem:s2] =	stream.indirect.scatter.add.f32 [tilespmem:s31], [sflag:$0x6], $0x80, s29, s22, $0xb8;
	[tilespmem:$0x1FF00] =	vst v63  }
0x5e: {  	_ =	swait.ge [sflag:s9], $0x4000  }
0x5f: {  	[sflag:s9] =	ssyncset.done $0x0  }
0x60: {  	s14 =	sadd.s32 $0x40, s12;
	[sflag:s9] =	ssyncadd.s32 $0xFFFFC000  }
0x61: {  	[tilespmem:s20], [sflag:$0xB] =	stream.linear.gather [hbm4b:s14+s3], $0x80, $0x38;
	[tilespmem:$0x1FF00] =	vst v63  }
0x62: {  	_ =	swait.ge [sflag:s24], $0x80  }
0x63: {  	s12 =	simm.s32 $0x30;
	[sflag:s24] =	ssyncset.done $0x0  }
.LBB2_2:
0x64: {  	[sflag:s24] =	ssyncadd.s32 $0xFFFFFF80  }
0x65: {  	[tilespmem:s25], [sflag:$0x2] =	stream.indirect.gather [hbm4b:s13+s22], $0x80, s17, s22, $0xb8;
	[tilespmem:$0x1FF00] =	vst v63  }
0x66: {  	_ =	swait.ge [sflag:s26], $0x4000  }
0x67: {  	s10 =	smov.u32 s12;
	s6 =	rddreg [dreg:$0x3]  }
0x68: {  	[sflag:s26] =	ssyncset.done $0x0;
	s6 =	sadd.s32 s10, s6  }
0x69: {  	[sflag:s26] =	ssyncadd.s32 $0xFFFFC000;
	s5 =	sadd.s32 $0x30, s6  }
0x6a: {  	[tilespmem:s16], [sflag:$0x7] =	stream.linear.gather [hbm4b:s5+s3], $0x80, $0x38;
	[tilespmem:$0x1FF00] =	vst v63  }
0x6b: {  	_ =	swait.ge [sflag:s28], $0x80  }
0x6c: {  	p1 =	seq.s32 s10, $0x0;
	[sflag:s28] =	ssyncset.done $0x0  }
0x6d: {  	s5 =	simm.s32 @!p1 $0x6;
	[sflag:s28] =	ssyncadd.s32 $0xFFFFFF80  }
0x6e: {  	[spmem:s2] =	stream.indirect.scatter.add.f32 [tilespmem:s23], [sflag:$0x4], $0x80, s19, s22, $0xb8;
	[tilespmem:$0x1FF00] =	vst v63  }
0x6f: {  	_ =	swait.ge @!p1 [sflag:s5], $0x4000  }
0x70: {  	s14 =	rddreg [dreg:$0x4]  }
0x71: {  	[sflag:s5] =	ssyncset.done @!p1 $0x0;
	s10 =	sadd.s32 s10, s14  }
0x72: {  	[sflag:s5] =	ssyncadd.s32 @!p1 $0xFFFFC000;
	s14 =	sadd.s32 $0x20, s10  }
0x73: {  	[tilespmem:s29], [sflag:$0xC] =	stream.linear.gather [hbm4b:s14+s3], $0x80, $0x38;
	[tilespmem:$0x1FF00] =	vst v63  }
0x74: {  	_ =	swait.ge [sflag:s30], $0x80  }
0x75: {  	[sflag:s30] =	ssyncset.done $0x0  }
0x76: {  	[sflag:s30] =	ssyncadd.s32 $0xFFFFFF80  }
0x77: {  	[tilespmem:s31], [sflag:$0x3] =	stream.indirect.gather [hbm4b:s13+s22], $0x80, s18, s22, $0xb8;
	[tilespmem:$0x1FF00] =	vst v63  }
0x78: {  	_ =	swait.ge [sflag:s0], $0x4000  }
0x79: {  	[sflag:s0] =	ssyncset.done $0x0  }
0x7a: {  	s14 =	sadd.s32 $0x40, s6;
	[sflag:s0] =	ssyncadd.s32 $0xFFFFC000  }
0x7b: {  	[tilespmem:s17], [sflag:$0x8] =	stream.linear.gather [hbm4b:s14+s3], $0x80, $0x38;
	[tilespmem:$0x1FF00] =	vst v63  }
0x7c: {  	_ =	swait.ge [sflag:s1], $0x80  }
0x7d: {  	[sflag:s1] =	ssyncset.done $0x0  }
0x7e: {  	[sflag:s1] =	ssyncadd.s32 $0xFFFFFF80  }
0x7f: {  	[spmem:s2] =	stream.indirect.scatter.add.f32 [tilespmem:s25], [sflag:$0x5], $0x80, s20, s22, $0xb8;
	[tilespmem:$0x1FF00] =	vst v63  }
0x80: {  	_ =	swait.ge [sflag:s4], $0x4000  }
0x81: {  	[sflag:s4] =	ssyncset.done $0x0  }
0x82: {  	s14 =	sadd.s32 $0x30, s10;
	[sflag:s4] =	ssyncadd.s32 $0xFFFFC000  }
0x83: {  	[tilespmem:s19], [sflag:$0xA] =	stream.linear.gather [hbm4b:s14+s3], $0x80, $0x38;
	[tilespmem:$0x1FF00] =	vst v63  }
0x84: {  	_ =	swait.ge [sflag:s21], $0x80  }
0x85: {  	[sflag:s21] =	ssyncset.done $0x0  }
0x86: {  	[sflag:s21] =	ssyncadd.s32 $0xFFFFFF80  }
0x87: {  	[tilespmem:s23], [sflag:$0x1] =	stream.indirect.gather [hbm4b:s13+s22], $0x80, s16, s22, $0xb8;
	[tilespmem:$0x1FF00] =	vst v63  }
0x88: {  	_ =	swait.ge [sflag:s7], $0x4000  }
0x89: {  	[sflag:s7] =	ssyncset.done $0x0  }
0x8a: {  	s6 =	sadd.s32 $0x50, s6;
	[sflag:s7] =	ssyncadd.s32 $0xFFFFC000  }
0x8b: {  	[tilespmem:s18], [sflag:$0x9] =	stream.linear.gather [hbm4b:s6+s3], $0x80, $0x38;
	[tilespmem:$0x1FF00] =	vst v63  }
0x8c: {  	_ =	swait.ge [sflag:s8], $0x80  }
0x8d: {  	[sflag:s8] =	ssyncset.done $0x0  }
0x8e: {  	s12 =	sadd.s32 $0x30, s12;
	[sflag:s8] =	ssyncadd.s32 $0xFFFFFF80  }
0x8f: {  	[spmem:s2] =	stream.indirect.scatter.add.f32 [tilespmem:s31], [sflag:$0x6], $0x80, s29, s22, $0xb8;
	[tilespmem:$0x1FF00] =	vst v63  }
0x90: {  	p0 =	sne.s32 s12, $0xA20;
	_ =	swait.ge [sflag:s9], $0x4000  }
.Ltmp0:
0x91: {  	[sflag:s9] =	ssyncset.done $0x0;
	(pc) =	sbr.rel @p0 .LBB2_2-.Ltmp0, $4  }
0x92: {  	s14 =	sadd.s32 $0x40, s10;
	[sflag:s9] =	ssyncadd.s32 $0xFFFFC000  }
0x93: {  	[tilespmem:s20], [sflag:$0xB] =	stream.linear.gather [hbm4b:s14+s3], $0x80, $0x38;
	[tilespmem:$0x1FF00] =	vst v63  }
0x94: {  	_ =	swait.ge [sflag:s24], $0x80  }
0x95: {  	[sflag:s24] =	ssyncset.done $0x0  }
0x96: {  	[sflag:s24] =	ssyncadd.s32 $0xFFFFFF80  }
0x97: {  	[tilespmem:s25], [sflag:$0x2] =	stream.indirect.gather [hbm4b:s13+s22], $0x80, s17, s22, $0xb8;
	[tilespmem:$0x1FF00] =	vst v63  }
0x98: {  	_ =	swait.ge [sflag:s26], $0x4000  }
0x99: {  	[sflag:s26] =	ssyncset.done $0x0  }
0x9a: {  	[sflag:s26] =	ssyncadd.s32 $0xFFFFC000  }
0x9b: {  	_ =	swait.ge [sflag:s0], $0x4000  }
0x9c: {  	[sflag:s0] =	ssyncset.done $0x0  }
0x9d: {  	s5 =	simm.s32 $0x6;
	[sflag:s0] =	ssyncadd.s32 $0xFFFFC000  }
0x9e: {  	_ =	swait.ge [sflag:s5], $0x4000  }
0x9f: {  	[sflag:s5] =	ssyncset.done $0x0  }
0xa0: {  	[sflag:s5] =	ssyncadd.s32 $0xFFFFC000  }
0xa1: {  	_ =	swait.ge [sflag:s30], $0x80  }
0xa2: {  	[sflag:s30] =	ssyncset.done $0x0  }
0xa3: {  	[sflag:s30] =	ssyncadd.s32 $0xFFFFFF80  }
0xa4: {  	_ =	swait.ge [sflag:s28], $0x80  }
0xa5: {  	[sflag:s28] =	ssyncset.done $0x0  }
0xa6: {  	[sflag:s28] =	ssyncadd.s32 $0xFFFFFF80  }
0xa7: {  	_ =	swait.ge [sflag:s1], $0x80  }
0xa8: {  	[sflag:s1] =	ssyncset.done $0x0  }
0xa9: {  	[sflag:s1] =	ssyncadd.s32 $0xFFFFFF80  }
0xaa: {  	[bflag:$0x0] =	sbarrier.arrive $0xFFFF  }
0xab: {  	s14 =	rddreg [dreg:$0x6]  }
0xac: {  	s10 =	rddreg [dreg:$0xc]  }
0xad: {  	s6 =	rddreg [dreg:$0xe]  }
0xae: {  	[hbm:s10], [sflag:s14] =	dma.local [spmem:s6], $0x2780  }
0xaf: {  	_ =	swait.ge [sflag:s15], $0x2780  }
0xb0: {  	s11 =	sadd.s32 $0x1, s11;
	s12 =	rddreg [dreg:$0xd]  }
0xb1: {  	p0 =	sne.s32 s11, s12  }
.Ltmp1:
0xb2: {  	_ = 	snop;
	(pc) =	sbr.rel @p0 .LBB2_1-.Ltmp1, $3  }
0xb3: {  	_ =	sdelay $0x1  }
0xb4: {  	[sflag:s15] =	ssyncset.done $0x0  }
0xb5: {  	[sflag:s15] =	ssyncadd.s32 $0xFFFFD880  }
0xb6: {  	_ =	sfence.sel $0x180000  }
0xb7: {  	[bflag:$0x0] =	sbarrier.arrive $0xFFFF  }
0xb8: {  	_ =	strace $0x90000050  }
0xb9: {  	s0 =	stileid.u32;
	[bflag:$0x2] =	sbarrier.arrive $0xFFFF  }
0xba: {  	p0 =	sne.s32 s0, $0x0;
	s0 =	rddreg [dreg:$0x2]  }
0xbb: {  	s0 =	sadd.s32 @!p0 $0x100000, s0  }
0xbc: {  	[sflag:s0] =	ssyncadd.tile.s32 @!p0 $0x1;
	_ =	shalt  }
.Lfunc_end2:
_tile_overlayer_lowered:
.L_overlay_start_2:
0xbd: {  	(tag) =	ssettag $0x2  }
0xbe: {  	s0 =	rddreg [dreg:$0x0];
	s2 =	stileid.u32  }
0xbf: {  	s1 =	rddreg [dreg:$0x1];
	p0 =	sne.s32 s2, $0x0  }
0xc0: {  	s3 =	rddreg [dreg:$0x2];
	[bflag:$0x3] =	sbarrier.arrive $0xFFFF;
	s2 =	simm.s32 @!p0 $0x1C0D  }
0xc1: {  	[timem:s3], [sflag:s2] =	dma.local @!p0 [hbm:s0], s1  }
0xc2: {  	s0 =	simm.s32 @!p0 $0xD  }
0xc3: {  	_ =	swait.ge @!p0 [sflag:s0], s1  }
0xc4: {  	s1 =	ssub.s32 @!p0 $0x0, s1;
	[sflag:s0] =	ssyncset.done @!p0 $0x0  }
0xc5: {  	[sflag:s0] =	ssyncadd.s32 @!p0 s1  }
0xc6: {  	[bflag:$0x3] =	sbarrier.arrive $0xFFFF  }
0xc7: {  	_ =	shalt  }

</sc_bundles>
